<compile_context>
chip_gen: v7x
topology: tpu7x:2x2x1
jax: 0.10.2.dev20260603
libtpu: 0.0.44.dev20260713+nightly
codegen_flags: <defaults>
</compile_context>

<pallas_src>
import functools

import jax
import jax.numpy as jnp
from jax import lax
from jax.experimental import pallas as pl
from jax.experimental.pallas import tpu as pltpu
from jax.experimental.pallas import tpu_sc as plsc

DIM = 64
MARGIN = 9.0
NC = 2
NS = 16
L = 16
NW = NC * NS
CHUNK = 128


def _kge_sc(head_r, rel_r, tail_r, entity_emb, relation_emb, e_bias, r_bias,
            batch):
    bpw = batch // NW
    nchunks = bpw // CHUNK

    mesh = plsc.VectorSubcoreMesh(core_axis_name="c", subcore_axis_name="s")

    @functools.partial(
        pl.kernel,
        mesh=mesh,
        out_type=jax.ShapeDtypeStruct((batch,), jnp.float32),
        compiler_params=pltpu.CompilerParams(
            use_tc_tiling_on_sc=False,
            needs_layout_passes=False,
        ),
        scratch_types=[
            pltpu.VMEM((nchunks, CHUNK), jnp.int32),
            pltpu.VMEM((nchunks, CHUNK), jnp.int32),
            pltpu.VMEM((nchunks, CHUNK), jnp.int32),
            pltpu.VMEM((bpw, DIM), jnp.float32),
            pltpu.VMEM((bpw, DIM), jnp.float32),
            pltpu.VMEM((bpw, DIM), jnp.float32),
            pltpu.VMEM((bpw,), jnp.float32),
            pltpu.VMEM((bpw,), jnp.float32),
            pltpu.VMEM((bpw,), jnp.float32),
            pltpu.VMEM((bpw,), jnp.float32),
            pltpu.SemaphoreType.DMA,
        ],
    )
    def kge(head_hbm, rel_hbm, tail_hbm, ent_hbm, relemb_hbm, eb_hbm, rb_hbm,
            out_hbm, hidx, ridx, tidx, hrow, rrow, trow, hb, rb, tb, outv,
            sem):
        wid = lax.axis_index("s") * NC + lax.axis_index("c")
        base = wid * bpw

        pltpu.sync_copy(head_hbm.at[wid], hidx)
        pltpu.sync_copy(rel_hbm.at[wid], ridx)
        pltpu.sync_copy(tail_hbm.at[wid], tidx)

        copies = []
        for j in range(nchunks):
            rsl = pl.ds(j * CHUNK, CHUNK)
            copies.append(pltpu.async_copy(
                ent_hbm.at[hidx.at[j]], hrow.at[rsl], sem))
            copies.append(pltpu.async_copy(
                relemb_hbm.at[ridx.at[j]], rrow.at[rsl], sem))
            copies.append(pltpu.async_copy(
                ent_hbm.at[tidx.at[j]], trow.at[rsl], sem))
            copies.append(pltpu.async_copy(
                eb_hbm.at[hidx.at[j]], hb.at[rsl], sem))
            copies.append(pltpu.async_copy(
                rb_hbm.at[ridx.at[j]], rb.at[rsl], sem))
            copies.append(pltpu.async_copy(
                eb_hbm.at[tidx.at[j]], tb.at[rsl], sem))
        for c in copies:
            c.wait()

        def group_body(g, carry):
            rows = g * L + lax.iota(jnp.int32, L)
            gsl = pl.ds(g * L, L)
            bias = hb[gsl] + rb[gsl] + tb[gsl]
            l1 = jnp.zeros((L,), jnp.float32)
            for d in range(DIM):
                dv = jnp.full((L,), d, jnp.int32)
                hv = plsc.load_gather(hrow, [rows, dv])
                rv = plsc.load_gather(rrow, [rows, dv])
                tv = plsc.load_gather(trow, [rows, dv])
                l1 = l1 + jnp.abs(hv + rv - tv)
            outv[gsl] = MARGIN - l1 + bias
            return carry

        lax.fori_loop(0, bpw // L, group_body, 0)
        pltpu.sync_copy(outv, out_hbm.at[pl.ds(base, bpw)])

    return kge(head_r, rel_r, tail_r, entity_emb, relation_emb, e_bias,
               r_bias)


def kernel(head, relation, tail, entity_emb, relation_emb, e_bias, r_bias):
    batch = head.shape[0]
    bpw = batch // NW
    nchunks = bpw // CHUNK
    head_r = head.astype(jnp.int32).reshape(NW, nchunks, CHUNK)
    rel_r = relation.astype(jnp.int32).reshape(NW, nchunks, CHUNK)
    tail_r = tail.astype(jnp.int32).reshape(NW, nchunks, CHUNK)
    return _kge_sc(head_r, rel_r, tail_r, entity_emb, relation_emb,
                   e_bias.reshape(-1), r_bias.reshape(-1), batch)

# --- scband reference (transcript-rebuilt; emitter-appended) ---
"""Pipeline reference for scband-kge-36352603193501 (READ-ONLY COPY).

The authoritative reference and input builder live on the scoring server;
editing this copy changes nothing except your own understanding.
"""

import jax, jax.numpy as jnp
import numpy as np

NENTITY = 1000000
NRELATION = 1000
DIM = 64
BATCH = 16384
INIT_SIZE = 0.001
MARGIN = 9.0


def setup_inputs(seed: int = 0) -> dict:
    key = jax.random.key(seed)
    k1, k2, k3, k4, k5, k6, k7 = jax.random.split(key, 7)
    head = jax.random.randint(k1, (BATCH,), 0, NENTITY, dtype=jnp.int64) if jax.config.jax_enable_x64 else jax.random.randint(k1, (BATCH,), 0, NENTITY).astype(jnp.int32)
    relation = jax.random.randint(k2, (BATCH,), 0, NRELATION).astype(head.dtype)
    tail = jax.random.randint(k3, (BATCH,), 0, NENTITY).astype(head.dtype)
    entity_emb = INIT_SIZE * jax.random.normal(k4, (NENTITY, DIM), dtype=jnp.float32)
    relation_emb = INIT_SIZE * jax.random.normal(k5, (NRELATION, DIM), dtype=jnp.float32)
    e_bias = INIT_SIZE * jax.random.normal(k6, (NENTITY, 1), dtype=jnp.float32)
    r_bias = INIT_SIZE * jax.random.normal(k7, (NRELATION, 1), dtype=jnp.float32)
    return {"head": head, "relation": relation, "tail": tail,
            "entity_emb": entity_emb, "relation_emb": relation_emb,
            "e_bias": e_bias, "r_bias": r_bias}


def reference(head, relation, tail, entity_emb, relation_emb, e_bias, r_bias):
    # Embedding lookups (gather rows) -- the core memory-bound op.
    h = jnp.take(entity_emb, head, axis=0)          # [B, D]
    r = jnp.take(relation_emb, relation, axis=0)    # [B, D]
    t = jnp.take(entity_emb, tail, axis=0)          # [B, D]
    hb = jnp.take(e_bias, head, axis=0)[:, 0]       # [B]
    rb = jnp.take(r_bias, relation, axis=0)[:, 0]   # [B]
    tb = jnp.take(e_bias, tail, axis=0)[:, 0]       # [B]
    # TransE-style triple score with additive biases.
    score = MARGIN - jnp.sum(jnp.abs(h + r - t), axis=-1) + hb + rb + tb
    return score

if __name__ == "__main__":
    import jax
    _d = setup_inputs()
    print(jax.jit(kernel)(*tuple(_d.values())))

</pallas_src>

<mosaic_0001>
#map = affine_map<(d0, d1) -> (0, 0, 0)>
#map1 = affine_map<(d0, d1) -> (0, 0)>
#map2 = affine_map<(d0, d1) -> (0)>
module attributes {stable_mosaic.version = 14 : i64} {
  func.func @kge(%arg0: i32, %arg1: i32, %arg2: memref<32x4x128xi32, #tpu.memory_space<hbm>>, %arg3: memref<32x4x128xi32, #tpu.memory_space<hbm>>, %arg4: memref<32x4x128xi32, #tpu.memory_space<hbm>>, %arg5: memref<1000000x64xf32, #tpu.memory_space<hbm>>, %arg6: memref<1000x64xf32, #tpu.memory_space<hbm>>, %arg7: memref<1000000xf32, #tpu.memory_space<hbm>>, %arg8: memref<1000xf32, #tpu.memory_space<hbm>>, %arg9: memref<16384xf32, #tpu.memory_space<hbm>>, %arg10: memref<4x128xi32, #tpu.memory_space<vmem>>, %arg11: memref<4x128xi32, #tpu.memory_space<vmem>>, %arg12: memref<4x128xi32, #tpu.memory_space<vmem>>, %arg13: memref<512x64xf32, #tpu.memory_space<vmem>>, %arg14: memref<512x64xf32, #tpu.memory_space<vmem>>, %arg15: memref<512x64xf32, #tpu.memory_space<vmem>>, %arg16: memref<512xf32, #tpu.memory_space<vmem>>, %arg17: memref<512xf32, #tpu.memory_space<vmem>>, %arg18: memref<512xf32, #tpu.memory_space<vmem>>, %arg19: memref<512xf32, #tpu.memory_space<vmem>>, %arg20: memref<!tpu.dma_semaphore, #tpu.memory_space<semaphore_mem>>) attributes {dimension_semantics = [#tpu.dimension_semantics<core_parallel>, #tpu.dimension_semantics<subcore_parallel>], iteration_bounds = array<i64: 2, 16>, scalar_prefetch = 0 : i64, scratch_operands = 11 : i64, tpu.core_type = #tpu.core_type<sc_vector_subcore>, window_params = [{transform_indices = #map}, {transform_indices = #map}, {transform_indices = #map}, {transform_indices = #map1}, {transform_indices = #map1}, {transform_indices = #map2}, {transform_indices = #map2}, {transform_indices = #map2}]} {
    %mul3A = arith.constant 2 : i32
    %mul3A_0 = arith.muli %arg1, %mul3A : i32
    %add3A = arith.addi %mul3A_0, %arg0 : i32
    %mul3A_1 = arith.constant 512 : i32
    %mul3A_2 = arith.muli %add3A, %mul3A_1 : i32
    "tpu.region"() ({
      %run_scoped3A = tpu.sem_alloc : memref<!tpu.dma_semaphore, #tpu.memory_space<semaphore_mem>>
      %dma_start3A_438 = arith.constant 0 : i32
      %dma_start3A_439 = arith.constant 0 : i32
      %dma_start3A_440 = tpu.memref_slice %arg2[%add3A, %dma_start3A_438, %dma_start3A_439] : memref<32x4x128xi32, #tpu.memory_space<hbm>> -> memref<1x4x128xi32, #tpu.memory_space<hbm>>
      %dma_start3A_441 = tpu.memref_squeeze %dma_start3A_440 : memref<1x4x128xi32, #tpu.memory_space<hbm>> -> memref<4x128xi32, #tpu.memory_space<hbm>>
      %dma_start3A_442 = arith.constant 0 : i32
      %dma_start3A_443 = arith.constant 0 : i32
      %dma_start3A_444 = tpu.memref_slice %arg2[%add3A, %dma_start3A_442, %dma_start3A_443] : memref<32x4x128xi32, #tpu.memory_space<hbm>> -> memref<1x4x128xi32, #tpu.memory_space<hbm>>
      %dma_start3A_445 = tpu.memref_squeeze %dma_start3A_444 : memref<1x4x128xi32, #tpu.memory_space<hbm>> -> memref<4x128xi32, #tpu.memory_space<hbm>>
      tpu.enqueue_dma source(%dma_start3A_445 : memref<4x128xi32, #tpu.memory_space<hbm>>) target(%arg10 : memref<4x128xi32, #tpu.memory_space<vmem>>) target_semaphore(%run_scoped3A : memref<!tpu.dma_semaphore, #tpu.memory_space<semaphore_mem>>)
      %dma_wait3A_446 = arith.constant 0 : i32
      %dma_wait3A_447 = arith.constant 0 : i32
      %dma_wait3A_448 = tpu.memref_slice %arg2[%add3A, %dma_wait3A_446, %dma_wait3A_447] : memref<32x4x128xi32, #tpu.memory_space<hbm>> -> memref<1x4x128xi32, #tpu.memory_space<hbm>>
      %dma_wait3A_449 = tpu.memref_squeeze %dma_wait3A_448 : memref<1x4x128xi32, #tpu.memory_space<hbm>> -> memref<4x128xi32, #tpu.memory_space<hbm>>
      %dma_wait3A_450 = arith.constant 0 : i32
      %dma_wait3A_451 = arith.constant 0 : i32
      %dma_wait3A_452 = tpu.memref_slice %arg2[%add3A, %dma_wait3A_450, %dma_wait3A_451] : memref<32x4x128xi32, #tpu.memory_space<hbm>> -> memref<1x4x128xi32, #tpu.memory_space<hbm>>
      %dma_wait3A_453 = tpu.memref_squeeze %dma_wait3A_452 : memref<1x4x128xi32, #tpu.memory_space<hbm>> -> memref<4x128xi32, #tpu.memory_space<hbm>>
      tpu.wait_dma2 semaphore(%run_scoped3A : memref<!tpu.dma_semaphore, #tpu.memory_space<semaphore_mem>>) src(%dma_wait3A_453 : memref<4x128xi32, #tpu.memory_space<hbm>>) dst(%arg10 : memref<4x128xi32, #tpu.memory_space<vmem>>)
      tpu.yield
    }) : () -> ()
    "tpu.region"() ({
      %run_scoped3A = tpu.sem_alloc : memref<!tpu.dma_semaphore, #tpu.memory_space<semaphore_mem>>
      %dma_start3A_438 = arith.constant 0 : i32
      %dma_start3A_439 = arith.constant 0 : i32
      %dma_start3A_440 = tpu.memref_slice %arg3[%add3A, %dma_start3A_438, %dma_start3A_439] : memref<32x4x128xi32, #tpu.memory_space<hbm>> -> memref<1x4x128xi32, #tpu.memory_space<hbm>>
      %dma_start3A_441 = tpu.memref_squeeze %dma_start3A_440 : memref<1x4x128xi32, #tpu.memory_space<hbm>> -> memref<4x128xi32, #tpu.memory_space<hbm>>
      %dma_start3A_442 = arith.constant 0 : i32
      %dma_start3A_443 = arith.constant 0 : i32
      %dma_start3A_444 = tpu.memref_slice %arg3[%add3A, %dma_start3A_442, %dma_start3A_443] : memref<32x4x128xi32, #tpu.memory_space<hbm>> -> memref<1x4x128xi32, #tpu.memory_space<hbm>>
      %dma_start3A_445 = tpu.memref_squeeze %dma_start3A_444 : memref<1x4x128xi32, #tpu.memory_space<hbm>> -> memref<4x128xi32, #tpu.memory_space<hbm>>
      tpu.enqueue_dma source(%dma_start3A_445 : memref<4x128xi32, #tpu.memory_space<hbm>>) target(%arg11 : memref<4x128xi32, #tpu.memory_space<vmem>>) target_semaphore(%run_scoped3A : memref<!tpu.dma_semaphore, #tpu.memory_space<semaphore_mem>>)
      %dma_wait3A_446 = arith.constant 0 : i32
      %dma_wait3A_447 = arith.constant 0 : i32
      %dma_wait3A_448 = tpu.memref_slice %arg3[%add3A, %dma_wait3A_446, %dma_wait3A_447] : memref<32x4x128xi32, #tpu.memory_space<hbm>> -> memref<1x4x128xi32, #tpu.memory_space<hbm>>
      %dma_wait3A_449 = tpu.memref_squeeze %dma_wait3A_448 : memref<1x4x128xi32, #tpu.memory_space<hbm>> -> memref<4x128xi32, #tpu.memory_space<hbm>>
      %dma_wait3A_450 = arith.constant 0 : i32
      %dma_wait3A_451 = arith.constant 0 : i32
      %dma_wait3A_452 = tpu.memref_slice %arg3[%add3A, %dma_wait3A_450, %dma_wait3A_451] : memref<32x4x128xi32, #tpu.memory_space<hbm>> -> memref<1x4x128xi32, #tpu.memory_space<hbm>>
      %dma_wait3A_453 = tpu.memref_squeeze %dma_wait3A_452 : memref<1x4x128xi32, #tpu.memory_space<hbm>> -> memref<4x128xi32, #tpu.memory_space<hbm>>
      tpu.wait_dma2 semaphore(%run_scoped3A : memref<!tpu.dma_semaphore, #tpu.memory_space<semaphore_mem>>) src(%dma_wait3A_453 : memref<4x128xi32, #tpu.memory_space<hbm>>) dst(%arg11 : memref<4x128xi32, #tpu.memory_space<vmem>>)
      tpu.yield
    }) : () -> ()
    "tpu.region"() ({
      %run_scoped3A = tpu.sem_alloc : memref<!tpu.dma_semaphore, #tpu.memory_space<semaphore_mem>>
      %dma_start3A_438 = arith.constant 0 : i32
      %dma_start3A_439 = arith.constant 0 : i32
      %dma_start3A_440 = tpu.memref_slice %arg4[%add3A, %dma_start3A_438, %dma_start3A_439] : memref<32x4x128xi32, #tpu.memory_space<hbm>> -> memref<1x4x128xi32, #tpu.memory_space<hbm>>
      %dma_start3A_441 = tpu.memref_squeeze %dma_start3A_440 : memref<1x4x128xi32, #tpu.memory_space<hbm>> -> memref<4x128xi32, #tpu.memory_space<hbm>>
      %dma_start3A_442 = arith.constant 0 : i32
      %dma_start3A_443 = arith.constant 0 : i32
      %dma_start3A_444 = tpu.memref_slice %arg4[%add3A, %dma_start3A_442, %dma_start3A_443] : memref<32x4x128xi32, #tpu.memory_space<hbm>> -> memref<1x4x128xi32, #tpu.memory_space<hbm>>
      %dma_start3A_445 = tpu.memref_squeeze %dma_start3A_444 : memref<1x4x128xi32, #tpu.memory_space<hbm>> -> memref<4x128xi32, #tpu.memory_space<hbm>>
      tpu.enqueue_dma source(%dma_start3A_445 : memref<4x128xi32, #tpu.memory_space<hbm>>) target(%arg12 : memref<4x128xi32, #tpu.memory_space<vmem>>) target_semaphore(%run_scoped3A : memref<!tpu.dma_semaphore, #tpu.memory_space<semaphore_mem>>)
      %dma_wait3A_446 = arith.constant 0 : i32
      %dma_wait3A_447 = arith.constant 0 : i32
      %dma_wait3A_448 = tpu.memref_slice %arg4[%add3A, %dma_wait3A_446, %dma_wait3A_447] : memref<32x4x128xi32, #tpu.memory_space<hbm>> -> memref<1x4x128xi32, #tpu.memory_space<hbm>>
      %dma_wait3A_449 = tpu.memref_squeeze %dma_wait3A_448 : memref<1x4x128xi32, #tpu.memory_space<hbm>> -> memref<4x128xi32, #tpu.memory_space<hbm>>
      %dma_wait3A_450 = arith.constant 0 : i32
      %dma_wait3A_451 = arith.constant 0 : i32
      %dma_wait3A_452 = tpu.memref_slice %arg4[%add3A, %dma_wait3A_450, %dma_wait3A_451] : memref<32x4x128xi32, #tpu.memory_space<hbm>> -> memref<1x4x128xi32, #tpu.memory_space<hbm>>
      %dma_wait3A_453 = tpu.memref_squeeze %dma_wait3A_452 : memref<1x4x128xi32, #tpu.memory_space<hbm>> -> memref<4x128xi32, #tpu.memory_space<hbm>>
      tpu.wait_dma2 semaphore(%run_scoped3A : memref<!tpu.dma_semaphore, #tpu.memory_space<semaphore_mem>>) src(%dma_wait3A_453 : memref<4x128xi32, #tpu.memory_space<hbm>>) dst(%arg12 : memref<4x128xi32, #tpu.memory_space<vmem>>)
      tpu.yield
    }) : () -> ()
    %dma_start3A = arith.constant 0 : i32
    %dma_start3A_3 = arith.constant 0 : i32
    %dma_start3A_4 = arith.constant 0 : i32
    %dma_start3A_5 = tpu.memref_slice %arg13[%dma_start3A_3, %dma_start3A_4] : memref<512x64xf32, #tpu.memory_space<vmem>> -> memref<128x64xf32, #tpu.memory_space<vmem>>
    %dma_start3A_6 = arith.constant 0 : i32
    %dma_start3A_7 = tpu.memref_slice %arg10[%dma_start3A, %dma_start3A_6] : memref<4x128xi32, #tpu.memory_space<vmem>> -> memref<1x128xi32, #tpu.memory_space<vmem>>
    %dma_start3A_8 = tpu.memref_squeeze %dma_start3A_7 : memref<1x128xi32, #tpu.memory_space<vmem>> -> memref<128xi32, #tpu.memory_space<vmem>>
    %dma_start3A_9 = arith.constant 0 : i32
    %dma_start3A_10 = arith.constant 0 : i32
    %dma_start3A_11 = tpu.memref_slice %arg5[%dma_start3A_9, %dma_start3A_10] : memref<1000000x64xf32, #tpu.memory_space<hbm>> -> memref<1000000x64xf32, #tpu.memory_space<hbm>>
    tpu.enqueue_indirect_dma source(%dma_start3A_11 : memref<1000000x64xf32, #tpu.memory_space<hbm>>) target(%dma_start3A_5 : memref<128x64xf32, #tpu.memory_space<vmem>>) offsets(%dma_start3A_8 : memref<128xi32, #tpu.memory_space<vmem>>) semaphore(%arg20 : memref<!tpu.dma_semaphore, #tpu.memory_space<semaphore_mem>>)
    %dma_start3A_12 = arith.constant 0 : i32
    %dma_start3A_13 = arith.constant 0 : i32
    %dma_start3A_14 = arith.constant 0 : i32
    %dma_start3A_15 = tpu.memref_slice %arg14[%dma_start3A_13, %dma_start3A_14] : memref<512x64xf32, #tpu.memory_space<vmem>> -> memref<128x64xf32, #tpu.memory_space<vmem>>
    %dma_start3A_16 = arith.constant 0 : i32
    %dma_start3A_17 = tpu.memref_slice %arg11[%dma_start3A_12, %dma_start3A_16] : memref<4x128xi32, #tpu.memory_space<vmem>> -> memref<1x128xi32, #tpu.memory_space<vmem>>
    %dma_start3A_18 = tpu.memref_squeeze %dma_start3A_17 : memref<1x128xi32, #tpu.memory_space<vmem>> -> memref<128xi32, #tpu.memory_space<vmem>>
    %dma_start3A_19 = arith.constant 0 : i32
    %dma_start3A_20 = arith.constant 0 : i32
    %dma_start3A_21 = tpu.memref_slice %arg6[%dma_start3A_19, %dma_start3A_20] : memref<1000x64xf32, #tpu.memory_space<hbm>> -> memref<1000x64xf32, #tpu.memory_space<hbm>>
    tpu.enqueue_indirect_dma source(%dma_start3A_21 : memref<1000x64xf32, #tpu.memory_space<hbm>>) target(%dma_start3A_15 : memref<128x64xf32, #tpu.memory_space<vmem>>) offsets(%dma_start3A_18 : memref<128xi32, #tpu.memory_space<vmem>>) semaphore(%arg20 : memref<!tpu.dma_semaphore, #tpu.memory_space<semaphore_mem>>)
    %dma_start3A_22 = arith.constant 0 : i32
    %dma_start3A_23 = arith.constant 0 : i32
    %dma_start3A_24 = arith.constant 0 : i32
    %dma_start3A_25 = tpu.memref_slice %arg15[%dma_start3A_23, %dma_start3A_24] : memref<512x64xf32, #tpu.memory_space<vmem>> -> memref<128x64xf32, #tpu.memory_space<vmem>>
    %dma_start3A_26 = arith.constant 0 : i32
    %dma_start3A_27 = tpu.memref_slice %arg12[%dma_start3A_22, %dma_start3A_26] : memref<4x128xi32, #tpu.memory_space<vmem>> -> memref<1x128xi32, #tpu.memory_space<vmem>>
    %dma_start3A_28 = tpu.memref_squeeze %dma_start3A_27 : memref<1x128xi32, #tpu.memory_space<vmem>> -> memref<128xi32, #tpu.memory_space<vmem>>
    %dma_start3A_29 = arith.constant 0 : i32
    %dma_start3A_30 = arith.constant 0 : i32
    %dma_start3A_31 = tpu.memref_slice %arg5[%dma_start3A_29, %dma_start3A_30] : memref<1000000x64xf32, #tpu.memory_space<hbm>> -> memref<1000000x64xf32, #tpu.memory_space<hbm>>
    tpu.enqueue_indirect_dma source(%dma_start3A_31 : memref<1000000x64xf32, #tpu.memory_space<hbm>>) target(%dma_start3A_25 : memref<128x64xf32, #tpu.memory_space<vmem>>) offsets(%dma_start3A_28 : memref<128xi32, #tpu.memory_space<vmem>>) semaphore(%arg20 : memref<!tpu.dma_semaphore, #tpu.memory_space<semaphore_mem>>)
    %dma_start3A_32 = arith.constant 0 : i32
    %dma_start3A_33 = arith.constant 0 : i32
    %dma_start3A_34 = tpu.memref_slice %arg16[%dma_start3A_33] : memref<512xf32, #tpu.memory_space<vmem>> -> memref<128xf32, #tpu.memory_space<vmem>>
    %dma_start3A_35 = arith.constant 0 : i32
    %dma_start3A_36 = tpu.memref_slice %arg10[%dma_start3A_32, %dma_start3A_35] : memref<4x128xi32, #tpu.memory_space<vmem>> -> memref<1x128xi32, #tpu.memory_space<vmem>>
    %dma_start3A_37 = tpu.memref_squeeze %dma_start3A_36 : memref<1x128xi32, #tpu.memory_space<vmem>> -> memref<128xi32, #tpu.memory_space<vmem>>
    %dma_start3A_38 = arith.constant 0 : i32
    %dma_start3A_39 = tpu.memref_slice %arg7[%dma_start3A_38] : memref<1000000xf32, #tpu.memory_space<hbm>> -> memref<1000000xf32, #tpu.memory_space<hbm>>
    tpu.enqueue_indirect_dma source(%dma_start3A_39 : memref<1000000xf32, #tpu.memory_space<hbm>>) target(%dma_start3A_34 : memref<128xf32, #tpu.memory_space<vmem>>) offsets(%dma_start3A_37 : memref<128xi32, #tpu.memory_space<vmem>>) semaphore(%arg20 : memref<!tpu.dma_semaphore, #tpu.memory_space<semaphore_mem>>)
    %dma_start3A_40 = arith.constant 0 : i32
    %dma_start3A_41 = arith.constant 0 : i32
    %dma_start3A_42 = tpu.memref_slice %arg17[%dma_start3A_41] : memref<512xf32, #tpu.memory_space<vmem>> -> memref<128xf32, #tpu.memory_space<vmem>>
    %dma_start3A_43 = arith.constant 0 : i32
    %dma_start3A_44 = tpu.memref_slice %arg11[%dma_start3A_40, %dma_start3A_43] : memref<4x128xi32, #tpu.memory_space<vmem>> -> memref<1x128xi32, #tpu.memory_space<vmem>>
    %dma_start3A_45 = tpu.memref_squeeze %dma_start3A_44 : memref<1x128xi32, #tpu.memory_space<vmem>> -> memref<128xi32, #tpu.memory_space<vmem>>
    %dma_start3A_46 = arith.constant 0 : i32
    %dma_start3A_47 = tpu.memref_slice %arg8[%dma_start3A_46] : memref<1000xf32, #tpu.memory_space<hbm>> -> memref<1000xf32, #tpu.memory_space<hbm>>
    tpu.enqueue_indirect_dma source(%dma_start3A_47 : memref<1000xf32, #tpu.memory_space<hbm>>) target(%dma_start3A_42 : memref<128xf32, #tpu.memory_space<vmem>>) offsets(%dma_start3A_45 : memref<128xi32, #tpu.memory_space<vmem>>) semaphore(%arg20 : memref<!tpu.dma_semaphore, #tpu.memory_space<semaphore_mem>>)
    %dma_start3A_48 = arith.constant 0 : i32
    %dma_start3A_49 = arith.constant 0 : i32
    %dma_start3A_50 = tpu.memref_slice %arg18[%dma_start3A_49] : memref<512xf32, #tpu.memory_space<vmem>> -> memref<128xf32, #tpu.memory_space<vmem>>
    %dma_start3A_51 = arith.constant 0 : i32
    %dma_start3A_52 = tpu.memref_slice %arg12[%dma_start3A_48, %dma_start3A_51] : memref<4x128xi32, #tpu.memory_space<vmem>> -> memref<1x128xi32, #tpu.memory_space<vmem>>
    %dma_start3A_53 = tpu.memref_squeeze %dma_start3A_52 : memref<1x128xi32, #tpu.memory_space<vmem>> -> memref<128xi32, #tpu.memory_space<vmem>>
    %dma_start3A_54 = arith.constant 0 : i32
    %dma_start3A_55 = tpu.memref_slice %arg7[%dma_start3A_54] : memref<1000000xf32, #tpu.memory_space<hbm>> -> memref<1000000xf32, #tpu.memory_space<hbm>>
    tpu.enqueue_indirect_dma source(%dma_start3A_55 : memref<1000000xf32, #tpu.memory_space<hbm>>) target(%dma_start3A_50 : memref<128xf32, #tpu.memory_space<vmem>>) offsets(%dma_start3A_53 : memref<128xi32, #tpu.memory_space<vmem>>) semaphore(%arg20 : memref<!tpu.dma_semaphore, #tpu.memory_space<semaphore_mem>>)
    %dma_start3A_56 = arith.constant 1 : i32
    %dma_start3A_57 = arith.constant 128 : i32
    %dma_start3A_58 = arith.constant 0 : i32
    %dma_start3A_59 = tpu.memref_slice %arg13[%dma_start3A_57, %dma_start3A_58] : memref<512x64xf32, #tpu.memory_space<vmem>> -> memref<128x64xf32, #tpu.memory_space<vmem>>
    %dma_start3A_60 = arith.constant 0 : i32
    %dma_start3A_61 = tpu.memref_slice %arg10[%dma_start3A_56, %dma_start3A_60] : memref<4x128xi32, #tpu.memory_space<vmem>> -> memref<1x128xi32, #tpu.memory_space<vmem>>
    %dma_start3A_62 = tpu.memref_squeeze %dma_start3A_61 : memref<1x128xi32, #tpu.memory_space<vmem>> -> memref<128xi32, #tpu.memory_space<vmem>>
    %dma_start3A_63 = arith.constant 0 : i32
    %dma_start3A_64 = arith.constant 0 : i32
    %dma_start3A_65 = tpu.memref_slice %arg5[%dma_start3A_63, %dma_start3A_64] : memref<1000000x64xf32, #tpu.memory_space<hbm>> -> memref<1000000x64xf32, #tpu.memory_space<hbm>>
    tpu.enqueue_indirect_dma source(%dma_start3A_65 : memref<1000000x64xf32, #tpu.memory_space<hbm>>) target(%dma_start3A_59 : memref<128x64xf32, #tpu.memory_space<vmem>>) offsets(%dma_start3A_62 : memref<128xi32, #tpu.memory_space<vmem>>) semaphore(%arg20 : memref<!tpu.dma_semaphore, #tpu.memory_space<semaphore_mem>>)
    %dma_start3A_66 = arith.constant 1 : i32
    %dma_start3A_67 = arith.constant 128 : i32
    %dma_start3A_68 = arith.constant 0 : i32
    %dma_start3A_69 = tpu.memref_slice %arg14[%dma_start3A_67, %dma_start3A_68] : memref<512x64xf32, #tpu.memory_space<vmem>> -> memref<128x64xf32, #tpu.memory_space<vmem>>
    %dma_start3A_70 = arith.constant 0 : i32
    %dma_start3A_71 = tpu.memref_slice %arg11[%dma_start3A_66, %dma_start3A_70] : memref<4x128xi32, #tpu.memory_space<vmem>> -> memref<1x128xi32, #tpu.memory_space<vmem>>
    %dma_start3A_72 = tpu.memref_squeeze %dma_start3A_71 : memref<1x128xi32, #tpu.memory_space<vmem>> -> memref<128xi32, #tpu.memory_space<vmem>>
    %dma_start3A_73 = arith.constant 0 : i32
    %dma_start3A_74 = arith.constant 0 : i32
    %dma_start3A_75 = tpu.memref_slice %arg6[%dma_start3A_73, %dma_start3A_74] : memref<1000x64xf32, #tpu.memory_space<hbm>> -> memref<1000x64xf32, #tpu.memory_space<hbm>>
    tpu.enqueue_indirect_dma source(%dma_start3A_75 : memref<1000x64xf32, #tpu.memory_space<hbm>>) target(%dma_start3A_69 : memref<128x64xf32, #tpu.memory_space<vmem>>) offsets(%dma_start3A_72 : memref<128xi32, #tpu.memory_space<vmem>>) semaphore(%arg20 : memref<!tpu.dma_semaphore, #tpu.memory_space<semaphore_mem>>)
    %dma_start3A_76 = arith.constant 1 : i32
    %dma_start3A_77 = arith.constant 128 : i32
    %dma_start3A_78 = arith.constant 0 : i32
    %dma_start3A_79 = tpu.memref_slice %arg15[%dma_start3A_77, %dma_start3A_78] : memref<512x64xf32, #tpu.memory_space<vmem>> -> memref<128x64xf32, #tpu.memory_space<vmem>>
    %dma_start3A_80 = arith.constant 0 : i32
    %dma_start3A_81 = tpu.memref_slice %arg12[%dma_start3A_76, %dma_start3A_80] : memref<4x128xi32, #tpu.memory_space<vmem>> -> memref<1x128xi32, #tpu.memory_space<vmem>>
    %dma_start3A_82 = tpu.memref_squeeze %dma_start3A_81 : memref<1x128xi32, #tpu.memory_space<vmem>> -> memref<128xi32, #tpu.memory_space<vmem>>
    %dma_start3A_83 = arith.constant 0 : i32
    %dma_start3A_84 = arith.constant 0 : i32
    %dma_start3A_85 = tpu.memref_slice %arg5[%dma_start3A_83, %dma_start3A_84] : memref<1000000x64xf32, #tpu.memory_space<hbm>> -> memref<1000000x64xf32, #tpu.memory_space<hbm>>
    tpu.enqueue_indirect_dma source(%dma_start3A_85 : memref<1000000x64xf32, #tpu.memory_space<hbm>>) target(%dma_start3A_79 : memref<128x64xf32, #tpu.memory_space<vmem>>) offsets(%dma_start3A_82 : memref<128xi32, #tpu.memory_space<vmem>>) semaphore(%arg20 : memref<!tpu.dma_semaphore, #tpu.memory_space<semaphore_mem>>)
    %dma_start3A_86 = arith.constant 1 : i32
    %dma_start3A_87 = arith.constant 128 : i32
    %dma_start3A_88 = tpu.memref_slice %arg16[%dma_start3A_87] : memref<512xf32, #tpu.memory_space<vmem>> -> memref<128xf32, #tpu.memory_space<vmem>>
    %dma_start3A_89 = arith.constant 0 : i32
    %dma_start3A_90 = tpu.memref_slice %arg10[%dma_start3A_86, %dma_start3A_89] : memref<4x128xi32, #tpu.memory_space<vmem>> -> memref<1x128xi32, #tpu.memory_space<vmem>>
    %dma_start3A_91 = tpu.memref_squeeze %dma_start3A_90 : memref<1x128xi32, #tpu.memory_space<vmem>> -> memref<128xi32, #tpu.memory_space<vmem>>
    %dma_start3A_92 = arith.constant 0 : i32
    %dma_start3A_93 = tpu.memref_slice %arg7[%dma_start3A_92] : memref<1000000xf32, #tpu.memory_space<hbm>> -> memref<1000000xf32, #tpu.memory_space<hbm>>
    tpu.enqueue_indirect_dma source(%dma_start3A_93 : memref<1000000xf32, #tpu.memory_space<hbm>>) target(%dma_start3A_88 : memref<128xf32, #tpu.memory_space<vmem>>) offsets(%dma_start3A_91 : memref<128xi32, #tpu.memory_space<vmem>>) semaphore(%arg20 : memref<!tpu.dma_semaphore, #tpu.memory_space<semaphore_mem>>)
    %dma_start3A_94 = arith.constant 1 : i32
    %dma_start3A_95 = arith.constant 128 : i32
    %dma_start3A_96 = tpu.memref_slice %arg17[%dma_start3A_95] : memref<512xf32, #tpu.memory_space<vmem>> -> memref<128xf32, #tpu.memory_space<vmem>>
    %dma_start3A_97 = arith.constant 0 : i32
    %dma_start3A_98 = tpu.memref_slice %arg11[%dma_start3A_94, %dma_start3A_97] : memref<4x128xi32, #tpu.memory_space<vmem>> -> memref<1x128xi32, #tpu.memory_space<vmem>>
    %dma_start3A_99 = tpu.memref_squeeze %dma_start3A_98 : memref<1x128xi32, #tpu.memory_space<vmem>> -> memref<128xi32, #tpu.memory_space<vmem>>
    %dma_start3A_100 = arith.constant 0 : i32
    %dma_start3A_101 = tpu.memref_slice %arg8[%dma_start3A_100] : memref<1000xf32, #tpu.memory_space<hbm>> -> memref<1000xf32, #tpu.memory_space<hbm>>
    tpu.enqueue_indirect_dma source(%dma_start3A_101 : memref<1000xf32, #tpu.memory_space<hbm>>) target(%dma_start3A_96 : memref<128xf32, #tpu.memory_space<vmem>>) offsets(%dma_start3A_99 : memref<128xi32, #tpu.memory_space<vmem>>) semaphore(%arg20 : memref<!tpu.dma_semaphore, #tpu.memory_space<semaphore_mem>>)
    %dma_start3A_102 = arith.constant 1 : i32
    %dma_start3A_103 = arith.constant 128 : i32
    %dma_start3A_104 = tpu.memref_slice %arg18[%dma_start3A_103] : memref<512xf32, #tpu.memory_space<vmem>> -> memref<128xf32, #tpu.memory_space<vmem>>
    %dma_start3A_105 = arith.constant 0 : i32
    %dma_start3A_106 = tpu.memref_slice %arg12[%dma_start3A_102, %dma_start3A_105] : memref<4x128xi32, #tpu.memory_space<vmem>> -> memref<1x128xi32, #tpu.memory_space<vmem>>
    %dma_start3A_107 = tpu.memref_squeeze %dma_start3A_106 : memref<1x128xi32, #tpu.memory_space<vmem>> -> memref<128xi32, #tpu.memory_space<vmem>>
    %dma_start3A_108 = arith.constant 0 : i32
    %dma_start3A_109 = tpu.memref_slice %arg7[%dma_start3A_108] : memref<1000000xf32, #tpu.memory_space<hbm>> -> memref<1000000xf32, #tpu.memory_space<hbm>>
    tpu.enqueue_indirect_dma source(%dma_start3A_109 : memref<1000000xf32, #tpu.memory_space<hbm>>) target(%dma_start3A_104 : memref<128xf32, #tpu.memory_space<vmem>>) offsets(%dma_start3A_107 : memref<128xi32, #tpu.memory_space<vmem>>) semaphore(%arg20 : memref<!tpu.dma_semaphore, #tpu.memory_space<semaphore_mem>>)
    %dma_start3A_110 = arith.constant 2 : i32
    %dma_start3A_111 = arith.constant 256 : i32
    %dma_start3A_112 = arith.constant 0 : i32
    %dma_start3A_113 = tpu.memref_slice %arg13[%dma_start3A_111, %dma_start3A_112] : memref<512x64xf32, #tpu.memory_space<vmem>> -> memref<128x64xf32, #tpu.memory_space<vmem>>
    %dma_start3A_114 = arith.constant 0 : i32
    %dma_start3A_115 = tpu.memref_slice %arg10[%dma_start3A_110, %dma_start3A_114] : memref<4x128xi32, #tpu.memory_space<vmem>> -> memref<1x128xi32, #tpu.memory_space<vmem>>
    %dma_start3A_116 = tpu.memref_squeeze %dma_start3A_115 : memref<1x128xi32, #tpu.memory_space<vmem>> -> memref<128xi32, #tpu.memory_space<vmem>>
    %dma_start3A_117 = arith.constant 0 : i32
    %dma_start3A_118 = arith.constant 0 : i32
    %dma_start3A_119 = tpu.memref_slice %arg5[%dma_start3A_117, %dma_start3A_118] : memref<1000000x64xf32, #tpu.memory_space<hbm>> -> memref<1000000x64xf32, #tpu.memory_space<hbm>>
    tpu.enqueue_indirect_dma source(%dma_start3A_119 : memref<1000000x64xf32, #tpu.memory_space<hbm>>) target(%dma_start3A_113 : memref<128x64xf32, #tpu.memory_space<vmem>>) offsets(%dma_start3A_116 : memref<128xi32, #tpu.memory_space<vmem>>) semaphore(%arg20 : memref<!tpu.dma_semaphore, #tpu.memory_space<semaphore_mem>>)
    %dma_start3A_120 = arith.constant 2 : i32
    %dma_start3A_121 = arith.constant 256 : i32
    %dma_start3A_122 = arith.constant 0 : i32
    %dma_start3A_123 = tpu.memref_slice %arg14[%dma_start3A_121, %dma_start3A_122] : memref<512x64xf32, #tpu.memory_space<vmem>> -> memref<128x64xf32, #tpu.memory_space<vmem>>
    %dma_start3A_124 = arith.constant 0 : i32
    %dma_start3A_125 = tpu.memref_slice %arg11[%dma_start3A_120, %dma_start3A_124] : memref<4x128xi32, #tpu.memory_space<vmem>> -> memref<1x128xi32, #tpu.memory_space<vmem>>
    %dma_start3A_126 = tpu.memref_squeeze %dma_start3A_125 : memref<1x128xi32, #tpu.memory_space<vmem>> -> memref<128xi32, #tpu.memory_space<vmem>>
    %dma_start3A_127 = arith.constant 0 : i32
    %dma_start3A_128 = arith.constant 0 : i32
    %dma_start3A_129 = tpu.memref_slice %arg6[%dma_start3A_127, %dma_start3A_128] : memref<1000x64xf32, #tpu.memory_space<hbm>> -> memref<1000x64xf32, #tpu.memory_space<hbm>>
    tpu.enqueue_indirect_dma source(%dma_start3A_129 : memref<1000x64xf32, #tpu.memory_space<hbm>>) target(%dma_start3A_123 : memref<128x64xf32, #tpu.memory_space<vmem>>) offsets(%dma_start3A_126 : memref<128xi32, #tpu.memory_space<vmem>>) semaphore(%arg20 : memref<!tpu.dma_semaphore, #tpu.memory_space<semaphore_mem>>)
    %dma_start3A_130 = arith.constant 2 : i32
    %dma_start3A_131 = arith.constant 256 : i32
    %dma_start3A_132 = arith.constant 0 : i32
    %dma_start3A_133 = tpu.memref_slice %arg15[%dma_start3A_131, %dma_start3A_132] : memref<512x64xf32, #tpu.memory_space<vmem>> -> memref<128x64xf32, #tpu.memory_space<vmem>>
    %dma_start3A_134 = arith.constant 0 : i32
    %dma_start3A_135 = tpu.memref_slice %arg12[%dma_start3A_130, %dma_start3A_134] : memref<4x128xi32, #tpu.memory_space<vmem>> -> memref<1x128xi32, #tpu.memory_space<vmem>>
    %dma_start3A_136 = tpu.memref_squeeze %dma_start3A_135 : memref<1x128xi32, #tpu.memory_space<vmem>> -> memref<128xi32, #tpu.memory_space<vmem>>
    %dma_start3A_137 = arith.constant 0 : i32
    %dma_start3A_138 = arith.constant 0 : i32
    %dma_start3A_139 = tpu.memref_slice %arg5[%dma_start3A_137, %dma_start3A_138] : memref<1000000x64xf32, #tpu.memory_space<hbm>> -> memref<1000000x64xf32, #tpu.memory_space<hbm>>
    tpu.enqueue_indirect_dma source(%dma_start3A_139 : memref<1000000x64xf32, #tpu.memory_space<hbm>>) target(%dma_start3A_133 : memref<128x64xf32, #tpu.memory_space<vmem>>) offsets(%dma_start3A_136 : memref<128xi32, #tpu.memory_space<vmem>>) semaphore(%arg20 : memref<!tpu.dma_semaphore, #tpu.memory_space<semaphore_mem>>)
    %dma_start3A_140 = arith.constant 2 : i32
    %dma_start3A_141 = arith.constant 256 : i32
    %dma_start3A_142 = tpu.memref_slice %arg16[%dma_start3A_141] : memref<512xf32, #tpu.memory_space<vmem>> -> memref<128xf32, #tpu.memory_space<vmem>>
    %dma_start3A_143 = arith.constant 0 : i32
    %dma_start3A_144 = tpu.memref_slice %arg10[%dma_start3A_140, %dma_start3A_143] : memref<4x128xi32, #tpu.memory_space<vmem>> -> memref<1x128xi32, #tpu.memory_space<vmem>>
    %dma_start3A_145 = tpu.memref_squeeze %dma_start3A_144 : memref<1x128xi32, #tpu.memory_space<vmem>> -> memref<128xi32, #tpu.memory_space<vmem>>
    %dma_start3A_146 = arith.constant 0 : i32
    %dma_start3A_147 = tpu.memref_slice %arg7[%dma_start3A_146] : memref<1000000xf32, #tpu.memory_space<hbm>> -> memref<1000000xf32, #tpu.memory_space<hbm>>
    tpu.enqueue_indirect_dma source(%dma_start3A_147 : memref<1000000xf32, #tpu.memory_space<hbm>>) target(%dma_start3A_142 : memref<128xf32, #tpu.memory_space<vmem>>) offsets(%dma_start3A_145 : memref<128xi32, #tpu.memory_space<vmem>>) semaphore(%arg20 : memref<!tpu.dma_semaphore, #tpu.memory_space<semaphore_mem>>)
    %dma_start3A_148 = arith.constant 2 : i32
    %dma_start3A_149 = arith.constant 256 : i32
    %dma_start3A_150 = tpu.memref_slice %arg17[%dma_start3A_149] : memref<512xf32, #tpu.memory_space<vmem>> -> memref<128xf32, #tpu.memory_space<vmem>>
    %dma_start3A_151 = arith.constant 0 : i32
    %dma_start3A_152 = tpu.memref_slice %arg11[%dma_start3A_148, %dma_start3A_151] : memref<4x128xi32, #tpu.memory_space<vmem>> -> memref<1x128xi32, #tpu.memory_space<vmem>>
    %dma_start3A_153 = tpu.memref_squeeze %dma_start3A_152 : memref<1x128xi32, #tpu.memory_space<vmem>> -> memref<128xi32, #tpu.memory_space<vmem>>
    %dma_start3A_154 = arith.constant 0 : i32
    %dma_start3A_155 = tpu.memref_slice %arg8[%dma_start3A_154] : memref<1000xf32, #tpu.memory_space<hbm>> -> memref<1000xf32, #tpu.memory_space<hbm>>
    tpu.enqueue_indirect_dma source(%dma_start3A_155 : memref<1000xf32, #tpu.memory_space<hbm>>) target(%dma_start3A_150 : memref<128xf32, #tpu.memory_space<vmem>>) offsets(%dma_start3A_153 : memref<128xi32, #tpu.memory_space<vmem>>) semaphore(%arg20 : memref<!tpu.dma_semaphore, #tpu.memory_space<semaphore_mem>>)
    %dma_start3A_156 = arith.constant 2 : i32
    %dma_start3A_157 = arith.constant 256 : i32
    %dma_start3A_158 = tpu.memref_slice %arg18[%dma_start3A_157] : memref<512xf32, #tpu.memory_space<vmem>> -> memref<128xf32, #tpu.memory_space<vmem>>
    %dma_start3A_159 = arith.constant 0 : i32
    %dma_start3A_160 = tpu.memref_slice %arg12[%dma_start3A_156, %dma_start3A_159] : memref<4x128xi32, #tpu.memory_space<vmem>> -> memref<1x128xi32, #tpu.memory_space<vmem>>
    %dma_start3A_161 = tpu.memref_squeeze %dma_start3A_160 : memref<1x128xi32, #tpu.memory_space<vmem>> -> memref<128xi32, #tpu.memory_space<vmem>>
    %dma_start3A_162 = arith.constant 0 : i32
    %dma_start3A_163 = tpu.memref_slice %arg7[%dma_start3A_162] : memref<1000000xf32, #tpu.memory_space<hbm>> -> memref<1000000xf32, #tpu.memory_space<hbm>>
    tpu.enqueue_indirect_dma source(%dma_start3A_163 : memref<1000000xf32, #tpu.memory_space<hbm>>) target(%dma_start3A_158 : memref<128xf32, #tpu.memory_space<vmem>>) offsets(%dma_start3A_161 : memref<128xi32, #tpu.memory_space<vmem>>) semaphore(%arg20 : memref<!tpu.dma_semaphore, #tpu.memory_space<semaphore_mem>>)
    %dma_start3A_164 = arith.constant 3 : i32
    %dma_start3A_165 = arith.constant 384 : i32
    %dma_start3A_166 = arith.constant 0 : i32
    %dma_start3A_167 = tpu.memref_slice %arg13[%dma_start3A_165, %dma_start3A_166] : memref<512x64xf32, #tpu.memory_space<vmem>> -> memref<128x64xf32, #tpu.memory_space<vmem>>
    %dma_start3A_168 = arith.constant 0 : i32
    %dma_start3A_169 = tpu.memref_slice %arg10[%dma_start3A_164, %dma_start3A_168] : memref<4x128xi32, #tpu.memory_space<vmem>> -> memref<1x128xi32, #tpu.memory_space<vmem>>
    %dma_start3A_170 = tpu.memref_squeeze %dma_start3A_169 : memref<1x128xi32, #tpu.memory_space<vmem>> -> memref<128xi32, #tpu.memory_space<vmem>>
    %dma_start3A_171 = arith.constant 0 : i32
    %dma_start3A_172 = arith.constant 0 : i32
    %dma_start3A_173 = tpu.memref_slice %arg5[%dma_start3A_171, %dma_start3A_172] : memref<1000000x64xf32, #tpu.memory_space<hbm>> -> memref<1000000x64xf32, #tpu.memory_space<hbm>>
    tpu.enqueue_indirect_dma source(%dma_start3A_173 : memref<1000000x64xf32, #tpu.memory_space<hbm>>) target(%dma_start3A_167 : memref<128x64xf32, #tpu.memory_space<vmem>>) offsets(%dma_start3A_170 : memref<128xi32, #tpu.memory_space<vmem>>) semaphore(%arg20 : memref<!tpu.dma_semaphore, #tpu.memory_space<semaphore_mem>>)
    %dma_start3A_174 = arith.constant 3 : i32
    %dma_start3A_175 = arith.constant 384 : i32
    %dma_start3A_176 = arith.constant 0 : i32
    %dma_start3A_177 = tpu.memref_slice %arg14[%dma_start3A_175, %dma_start3A_176] : memref<512x64xf32, #tpu.memory_space<vmem>> -> memref<128x64xf32, #tpu.memory_space<vmem>>
    %dma_start3A_178 = arith.constant 0 : i32
    %dma_start3A_179 = tpu.memref_slice %arg11[%dma_start3A_174, %dma_start3A_178] : memref<4x128xi32, #tpu.memory_space<vmem>> -> memref<1x128xi32, #tpu.memory_space<vmem>>
    %dma_start3A_180 = tpu.memref_squeeze %dma_start3A_179 : memref<1x128xi32, #tpu.memory_space<vmem>> -> memref<128xi32, #tpu.memory_space<vmem>>
    %dma_start3A_181 = arith.constant 0 : i32
    %dma_start3A_182 = arith.constant 0 : i32
    %dma_start3A_183 = tpu.memref_slice %arg6[%dma_start3A_181, %dma_start3A_182] : memref<1000x64xf32, #tpu.memory_space<hbm>> -> memref<1000x64xf32, #tpu.memory_space<hbm>>
    tpu.enqueue_indirect_dma source(%dma_start3A_183 : memref<1000x64xf32, #tpu.memory_space<hbm>>) target(%dma_start3A_177 : memref<128x64xf32, #tpu.memory_space<vmem>>) offsets(%dma_start3A_180 : memref<128xi32, #tpu.memory_space<vmem>>) semaphore(%arg20 : memref<!tpu.dma_semaphore, #tpu.memory_space<semaphore_mem>>)
    %dma_start3A_184 = arith.constant 3 : i32
    %dma_start3A_185 = arith.constant 384 : i32
    %dma_start3A_186 = arith.constant 0 : i32
    %dma_start3A_187 = tpu.memref_slice %arg15[%dma_start3A_185, %dma_start3A_186] : memref<512x64xf32, #tpu.memory_space<vmem>> -> memref<128x64xf32, #tpu.memory_space<vmem>>
    %dma_start3A_188 = arith.constant 0 : i32
    %dma_start3A_189 = tpu.memref_slice %arg12[%dma_start3A_184, %dma_start3A_188] : memref<4x128xi32, #tpu.memory_space<vmem>> -> memref<1x128xi32, #tpu.memory_space<vmem>>
    %dma_start3A_190 = tpu.memref_squeeze %dma_start3A_189 : memref<1x128xi32, #tpu.memory_space<vmem>> -> memref<128xi32, #tpu.memory_space<vmem>>
    %dma_start3A_191 = arith.constant 0 : i32
    %dma_start3A_192 = arith.constant 0 : i32
    %dma_start3A_193 = tpu.memref_slice %arg5[%dma_start3A_191, %dma_start3A_192] : memref<1000000x64xf32, #tpu.memory_space<hbm>> -> memref<1000000x64xf32, #tpu.memory_space<hbm>>
    tpu.enqueue_indirect_dma source(%dma_start3A_193 : memref<1000000x64xf32, #tpu.memory_space<hbm>>) target(%dma_start3A_187 : memref<128x64xf32, #tpu.memory_space<vmem>>) offsets(%dma_start3A_190 : memref<128xi32, #tpu.memory_space<vmem>>) semaphore(%arg20 : memref<!tpu.dma_semaphore, #tpu.memory_space<semaphore_mem>>)
    %dma_start3A_194 = arith.constant 3 : i32
    %dma_start3A_195 = arith.constant 384 : i32
    %dma_start3A_196 = tpu.memref_slice %arg16[%dma_start3A_195] : memref<512xf32, #tpu.memory_space<vmem>> -> memref<128xf32, #tpu.memory_space<vmem>>
    %dma_start3A_197 = arith.constant 0 : i32
    %dma_start3A_198 = tpu.memref_slice %arg10[%dma_start3A_194, %dma_start3A_197] : memref<4x128xi32, #tpu.memory_space<vmem>> -> memref<1x128xi32, #tpu.memory_space<vmem>>
    %dma_start3A_199 = tpu.memref_squeeze %dma_start3A_198 : memref<1x128xi32, #tpu.memory_space<vmem>> -> memref<128xi32, #tpu.memory_space<vmem>>
    %dma_start3A_200 = arith.constant 0 : i32
    %dma_start3A_201 = tpu.memref_slice %arg7[%dma_start3A_200] : memref<1000000xf32, #tpu.memory_space<hbm>> -> memref<1000000xf32, #tpu.memory_space<hbm>>
    tpu.enqueue_indirect_dma source(%dma_start3A_201 : memref<1000000xf32, #tpu.memory_space<hbm>>) target(%dma_start3A_196 : memref<128xf32, #tpu.memory_space<vmem>>) offsets(%dma_start3A_199 : memref<128xi32, #tpu.memory_space<vmem>>) semaphore(%arg20 : memref<!tpu.dma_semaphore, #tpu.memory_space<semaphore_mem>>)
    %dma_start3A_202 = arith.constant 3 : i32
    %dma_start3A_203 = arith.constant 384 : i32
    %dma_start3A_204 = tpu.memref_slice %arg17[%dma_start3A_203] : memref<512xf32, #tpu.memory_space<vmem>> -> memref<128xf32, #tpu.memory_space<vmem>>
    %dma_start3A_205 = arith.constant 0 : i32
    %dma_start3A_206 = tpu.memref_slice %arg11[%dma_start3A_202, %dma_start3A_205] : memref<4x128xi32, #tpu.memory_space<vmem>> -> memref<1x128xi32, #tpu.memory_space<vmem>>
    %dma_start3A_207 = tpu.memref_squeeze %dma_start3A_206 : memref<1x128xi32, #tpu.memory_space<vmem>> -> memref<128xi32, #tpu.memory_space<vmem>>
    %dma_start3A_208 = arith.constant 0 : i32
    %dma_start3A_209 = tpu.memref_slice %arg8[%dma_start3A_208] : memref<1000xf32, #tpu.memory_space<hbm>> -> memref<1000xf32, #tpu.memory_space<hbm>>
    tpu.enqueue_indirect_dma source(%dma_start3A_209 : memref<1000xf32, #tpu.memory_space<hbm>>) target(%dma_start3A_204 : memref<128xf32, #tpu.memory_space<vmem>>) offsets(%dma_start3A_207 : memref<128xi32, #tpu.memory_space<vmem>>) semaphore(%arg20 : memref<!tpu.dma_semaphore, #tpu.memory_space<semaphore_mem>>)
    %dma_start3A_210 = arith.constant 3 : i32
    %dma_start3A_211 = arith.constant 384 : i32
    %dma_start3A_212 = tpu.memref_slice %arg18[%dma_start3A_211] : memref<512xf32, #tpu.memory_space<vmem>> -> memref<128xf32, #tpu.memory_space<vmem>>
    %dma_start3A_213 = arith.constant 0 : i32
    %dma_start3A_214 = tpu.memref_slice %arg12[%dma_start3A_210, %dma_start3A_213] : memref<4x128xi32, #tpu.memory_space<vmem>> -> memref<1x128xi32, #tpu.memory_space<vmem>>
    %dma_start3A_215 = tpu.memref_squeeze %dma_start3A_214 : memref<1x128xi32, #tpu.memory_space<vmem>> -> memref<128xi32, #tpu.memory_space<vmem>>
    %dma_start3A_216 = arith.constant 0 : i32
    %dma_start3A_217 = tpu.memref_slice %arg7[%dma_start3A_216] : memref<1000000xf32, #tpu.memory_space<hbm>> -> memref<1000000xf32, #tpu.memory_space<hbm>>
    tpu.enqueue_indirect_dma source(%dma_start3A_217 : memref<1000000xf32, #tpu.memory_space<hbm>>) target(%dma_start3A_212 : memref<128xf32, #tpu.memory_space<vmem>>) offsets(%dma_start3A_215 : memref<128xi32, #tpu.memory_space<vmem>>) semaphore(%arg20 : memref<!tpu.dma_semaphore, #tpu.memory_space<semaphore_mem>>)
    %dma_wait3A = arith.constant 0 : i32
    %dma_wait3A_218 = arith.constant 0 : i32
    %dma_wait3A_219 = arith.constant 0 : i32
    %dma_wait3A_220 = tpu.memref_slice %arg13[%dma_wait3A_218, %dma_wait3A_219] : memref<512x64xf32, #tpu.memory_space<vmem>> -> memref<128x64xf32, #tpu.memory_space<vmem>>
    %dma_wait3A_221 = arith.constant 0 : i32
    %dma_wait3A_222 = tpu.memref_slice %arg10[%dma_wait3A, %dma_wait3A_221] : memref<4x128xi32, #tpu.memory_space<vmem>> -> memref<1x128xi32, #tpu.memory_space<vmem>>
    %dma_wait3A_223 = tpu.memref_squeeze %dma_wait3A_222 : memref<1x128xi32, #tpu.memory_space<vmem>> -> memref<128xi32, #tpu.memory_space<vmem>>
    %dma_wait3A_224 = arith.constant 0 : i32
    %dma_wait3A_225 = arith.constant 0 : i32
    %dma_wait3A_226 = tpu.memref_slice %arg5[%dma_wait3A_224, %dma_wait3A_225] : memref<1000000x64xf32, #tpu.memory_space<hbm>> -> memref<1000000x64xf32, #tpu.memory_space<hbm>>
    tpu.wait_indirect_dma semaphore(%arg20 : memref<!tpu.dma_semaphore, #tpu.memory_space<semaphore_mem>>) src(%dma_wait3A_226 : memref<1000000x64xf32, #tpu.memory_space<hbm>>) dst(%dma_wait3A_220 : memref<128x64xf32, #tpu.memory_space<vmem>>)
    %dma_wait3A_227 = arith.constant 0 : i32
    %dma_wait3A_228 = arith.constant 0 : i32
    %dma_wait3A_229 = arith.constant 0 : i32
    %dma_wait3A_230 = tpu.memref_slice %arg14[%dma_wait3A_228, %dma_wait3A_229] : memref<512x64xf32, #tpu.memory_space<vmem>> -> memref<128x64xf32, #tpu.memory_space<vmem>>
    %dma_wait3A_231 = arith.constant 0 : i32
    %dma_wait3A_232 = tpu.memref_slice %arg11[%dma_wait3A_227, %dma_wait3A_231] : memref<4x128xi32, #tpu.memory_space<vmem>> -> memref<1x128xi32, #tpu.memory_space<vmem>>
    %dma_wait3A_233 = tpu.memref_squeeze %dma_wait3A_232 : memref<1x128xi32, #tpu.memory_space<vmem>> -> memref<128xi32, #tpu.memory_space<vmem>>
    %dma_wait3A_234 = arith.constant 0 : i32
    %dma_wait3A_235 = arith.constant 0 : i32
    %dma_wait3A_236 = tpu.memref_slice %arg6[%dma_wait3A_234, %dma_wait3A_235] : memref<1000x64xf32, #tpu.memory_space<hbm>> -> memref<1000x64xf32, #tpu.memory_space<hbm>>
    tpu.wait_indirect_dma semaphore(%arg20 : memref<!tpu.dma_semaphore, #tpu.memory_space<semaphore_mem>>) src(%dma_wait3A_236 : memref<1000x64xf32, #tpu.memory_space<hbm>>) dst(%dma_wait3A_230 : memref<128x64xf32, #tpu.memory_space<vmem>>)
    %dma_wait3A_237 = arith.constant 0 : i32
    %dma_wait3A_238 = arith.constant 0 : i32
    %dma_wait3A_239 = arith.constant 0 : i32
    %dma_wait3A_240 = tpu.memref_slice %arg15[%dma_wait3A_238, %dma_wait3A_239] : memref<512x64xf32, #tpu.memory_space<vmem>> -> memref<128x64xf32, #tpu.memory_space<vmem>>
    %dma_wait3A_241 = arith.constant 0 : i32
    %dma_wait3A_242 = tpu.memref_slice %arg12[%dma_wait3A_237, %dma_wait3A_241] : memref<4x128xi32, #tpu.memory_space<vmem>> -> memref<1x128xi32, #tpu.memory_space<vmem>>
    %dma_wait3A_243 = tpu.memref_squeeze %dma_wait3A_242 : memref<1x128xi32, #tpu.memory_space<vmem>> -> memref<128xi32, #tpu.memory_space<vmem>>
    %dma_wait3A_244 = arith.constant 0 : i32
    %dma_wait3A_245 = arith.constant 0 : i32
    %dma_wait3A_246 = tpu.memref_slice %arg5[%dma_wait3A_244, %dma_wait3A_245] : memref<1000000x64xf32, #tpu.memory_space<hbm>> -> memref<1000000x64xf32, #tpu.memory_space<hbm>>
    tpu.wait_indirect_dma semaphore(%arg20 : memref<!tpu.dma_semaphore, #tpu.memory_space<semaphore_mem>>) src(%dma_wait3A_246 : memref<1000000x64xf32, #tpu.memory_space<hbm>>) dst(%dma_wait3A_240 : memref<128x64xf32, #tpu.memory_space<vmem>>)
    %dma_wait3A_247 = arith.constant 0 : i32
    %dma_wait3A_248 = arith.constant 0 : i32
    %dma_wait3A_249 = tpu.memref_slice %arg16[%dma_wait3A_248] : memref<512xf32, #tpu.memory_space<vmem>> -> memref<128xf32, #tpu.memory_space<vmem>>
    %dma_wait3A_250 = arith.constant 0 : i32
    %dma_wait3A_251 = tpu.memref_slice %arg10[%dma_wait3A_247, %dma_wait3A_250] : memref<4x128xi32, #tpu.memory_space<vmem>> -> memref<1x128xi32, #tpu.memory_space<vmem>>
    %dma_wait3A_252 = tpu.memref_squeeze %dma_wait3A_251 : memref<1x128xi32, #tpu.memory_space<vmem>> -> memref<128xi32, #tpu.memory_space<vmem>>
    %dma_wait3A_253 = arith.constant 0 : i32
    %dma_wait3A_254 = tpu.memref_slice %arg7[%dma_wait3A_253] : memref<1000000xf32, #tpu.memory_space<hbm>> -> memref<1000000xf32, #tpu.memory_space<hbm>>
    tpu.wait_indirect_dma semaphore(%arg20 : memref<!tpu.dma_semaphore, #tpu.memory_space<semaphore_mem>>) src(%dma_wait3A_254 : memref<1000000xf32, #tpu.memory_space<hbm>>) dst(%dma_wait3A_249 : memref<128xf32, #tpu.memory_space<vmem>>)
    %dma_wait3A_255 = arith.constant 0 : i32
    %dma_wait3A_256 = arith.constant 0 : i32
    %dma_wait3A_257 = tpu.memref_slice %arg17[%dma_wait3A_256] : memref<512xf32, #tpu.memory_space<vmem>> -> memref<128xf32, #tpu.memory_space<vmem>>
    %dma_wait3A_258 = arith.constant 0 : i32
    %dma_wait3A_259 = tpu.memref_slice %arg11[%dma_wait3A_255, %dma_wait3A_258] : memref<4x128xi32, #tpu.memory_space<vmem>> -> memref<1x128xi32, #tpu.memory_space<vmem>>
    %dma_wait3A_260 = tpu.memref_squeeze %dma_wait3A_259 : memref<1x128xi32, #tpu.memory_space<vmem>> -> memref<128xi32, #tpu.memory_space<vmem>>
    %dma_wait3A_261 = arith.constant 0 : i32
    %dma_wait3A_262 = tpu.memref_slice %arg8[%dma_wait3A_261] : memref<1000xf32, #tpu.memory_space<hbm>> -> memref<1000xf32, #tpu.memory_space<hbm>>
    tpu.wait_indirect_dma semaphore(%arg20 : memref<!tpu.dma_semaphore, #tpu.memory_space<semaphore_mem>>) src(%dma_wait3A_262 : memref<1000xf32, #tpu.memory_space<hbm>>) dst(%dma_wait3A_257 : memref<128xf32, #tpu.memory_space<vmem>>)
    %dma_wait3A_263 = arith.constant 0 : i32
    %dma_wait3A_264 = arith.constant 0 : i32
    %dma_wait3A_265 = tpu.memref_slice %arg18[%dma_wait3A_264] : memref<512xf32, #tpu.memory_space<vmem>> -> memref<128xf32, #tpu.memory_space<vmem>>
    %dma_wait3A_266 = arith.constant 0 : i32
    %dma_wait3A_267 = tpu.memref_slice %arg12[%dma_wait3A_263, %dma_wait3A_266] : memref<4x128xi32, #tpu.memory_space<vmem>> -> memref<1x128xi32, #tpu.memory_space<vmem>>
    %dma_wait3A_268 = tpu.memref_squeeze %dma_wait3A_267 : memref<1x128xi32, #tpu.memory_space<vmem>> -> memref<128xi32, #tpu.memory_space<vmem>>
    %dma_wait3A_269 = arith.constant 0 : i32
    %dma_wait3A_270 = tpu.memref_slice %arg7[%dma_wait3A_269] : memref<1000000xf32, #tpu.memory_space<hbm>> -> memref<1000000xf32, #tpu.memory_space<hbm>>
    tpu.wait_indirect_dma semaphore(%arg20 : memref<!tpu.dma_semaphore, #tpu.memory_space<semaphore_mem>>) src(%dma_wait3A_270 : memref<1000000xf32, #tpu.memory_space<hbm>>) dst(%dma_wait3A_265 : memref<128xf32, #tpu.memory_space<vmem>>)
    %dma_wait3A_271 = arith.constant 1 : i32
    %dma_wait3A_272 = arith.constant 128 : i32
    %dma_wait3A_273 = arith.constant 0 : i32
    %dma_wait3A_274 = tpu.memref_slice %arg13[%dma_wait3A_272, %dma_wait3A_273] : memref<512x64xf32, #tpu.memory_space<vmem>> -> memref<128x64xf32, #tpu.memory_space<vmem>>
    %dma_wait3A_275 = arith.constant 0 : i32
    %dma_wait3A_276 = tpu.memref_slice %arg10[%dma_wait3A_271, %dma_wait3A_275] : memref<4x128xi32, #tpu.memory_space<vmem>> -> memref<1x128xi32, #tpu.memory_space<vmem>>
    %dma_wait3A_277 = tpu.memref_squeeze %dma_wait3A_276 : memref<1x128xi32, #tpu.memory_space<vmem>> -> memref<128xi32, #tpu.memory_space<vmem>>
    %dma_wait3A_278 = arith.constant 0 : i32
    %dma_wait3A_279 = arith.constant 0 : i32
    %dma_wait3A_280 = tpu.memref_slice %arg5[%dma_wait3A_278, %dma_wait3A_279] : memref<1000000x64xf32, #tpu.memory_space<hbm>> -> memref<1000000x64xf32, #tpu.memory_space<hbm>>
    tpu.wait_indirect_dma semaphore(%arg20 : memref<!tpu.dma_semaphore, #tpu.memory_space<semaphore_mem>>) src(%dma_wait3A_280 : memref<1000000x64xf32, #tpu.memory_space<hbm>>) dst(%dma_wait3A_274 : memref<128x64xf32, #tpu.memory_space<vmem>>)
    %dma_wait3A_281 = arith.constant 1 : i32
    %dma_wait3A_282 = arith.constant 128 : i32
    %dma_wait3A_283 = arith.constant 0 : i32
    %dma_wait3A_284 = tpu.memref_slice %arg14[%dma_wait3A_282, %dma_wait3A_283] : memref<512x64xf32, #tpu.memory_space<vmem>> -> memref<128x64xf32, #tpu.memory_space<vmem>>
    %dma_wait3A_285 = arith.constant 0 : i32
    %dma_wait3A_286 = tpu.memref_slice %arg11[%dma_wait3A_281, %dma_wait3A_285] : memref<4x128xi32, #tpu.memory_space<vmem>> -> memref<1x128xi32, #tpu.memory_space<vmem>>
    %dma_wait3A_287 = tpu.memref_squeeze %dma_wait3A_286 : memref<1x128xi32, #tpu.memory_space<vmem>> -> memref<128xi32, #tpu.memory_space<vmem>>
    %dma_wait3A_288 = arith.constant 0 : i32
    %dma_wait3A_289 = arith.constant 0 : i32
    %dma_wait3A_290 = tpu.memref_slice %arg6[%dma_wait3A_288, %dma_wait3A_289] : memref<1000x64xf32, #tpu.memory_space<hbm>> -> memref<1000x64xf32, #tpu.memory_space<hbm>>
    tpu.wait_indirect_dma semaphore(%arg20 : memref<!tpu.dma_semaphore, #tpu.memory_space<semaphore_mem>>) src(%dma_wait3A_290 : memref<1000x64xf32, #tpu.memory_space<hbm>>) dst(%dma_wait3A_284 : memref<128x64xf32, #tpu.memory_space<vmem>>)
    %dma_wait3A_291 = arith.constant 1 : i32
    %dma_wait3A_292 = arith.constant 128 : i32
    %dma_wait3A_293 = arith.constant 0 : i32
    %dma_wait3A_294 = tpu.memref_slice %arg15[%dma_wait3A_292, %dma_wait3A_293] : memref<512x64xf32, #tpu.memory_space<vmem>> -> memref<128x64xf32, #tpu.memory_space<vmem>>
    %dma_wait3A_295 = arith.constant 0 : i32
    %dma_wait3A_296 = tpu.memref_slice %arg12[%dma_wait3A_291, %dma_wait3A_295] : memref<4x128xi32, #tpu.memory_space<vmem>> -> memref<1x128xi32, #tpu.memory_space<vmem>>
    %dma_wait3A_297 = tpu.memref_squeeze %dma_wait3A_296 : memref<1x128xi32, #tpu.memory_space<vmem>> -> memref<128xi32, #tpu.memory_space<vmem>>
    %dma_wait3A_298 = arith.constant 0 : i32
    %dma_wait3A_299 = arith.constant 0 : i32
    %dma_wait3A_300 = tpu.memref_slice %arg5[%dma_wait3A_298, %dma_wait3A_299] : memref<1000000x64xf32, #tpu.memory_space<hbm>> -> memref<1000000x64xf32, #tpu.memory_space<hbm>>
    tpu.wait_indirect_dma semaphore(%arg20 : memref<!tpu.dma_semaphore, #tpu.memory_space<semaphore_mem>>) src(%dma_wait3A_300 : memref<1000000x64xf32, #tpu.memory_space<hbm>>) dst(%dma_wait3A_294 : memref<128x64xf32, #tpu.memory_space<vmem>>)
    %dma_wait3A_301 = arith.constant 1 : i32
    %dma_wait3A_302 = arith.constant 128 : i32
    %dma_wait3A_303 = tpu.memref_slice %arg16[%dma_wait3A_302] : memref<512xf32, #tpu.memory_space<vmem>> -> memref<128xf32, #tpu.memory_space<vmem>>
    %dma_wait3A_304 = arith.constant 0 : i32
    %dma_wait3A_305 = tpu.memref_slice %arg10[%dma_wait3A_301, %dma_wait3A_304] : memref<4x128xi32, #tpu.memory_space<vmem>> -> memref<1x128xi32, #tpu.memory_space<vmem>>
    %dma_wait3A_306 = tpu.memref_squeeze %dma_wait3A_305 : memref<1x128xi32, #tpu.memory_space<vmem>> -> memref<128xi32, #tpu.memory_space<vmem>>
    %dma_wait3A_307 = arith.constant 0 : i32
    %dma_wait3A_308 = tpu.memref_slice %arg7[%dma_wait3A_307] : memref<1000000xf32, #tpu.memory_space<hbm>> -> memref<1000000xf32, #tpu.memory_space<hbm>>
    tpu.wait_indirect_dma semaphore(%arg20 : memref<!tpu.dma_semaphore, #tpu.memory_space<semaphore_mem>>) src(%dma_wait3A_308 : memref<1000000xf32, #tpu.memory_space<hbm>>) dst(%dma_wait3A_303 : memref<128xf32, #tpu.memory_space<vmem>>)
    %dma_wait3A_309 = arith.constant 1 : i32
    %dma_wait3A_310 = arith.constant 128 : i32
    %dma_wait3A_311 = tpu.memref_slice %arg17[%dma_wait3A_310] : memref<512xf32, #tpu.memory_space<vmem>> -> memref<128xf32, #tpu.memory_space<vmem>>
    %dma_wait3A_312 = arith.constant 0 : i32
    %dma_wait3A_313 = tpu.memref_slice %arg11[%dma_wait3A_309, %dma_wait3A_312] : memref<4x128xi32, #tpu.memory_space<vmem>> -> memref<1x128xi32, #tpu.memory_space<vmem>>
    %dma_wait3A_314 = tpu.memref_squeeze %dma_wait3A_313 : memref<1x128xi32, #tpu.memory_space<vmem>> -> memref<128xi32, #tpu.memory_space<vmem>>
    %dma_wait3A_315 = arith.constant 0 : i32
    %dma_wait3A_316 = tpu.memref_slice %arg8[%dma_wait3A_315] : memref<1000xf32, #tpu.memory_space<hbm>> -> memref<1000xf32, #tpu.memory_space<hbm>>
    tpu.wait_indirect_dma semaphore(%arg20 : memref<!tpu.dma_semaphore, #tpu.memory_space<semaphore_mem>>) src(%dma_wait3A_316 : memref<1000xf32, #tpu.memory_space<hbm>>) dst(%dma_wait3A_311 : memref<128xf32, #tpu.memory_space<vmem>>)
    %dma_wait3A_317 = arith.constant 1 : i32
    %dma_wait3A_318 = arith.constant 128 : i32
    %dma_wait3A_319 = tpu.memref_slice %arg18[%dma_wait3A_318] : memref<512xf32, #tpu.memory_space<vmem>> -> memref<128xf32, #tpu.memory_space<vmem>>
    %dma_wait3A_320 = arith.constant 0 : i32
    %dma_wait3A_321 = tpu.memref_slice %arg12[%dma_wait3A_317, %dma_wait3A_320] : memref<4x128xi32, #tpu.memory_space<vmem>> -> memref<1x128xi32, #tpu.memory_space<vmem>>
    %dma_wait3A_322 = tpu.memref_squeeze %dma_wait3A_321 : memref<1x128xi32, #tpu.memory_space<vmem>> -> memref<128xi32, #tpu.memory_space<vmem>>
    %dma_wait3A_323 = arith.constant 0 : i32
    %dma_wait3A_324 = tpu.memref_slice %arg7[%dma_wait3A_323] : memref<1000000xf32, #tpu.memory_space<hbm>> -> memref<1000000xf32, #tpu.memory_space<hbm>>
    tpu.wait_indirect_dma semaphore(%arg20 : memref<!tpu.dma_semaphore, #tpu.memory_space<semaphore_mem>>) src(%dma_wait3A_324 : memref<1000000xf32, #tpu.memory_space<hbm>>) dst(%dma_wait3A_319 : memref<128xf32, #tpu.memory_space<vmem>>)
    %dma_wait3A_325 = arith.constant 2 : i32
    %dma_wait3A_326 = arith.constant 256 : i32
    %dma_wait3A_327 = arith.constant 0 : i32
    %dma_wait3A_328 = tpu.memref_slice %arg13[%dma_wait3A_326, %dma_wait3A_327] : memref<512x64xf32, #tpu.memory_space<vmem>> -> memref<128x64xf32, #tpu.memory_space<vmem>>
    %dma_wait3A_329 = arith.constant 0 : i32
    %dma_wait3A_330 = tpu.memref_slice %arg10[%dma_wait3A_325, %dma_wait3A_329] : memref<4x128xi32, #tpu.memory_space<vmem>> -> memref<1x128xi32, #tpu.memory_space<vmem>>
    %dma_wait3A_331 = tpu.memref_squeeze %dma_wait3A_330 : memref<1x128xi32, #tpu.memory_space<vmem>> -> memref<128xi32, #tpu.memory_space<vmem>>
    %dma_wait3A_332 = arith.constant 0 : i32
    %dma_wait3A_333 = arith.constant 0 : i32
    %dma_wait3A_334 = tpu.memref_slice %arg5[%dma_wait3A_332, %dma_wait3A_333] : memref<1000000x64xf32, #tpu.memory_space<hbm>> -> memref<1000000x64xf32, #tpu.memory_space<hbm>>
    tpu.wait_indirect_dma semaphore(%arg20 : memref<!tpu.dma_semaphore, #tpu.memory_space<semaphore_mem>>) src(%dma_wait3A_334 : memref<1000000x64xf32, #tpu.memory_space<hbm>>) dst(%dma_wait3A_328 : memref<128x64xf32, #tpu.memory_space<vmem>>)
    %dma_wait3A_335 = arith.constant 2 : i32
    %dma_wait3A_336 = arith.constant 256 : i32
    %dma_wait3A_337 = arith.constant 0 : i32
    %dma_wait3A_338 = tpu.memref_slice %arg14[%dma_wait3A_336, %dma_wait3A_337] : memref<512x64xf32, #tpu.memory_space<vmem>> -> memref<128x64xf32, #tpu.memory_space<vmem>>
    %dma_wait3A_339 = arith.constant 0 : i32
    %dma_wait3A_340 = tpu.memref_slice %arg11[%dma_wait3A_335, %dma_wait3A_339] : memref<4x128xi32, #tpu.memory_space<vmem>> -> memref<1x128xi32, #tpu.memory_space<vmem>>
    %dma_wait3A_341 = tpu.memref_squeeze %dma_wait3A_340 : memref<1x128xi32, #tpu.memory_space<vmem>> -> memref<128xi32, #tpu.memory_space<vmem>>
    %dma_wait3A_342 = arith.constant 0 : i32
    %dma_wait3A_343 = arith.constant 0 : i32
    %dma_wait3A_344 = tpu.memref_slice %arg6[%dma_wait3A_342, %dma_wait3A_343] : memref<1000x64xf32, #tpu.memory_space<hbm>> -> memref<1000x64xf32, #tpu.memory_space<hbm>>
    tpu.wait_indirect_dma semaphore(%arg20 : memref<!tpu.dma_semaphore, #tpu.memory_space<semaphore_mem>>) src(%dma_wait3A_344 : memref<1000x64xf32, #tpu.memory_space<hbm>>) dst(%dma_wait3A_338 : memref<128x64xf32, #tpu.memory_space<vmem>>)
    %dma_wait3A_345 = arith.constant 2 : i32
    %dma_wait3A_346 = arith.constant 256 : i32
    %dma_wait3A_347 = arith.constant 0 : i32
    %dma_wait3A_348 = tpu.memref_slice %arg15[%dma_wait3A_346, %dma_wait3A_347] : memref<512x64xf32, #tpu.memory_space<vmem>> -> memref<128x64xf32, #tpu.memory_space<vmem>>
    %dma_wait3A_349 = arith.constant 0 : i32
    %dma_wait3A_350 = tpu.memref_slice %arg12[%dma_wait3A_345, %dma_wait3A_349] : memref<4x128xi32, #tpu.memory_space<vmem>> -> memref<1x128xi32, #tpu.memory_space<vmem>>
    %dma_wait3A_351 = tpu.memref_squeeze %dma_wait3A_350 : memref<1x128xi32, #tpu.memory_space<vmem>> -> memref<128xi32, #tpu.memory_space<vmem>>
    %dma_wait3A_352 = arith.constant 0 : i32
    %dma_wait3A_353 = arith.constant 0 : i32
    %dma_wait3A_354 = tpu.memref_slice %arg5[%dma_wait3A_352, %dma_wait3A_353] : memref<1000000x64xf32, #tpu.memory_space<hbm>> -> memref<1000000x64xf32, #tpu.memory_space<hbm>>
    tpu.wait_indirect_dma semaphore(%arg20 : memref<!tpu.dma_semaphore, #tpu.memory_space<semaphore_mem>>) src(%dma_wait3A_354 : memref<1000000x64xf32, #tpu.memory_space<hbm>>) dst(%dma_wait3A_348 : memref<128x64xf32, #tpu.memory_space<vmem>>)
    %dma_wait3A_355 = arith.constant 2 : i32
    %dma_wait3A_356 = arith.constant 256 : i32
    %dma_wait3A_357 = tpu.memref_slice %arg16[%dma_wait3A_356] : memref<512xf32, #tpu.memory_space<vmem>> -> memref<128xf32, #tpu.memory_space<vmem>>
    %dma_wait3A_358 = arith.constant 0 : i32
    %dma_wait3A_359 = tpu.memref_slice %arg10[%dma_wait3A_355, %dma_wait3A_358] : memref<4x128xi32, #tpu.memory_space<vmem>> -> memref<1x128xi32, #tpu.memory_space<vmem>>
    %dma_wait3A_360 = tpu.memref_squeeze %dma_wait3A_359 : memref<1x128xi32, #tpu.memory_space<vmem>> -> memref<128xi32, #tpu.memory_space<vmem>>
    %dma_wait3A_361 = arith.constant 0 : i32
    %dma_wait3A_362 = tpu.memref_slice %arg7[%dma_wait3A_361] : memref<1000000xf32, #tpu.memory_space<hbm>> -> memref<1000000xf32, #tpu.memory_space<hbm>>
    tpu.wait_indirect_dma semaphore(%arg20 : memref<!tpu.dma_semaphore, #tpu.memory_space<semaphore_mem>>) src(%dma_wait3A_362 : memref<1000000xf32, #tpu.memory_space<hbm>>) dst(%dma_wait3A_357 : memref<128xf32, #tpu.memory_space<vmem>>)
    %dma_wait3A_363 = arith.constant 2 : i32
    %dma_wait3A_364 = arith.constant 256 : i32
    %dma_wait3A_365 = tpu.memref_slice %arg17[%dma_wait3A_364] : memref<512xf32, #tpu.memory_space<vmem>> -> memref<128xf32, #tpu.memory_space<vmem>>
    %dma_wait3A_366 = arith.constant 0 : i32
    %dma_wait3A_367 = tpu.memref_slice %arg11[%dma_wait3A_363, %dma_wait3A_366] : memref<4x128xi32, #tpu.memory_space<vmem>> -> memref<1x128xi32, #tpu.memory_space<vmem>>
    %dma_wait3A_368 = tpu.memref_squeeze %dma_wait3A_367 : memref<1x128xi32, #tpu.memory_space<vmem>> -> memref<128xi32, #tpu.memory_space<vmem>>
    %dma_wait3A_369 = arith.constant 0 : i32
    %dma_wait3A_370 = tpu.memref_slice %arg8[%dma_wait3A_369] : memref<1000xf32, #tpu.memory_space<hbm>> -> memref<1000xf32, #tpu.memory_space<hbm>>
    tpu.wait_indirect_dma semaphore(%arg20 : memref<!tpu.dma_semaphore, #tpu.memory_space<semaphore_mem>>) src(%dma_wait3A_370 : memref<1000xf32, #tpu.memory_space<hbm>>) dst(%dma_wait3A_365 : memref<128xf32, #tpu.memory_space<vmem>>)
    %dma_wait3A_371 = arith.constant 2 : i32
    %dma_wait3A_372 = arith.constant 256 : i32
    %dma_wait3A_373 = tpu.memref_slice %arg18[%dma_wait3A_372] : memref<512xf32, #tpu.memory_space<vmem>> -> memref<128xf32, #tpu.memory_space<vmem>>
    %dma_wait3A_374 = arith.constant 0 : i32
    %dma_wait3A_375 = tpu.memref_slice %arg12[%dma_wait3A_371, %dma_wait3A_374] : memref<4x128xi32, #tpu.memory_space<vmem>> -> memref<1x128xi32, #tpu.memory_space<vmem>>
    %dma_wait3A_376 = tpu.memref_squeeze %dma_wait3A_375 : memref<1x128xi32, #tpu.memory_space<vmem>> -> memref<128xi32, #tpu.memory_space<vmem>>
    %dma_wait3A_377 = arith.constant 0 : i32
    %dma_wait3A_378 = tpu.memref_slice %arg7[%dma_wait3A_377] : memref<1000000xf32, #tpu.memory_space<hbm>> -> memref<1000000xf32, #tpu.memory_space<hbm>>
    tpu.wait_indirect_dma semaphore(%arg20 : memref<!tpu.dma_semaphore, #tpu.memory_space<semaphore_mem>>) src(%dma_wait3A_378 : memref<1000000xf32, #tpu.memory_space<hbm>>) dst(%dma_wait3A_373 : memref<128xf32, #tpu.memory_space<vmem>>)
    %dma_wait3A_379 = arith.constant 3 : i32
    %dma_wait3A_380 = arith.constant 384 : i32
    %dma_wait3A_381 = arith.constant 0 : i32
    %dma_wait3A_382 = tpu.memref_slice %arg13[%dma_wait3A_380, %dma_wait3A_381] : memref<512x64xf32, #tpu.memory_space<vmem>> -> memref<128x64xf32, #tpu.memory_space<vmem>>
    %dma_wait3A_383 = arith.constant 0 : i32
    %dma_wait3A_384 = tpu.memref_slice %arg10[%dma_wait3A_379, %dma_wait3A_383] : memref<4x128xi32, #tpu.memory_space<vmem>> -> memref<1x128xi32, #tpu.memory_space<vmem>>
    %dma_wait3A_385 = tpu.memref_squeeze %dma_wait3A_384 : memref<1x128xi32, #tpu.memory_space<vmem>> -> memref<128xi32, #tpu.memory_space<vmem>>
    %dma_wait3A_386 = arith.constant 0 : i32
    %dma_wait3A_387 = arith.constant 0 : i32
    %dma_wait3A_388 = tpu.memref_slice %arg5[%dma_wait3A_386, %dma_wait3A_387] : memref<1000000x64xf32, #tpu.memory_space<hbm>> -> memref<1000000x64xf32, #tpu.memory_space<hbm>>
    tpu.wait_indirect_dma semaphore(%arg20 : memref<!tpu.dma_semaphore, #tpu.memory_space<semaphore_mem>>) src(%dma_wait3A_388 : memref<1000000x64xf32, #tpu.memory_space<hbm>>) dst(%dma_wait3A_382 : memref<128x64xf32, #tpu.memory_space<vmem>>)
    %dma_wait3A_389 = arith.constant 3 : i32
    %dma_wait3A_390 = arith.constant 384 : i32
    %dma_wait3A_391 = arith.constant 0 : i32
    %dma_wait3A_392 = tpu.memref_slice %arg14[%dma_wait3A_390, %dma_wait3A_391] : memref<512x64xf32, #tpu.memory_space<vmem>> -> memref<128x64xf32, #tpu.memory_space<vmem>>
    %dma_wait3A_393 = arith.constant 0 : i32
    %dma_wait3A_394 = tpu.memref_slice %arg11[%dma_wait3A_389, %dma_wait3A_393] : memref<4x128xi32, #tpu.memory_space<vmem>> -> memref<1x128xi32, #tpu.memory_space<vmem>>
    %dma_wait3A_395 = tpu.memref_squeeze %dma_wait3A_394 : memref<1x128xi32, #tpu.memory_space<vmem>> -> memref<128xi32, #tpu.memory_space<vmem>>
    %dma_wait3A_396 = arith.constant 0 : i32
    %dma_wait3A_397 = arith.constant 0 : i32
    %dma_wait3A_398 = tpu.memref_slice %arg6[%dma_wait3A_396, %dma_wait3A_397] : memref<1000x64xf32, #tpu.memory_space<hbm>> -> memref<1000x64xf32, #tpu.memory_space<hbm>>
    tpu.wait_indirect_dma semaphore(%arg20 : memref<!tpu.dma_semaphore, #tpu.memory_space<semaphore_mem>>) src(%dma_wait3A_398 : memref<1000x64xf32, #tpu.memory_space<hbm>>) dst(%dma_wait3A_392 : memref<128x64xf32, #tpu.memory_space<vmem>>)
    %dma_wait3A_399 = arith.constant 3 : i32
    %dma_wait3A_400 = arith.constant 384 : i32
    %dma_wait3A_401 = arith.constant 0 : i32
    %dma_wait3A_402 = tpu.memref_slice %arg15[%dma_wait3A_400, %dma_wait3A_401] : memref<512x64xf32, #tpu.memory_space<vmem>> -> memref<128x64xf32, #tpu.memory_space<vmem>>
    %dma_wait3A_403 = arith.constant 0 : i32
    %dma_wait3A_404 = tpu.memref_slice %arg12[%dma_wait3A_399, %dma_wait3A_403] : memref<4x128xi32, #tpu.memory_space<vmem>> -> memref<1x128xi32, #tpu.memory_space<vmem>>
    %dma_wait3A_405 = tpu.memref_squeeze %dma_wait3A_404 : memref<1x128xi32, #tpu.memory_space<vmem>> -> memref<128xi32, #tpu.memory_space<vmem>>
    %dma_wait3A_406 = arith.constant 0 : i32
    %dma_wait3A_407 = arith.constant 0 : i32
    %dma_wait3A_408 = tpu.memref_slice %arg5[%dma_wait3A_406, %dma_wait3A_407] : memref<1000000x64xf32, #tpu.memory_space<hbm>> -> memref<1000000x64xf32, #tpu.memory_space<hbm>>
    tpu.wait_indirect_dma semaphore(%arg20 : memref<!tpu.dma_semaphore, #tpu.memory_space<semaphore_mem>>) src(%dma_wait3A_408 : memref<1000000x64xf32, #tpu.memory_space<hbm>>) dst(%dma_wait3A_402 : memref<128x64xf32, #tpu.memory_space<vmem>>)
    %dma_wait3A_409 = arith.constant 3 : i32
    %dma_wait3A_410 = arith.constant 384 : i32
    %dma_wait3A_411 = tpu.memref_slice %arg16[%dma_wait3A_410] : memref<512xf32, #tpu.memory_space<vmem>> -> memref<128xf32, #tpu.memory_space<vmem>>
    %dma_wait3A_412 = arith.constant 0 : i32
    %dma_wait3A_413 = tpu.memref_slice %arg10[%dma_wait3A_409, %dma_wait3A_412] : memref<4x128xi32, #tpu.memory_space<vmem>> -> memref<1x128xi32, #tpu.memory_space<vmem>>
    %dma_wait3A_414 = tpu.memref_squeeze %dma_wait3A_413 : memref<1x128xi32, #tpu.memory_space<vmem>> -> memref<128xi32, #tpu.memory_space<vmem>>
    %dma_wait3A_415 = arith.constant 0 : i32
    %dma_wait3A_416 = tpu.memref_slice %arg7[%dma_wait3A_415] : memref<1000000xf32, #tpu.memory_space<hbm>> -> memref<1000000xf32, #tpu.memory_space<hbm>>
    tpu.wait_indirect_dma semaphore(%arg20 : memref<!tpu.dma_semaphore, #tpu.memory_space<semaphore_mem>>) src(%dma_wait3A_416 : memref<1000000xf32, #tpu.memory_space<hbm>>) dst(%dma_wait3A_411 : memref<128xf32, #tpu.memory_space<vmem>>)
    %dma_wait3A_417 = arith.constant 3 : i32
    %dma_wait3A_418 = arith.constant 384 : i32
    %dma_wait3A_419 = tpu.memref_slice %arg17[%dma_wait3A_418] : memref<512xf32, #tpu.memory_space<vmem>> -> memref<128xf32, #tpu.memory_space<vmem>>
    %dma_wait3A_420 = arith.constant 0 : i32
    %dma_wait3A_421 = tpu.memref_slice %arg11[%dma_wait3A_417, %dma_wait3A_420] : memref<4x128xi32, #tpu.memory_space<vmem>> -> memref<1x128xi32, #tpu.memory_space<vmem>>
    %dma_wait3A_422 = tpu.memref_squeeze %dma_wait3A_421 : memref<1x128xi32, #tpu.memory_space<vmem>> -> memref<128xi32, #tpu.memory_space<vmem>>
    %dma_wait3A_423 = arith.constant 0 : i32
    %dma_wait3A_424 = tpu.memref_slice %arg8[%dma_wait3A_423] : memref<1000xf32, #tpu.memory_space<hbm>> -> memref<1000xf32, #tpu.memory_space<hbm>>
    tpu.wait_indirect_dma semaphore(%arg20 : memref<!tpu.dma_semaphore, #tpu.memory_space<semaphore_mem>>) src(%dma_wait3A_424 : memref<1000xf32, #tpu.memory_space<hbm>>) dst(%dma_wait3A_419 : memref<128xf32, #tpu.memory_space<vmem>>)
    %dma_wait3A_425 = arith.constant 3 : i32
    %dma_wait3A_426 = arith.constant 384 : i32
    %dma_wait3A_427 = tpu.memref_slice %arg18[%dma_wait3A_426] : memref<512xf32, #tpu.memory_space<vmem>> -> memref<128xf32, #tpu.memory_space<vmem>>
    %dma_wait3A_428 = arith.constant 0 : i32
    %dma_wait3A_429 = tpu.memref_slice %arg12[%dma_wait3A_425, %dma_wait3A_428] : memref<4x128xi32, #tpu.memory_space<vmem>> -> memref<1x128xi32, #tpu.memory_space<vmem>>
    %dma_wait3A_430 = tpu.memref_squeeze %dma_wait3A_429 : memref<1x128xi32, #tpu.memory_space<vmem>> -> memref<128xi32, #tpu.memory_space<vmem>>
    %dma_wait3A_431 = arith.constant 0 : i32
    %dma_wait3A_432 = tpu.memref_slice %arg7[%dma_wait3A_431] : memref<1000000xf32, #tpu.memory_space<hbm>> -> memref<1000000xf32, #tpu.memory_space<hbm>>
    tpu.wait_indirect_dma semaphore(%arg20 : memref<!tpu.dma_semaphore, #tpu.memory_space<semaphore_mem>>) src(%dma_wait3A_432 : memref<1000000xf32, #tpu.memory_space<hbm>>) dst(%dma_wait3A_427 : memref<128xf32, #tpu.memory_space<vmem>>)
    %scan3A = arith.constant 0 : i32
    %scan3A_433 = arith.constant 0 : i32
    %scan3A_434 = arith.constant 32 : i32
    %scan3A_435 = arith.addi %scan3A_433, %scan3A_434 : i32
    %scan3A_436 = arith.constant 1 : i32
    scf.for %scan3A_438 = %scan3A_433 to %scan3A_435 step %scan3A_436  : i32 {
      %mul3A_439 = arith.constant 16 : i32
      %mul3A_440 = arith.muli %scan3A_438, %mul3A_439 : i32
      %iota3A = tpu.iota {dimensions = array<i32: 0>} : vector<16xi32>
      %add3A_441 = vector.broadcast %mul3A_440 : i32 to vector<16xi32>
      %add3A_442 = arith.addi %add3A_441, %iota3A : vector<16xi32>
      %mul3A_443 = arith.constant 16 : i32
      %mul3A_444 = arith.muli %scan3A_438, %mul3A_443 : i32
      %get3A = arith.index_cast %mul3A_444 : i32 to index
      %get3A_445 = tpu.vector_load %arg16[%get3A] {strides = array<i32>} : memref<512xf32, #tpu.memory_space<vmem>>, vector<16xf32>,
      %get3A_446 = arith.index_cast %mul3A_444 : i32 to index
      %get3A_447 = tpu.vector_load %arg17[%get3A_446] {strides = array<i32>} : memref<512xf32, #tpu.memory_space<vmem>>, vector<16xf32>,
      %add3A_448 = arith.addf %get3A_445, %get3A_447 : vector<16xf32>
      %get3A_449 = arith.index_cast %mul3A_444 : i32 to index
      %get3A_450 = tpu.vector_load %arg18[%get3A_449] {strides = array<i32>} : memref<512xf32, #tpu.memory_space<vmem>>, vector<16xf32>,
      %add3A_451 = arith.addf %add3A_448, %get3A_450 : vector<16xf32>
      %broadcast_in_dim3A = arith.constant 0.000000e+00 : f32
      %broadcast_in_dim3A_452 = vector.broadcast %broadcast_in_dim3A : f32 to vector<16xf32>
      %broadcast_in_dim3A_453 = arith.constant 0 : i32
      %broadcast_in_dim3A_454 = vector.broadcast %broadcast_in_dim3A_453 : i32 to vector<16xi32>
      %gather3A = tpu.vector_load_idx %arg13[%add3A_442, %broadcast_in_dim3A_454] : memref<512x64xf32, #tpu.memory_space<vmem>>[vector<16xi32>, vector<16xi32>], vector<16xf32>,
      %gather3A_455 = tpu.vector_load_idx %arg14[%add3A_442, %broadcast_in_dim3A_454] : memref<512x64xf32, #tpu.memory_space<vmem>>[vector<16xi32>, vector<16xi32>], vector<16xf32>,
      %gather3A_456 = tpu.vector_load_idx %arg15[%add3A_442, %broadcast_in_dim3A_454] : memref<512x64xf32, #tpu.memory_space<vmem>>[vector<16xi32>, vector<16xi32>], vector<16xf32>,
      %add3A_457 = arith.addf %gather3A, %gather3A_455 : vector<16xf32>
      %sub3A = arith.subf %add3A_457, %gather3A_456 : vector<16xf32>
      %abs3A = math.absf %sub3A : vector<16xf32>
      %add3A_458 = arith.addf %broadcast_in_dim3A_452, %abs3A : vector<16xf32>
      %broadcast_in_dim3A_459 = arith.constant 1 : i32
      %broadcast_in_dim3A_460 = vector.broadcast %broadcast_in_dim3A_459 : i32 to vector<16xi32>
      %gather3A_461 = tpu.vector_load_idx %arg13[%add3A_442, %broadcast_in_dim3A_460] : memref<512x64xf32, #tpu.memory_space<vmem>>[vector<16xi32>, vector<16xi32>], vector<16xf32>,
      %gather3A_462 = tpu.vector_load_idx %arg14[%add3A_442, %broadcast_in_dim3A_460] : memref<512x64xf32, #tpu.memory_space<vmem>>[vector<16xi32>, vector<16xi32>], vector<16xf32>,
      %gather3A_463 = tpu.vector_load_idx %arg15[%add3A_442, %broadcast_in_dim3A_460] : memref<512x64xf32, #tpu.memory_space<vmem>>[vector<16xi32>, vector<16xi32>], vector<16xf32>,
      %add3A_464 = arith.addf %gather3A_461, %gather3A_462 : vector<16xf32>
      %sub3A_465 = arith.subf %add3A_464, %gather3A_463 : vector<16xf32>
      %abs3A_466 = math.absf %sub3A_465 : vector<16xf32>
      %add3A_467 = arith.addf %add3A_458, %abs3A_466 : vector<16xf32>
      %broadcast_in_dim3A_468 = arith.constant 2 : i32
      %broadcast_in_dim3A_469 = vector.broadcast %broadcast_in_dim3A_468 : i32 to vector<16xi32>
      %gather3A_470 = tpu.vector_load_idx %arg13[%add3A_442, %broadcast_in_dim3A_469] : memref<512x64xf32, #tpu.memory_space<vmem>>[vector<16xi32>, vector<16xi32>], vector<16xf32>,
      %gather3A_471 = tpu.vector_load_idx %arg14[%add3A_442, %broadcast_in_dim3A_469] : memref<512x64xf32, #tpu.memory_space<vmem>>[vector<16xi32>, vector<16xi32>], vector<16xf32>,
      %gather3A_472 = tpu.vector_load_idx %arg15[%add3A_442, %broadcast_in_dim3A_469] : memref<512x64xf32, #tpu.memory_space<vmem>>[vector<16xi32>, vector<16xi32>], vector<16xf32>,
      %add3A_473 = arith.addf %gather3A_470, %gather3A_471 : vector<16xf32>
      %sub3A_474 = arith.subf %add3A_473, %gather3A_472 : vector<16xf32>
      %abs3A_475 = math.absf %sub3A_474 : vector<16xf32>
      %add3A_476 = arith.addf %add3A_467, %abs3A_475 : vector<16xf32>
      %broadcast_in_dim3A_477 = arith.constant 3 : i32
      %broadcast_in_dim3A_478 = vector.broadcast %broadcast_in_dim3A_477 : i32 to vector<16xi32>
      %gather3A_479 = tpu.vector_load_idx %arg13[%add3A_442, %broadcast_in_dim3A_478] : memref<512x64xf32, #tpu.memory_space<vmem>>[vector<16xi32>, vector<16xi32>], vector<16xf32>,
      %gather3A_480 = tpu.vector_load_idx %arg14[%add3A_442, %broadcast_in_dim3A_478] : memref<512x64xf32, #tpu.memory_space<vmem>>[vector<16xi32>, vector<16xi32>], vector<16xf32>,
      %gather3A_481 = tpu.vector_load_idx %arg15[%add3A_442, %broadcast_in_dim3A_478] : memref<512x64xf32, #tpu.memory_space<vmem>>[vector<16xi32>, vector<16xi32>], vector<16xf32>,
      %add3A_482 = arith.addf %gather3A_479, %gather3A_480 : vector<16xf32>
      %sub3A_483 = arith.subf %add3A_482, %gather3A_481 : vector<16xf32>
      %abs3A_484 = math.absf %sub3A_483 : vector<16xf32>
      %add3A_485 = arith.addf %add3A_476, %abs3A_484 : vector<16xf32>
      %broadcast_in_dim3A_486 = arith.constant 4 : i32
      %broadcast_in_dim3A_487 = vector.broadcast %broadcast_in_dim3A_486 : i32 to vector<16xi32>
      %gather3A_488 = tpu.vector_load_idx %arg13[%add3A_442, %broadcast_in_dim3A_487] : memref<512x64xf32, #tpu.memory_space<vmem>>[vector<16xi32>, vector<16xi32>], vector<16xf32>,
      %gather3A_489 = tpu.vector_load_idx %arg14[%add3A_442, %broadcast_in_dim3A_487] : memref<512x64xf32, #tpu.memory_space<vmem>>[vector<16xi32>, vector<16xi32>], vector<16xf32>,
      %gather3A_490 = tpu.vector_load_idx %arg15[%add3A_442, %broadcast_in_dim3A_487] : memref<512x64xf32, #tpu.memory_space<vmem>>[vector<16xi32>, vector<16xi32>], vector<16xf32>,
      %add3A_491 = arith.addf %gather3A_488, %gather3A_489 : vector<16xf32>
      %sub3A_492 = arith.subf %add3A_491, %gather3A_490 : vector<16xf32>
      %abs3A_493 = math.absf %sub3A_492 : vector<16xf32>
      %add3A_494 = arith.addf %add3A_485, %abs3A_493 : vector<16xf32>
      %broadcast_in_dim3A_495 = arith.constant 5 : i32
      %broadcast_in_dim3A_496 = vector.broadcast %broadcast_in_dim3A_495 : i32 to vector<16xi32>
      %gather3A_497 = tpu.vector_load_idx %arg13[%add3A_442, %broadcast_in_dim3A_496] : memref<512x64xf32, #tpu.memory_space<vmem>>[vector<16xi32>, vector<16xi32>], vector<16xf32>,
      %gather3A_498 = tpu.vector_load_idx %arg14[%add3A_442, %broadcast_in_dim3A_496] : memref<512x64xf32, #tpu.memory_space<vmem>>[vector<16xi32>, vector<16xi32>], vector<16xf32>,
      %gather3A_499 = tpu.vector_load_idx %arg15[%add3A_442, %broadcast_in_dim3A_496] : memref<512x64xf32, #tpu.memory_space<vmem>>[vector<16xi32>, vector<16xi32>], vector<16xf32>,
      %add3A_500 = arith.addf %gather3A_497, %gather3A_498 : vector<16xf32>
      %sub3A_501 = arith.subf %add3A_500, %gather3A_499 : vector<16xf32>
      %abs3A_502 = math.absf %sub3A_501 : vector<16xf32>
      %add3A_503 = arith.addf %add3A_494, %abs3A_502 : vector<16xf32>
      %broadcast_in_dim3A_504 = arith.constant 6 : i32
      %broadcast_in_dim3A_505 = vector.broadcast %broadcast_in_dim3A_504 : i32 to vector<16xi32>
      %gather3A_506 = tpu.vector_load_idx %arg13[%add3A_442, %broadcast_in_dim3A_505] : memref<512x64xf32, #tpu.memory_space<vmem>>[vector<16xi32>, vector<16xi32>], vector<16xf32>,
      %gather3A_507 = tpu.vector_load_idx %arg14[%add3A_442, %broadcast_in_dim3A_505] : memref<512x64xf32, #tpu.memory_space<vmem>>[vector<16xi32>, vector<16xi32>], vector<16xf32>,
      %gather3A_508 = tpu.vector_load_idx %arg15[%add3A_442, %broadcast_in_dim3A_505] : memref<512x64xf32, #tpu.memory_space<vmem>>[vector<16xi32>, vector<16xi32>], vector<16xf32>,
      %add3A_509 = arith.addf %gather3A_506, %gather3A_507 : vector<16xf32>
      %sub3A_510 = arith.subf %add3A_509, %gather3A_508 : vector<16xf32>
      %abs3A_511 = math.absf %sub3A_510 : vector<16xf32>
      %add3A_512 = arith.addf %add3A_503, %abs3A_511 : vector<16xf32>
      %broadcast_in_dim3A_513 = arith.constant 7 : i32
      %broadcast_in_dim3A_514 = vector.broadcast %broadcast_in_dim3A_513 : i32 to vector<16xi32>
      %gather3A_515 = tpu.vector_load_idx %arg13[%add3A_442, %broadcast_in_dim3A_514] : memref<512x64xf32, #tpu.memory_space<vmem>>[vector<16xi32>, vector<16xi32>], vector<16xf32>,
      %gather3A_516 = tpu.vector_load_idx %arg14[%add3A_442, %broadcast_in_dim3A_514] : memref<512x64xf32, #tpu.memory_space<vmem>>[vector<16xi32>, vector<16xi32>], vector<16xf32>,
      %gather3A_517 = tpu.vector_load_idx %arg15[%add3A_442, %broadcast_in_dim3A_514] : memref<512x64xf32, #tpu.memory_space<vmem>>[vector<16xi32>, vector<16xi32>], vector<16xf32>,
      %add3A_518 = arith.addf %gather3A_515, %gather3A_516 : vector<16xf32>
      %sub3A_519 = arith.subf %add3A_518, %gather3A_517 : vector<16xf32>
      %abs3A_520 = math.absf %sub3A_519 : vector<16xf32>
      %add3A_521 = arith.addf %add3A_512, %abs3A_520 : vector<16xf32>
      %broadcast_in_dim3A_522 = arith.constant 8 : i32
      %broadcast_in_dim3A_523 = vector.broadcast %broadcast_in_dim3A_522 : i32 to vector<16xi32>
      %gather3A_524 = tpu.vector_load_idx %arg13[%add3A_442, %broadcast_in_dim3A_523] : memref<512x64xf32, #tpu.memory_space<vmem>>[vector<16xi32>, vector<16xi32>], vector<16xf32>,
      %gather3A_525 = tpu.vector_load_idx %arg14[%add3A_442, %broadcast_in_dim3A_523] : memref<512x64xf32, #tpu.memory_space<vmem>>[vector<16xi32>, vector<16xi32>], vector<16xf32>,
      %gather3A_526 = tpu.vector_load_idx %arg15[%add3A_442, %broadcast_in_dim3A_523] : memref<512x64xf32, #tpu.memory_space<vmem>>[vector<16xi32>, vector<16xi32>], vector<16xf32>,
      %add3A_527 = arith.addf %gather3A_524, %gather3A_525 : vector<16xf32>
      %sub3A_528 = arith.subf %add3A_527, %gather3A_526 : vector<16xf32>
      %abs3A_529 = math.absf %sub3A_528 : vector<16xf32>
      %add3A_530 = arith.addf %add3A_521, %abs3A_529 : vector<16xf32>
      %broadcast_in_dim3A_531 = arith.constant 9 : i32
      %broadcast_in_dim3A_532 = vector.broadcast %broadcast_in_dim3A_531 : i32 to vector<16xi32>
      %gather3A_533 = tpu.vector_load_idx %arg13[%add3A_442, %broadcast_in_dim3A_532] : memref<512x64xf32, #tpu.memory_space<vmem>>[vector<16xi32>, vector<16xi32>], vector<16xf32>,
      %gather3A_534 = tpu.vector_load_idx %arg14[%add3A_442, %broadcast_in_dim3A_532] : memref<512x64xf32, #tpu.memory_space<vmem>>[vector<16xi32>, vector<16xi32>], vector<16xf32>,
      %gather3A_535 = tpu.vector_load_idx %arg15[%add3A_442, %broadcast_in_dim3A_532] : memref<512x64xf32, #tpu.memory_space<vmem>>[vector<16xi32>, vector<16xi32>], vector<16xf32>,
      %add3A_536 = arith.addf %gather3A_533, %gather3A_534 : vector<16xf32>
      %sub3A_537 = arith.subf %add3A_536, %gather3A_535 : vector<16xf32>
      %abs3A_538 = math.absf %sub3A_537 : vector<16xf32>
      %add3A_539 = arith.addf %add3A_530, %abs3A_538 : vector<16xf32>
      %broadcast_in_dim3A_540 = arith.constant 10 : i32
      %broadcast_in_dim3A_541 = vector.broadcast %broadcast_in_dim3A_540 : i32 to vector<16xi32>
      %gather3A_542 = tpu.vector_load_idx %arg13[%add3A_442, %broadcast_in_dim3A_541] : memref<512x64xf32, #tpu.memory_space<vmem>>[vector<16xi32>, vector<16xi32>], vector<16xf32>,
      %gather3A_543 = tpu.vector_load_idx %arg14[%add3A_442, %broadcast_in_dim3A_541] : memref<512x64xf32, #tpu.memory_space<vmem>>[vector<16xi32>, vector<16xi32>], vector<16xf32>,
      %gather3A_544 = tpu.vector_load_idx %arg15[%add3A_442, %broadcast_in_dim3A_541] : memref<512x64xf32, #tpu.memory_space<vmem>>[vector<16xi32>, vector<16xi32>], vector<16xf32>,
      %add3A_545 = arith.addf %gather3A_542, %gather3A_543 : vector<16xf32>
      %sub3A_546 = arith.subf %add3A_545, %gather3A_544 : vector<16xf32>
      %abs3A_547 = math.absf %sub3A_546 : vector<16xf32>
      %add3A_548 = arith.addf %add3A_539, %abs3A_547 : vector<16xf32>
      %broadcast_in_dim3A_549 = arith.constant 11 : i32
      %broadcast_in_dim3A_550 = vector.broadcast %broadcast_in_dim3A_549 : i32 to vector<16xi32>
      %gather3A_551 = tpu.vector_load_idx %arg13[%add3A_442, %broadcast_in_dim3A_550] : memref<512x64xf32, #tpu.memory_space<vmem>>[vector<16xi32>, vector<16xi32>], vector<16xf32>,
      %gather3A_552 = tpu.vector_load_idx %arg14[%add3A_442, %broadcast_in_dim3A_550] : memref<512x64xf32, #tpu.memory_space<vmem>>[vector<16xi32>, vector<16xi32>], vector<16xf32>,
      %gather3A_553 = tpu.vector_load_idx %arg15[%add3A_442, %broadcast_in_dim3A_550] : memref<512x64xf32, #tpu.memory_space<vmem>>[vector<16xi32>, vector<16xi32>], vector<16xf32>,
      %add3A_554 = arith.addf %gather3A_551, %gather3A_552 : vector<16xf32>
      %sub3A_555 = arith.subf %add3A_554, %gather3A_553 : vector<16xf32>
      %abs3A_556 = math.absf %sub3A_555 : vector<16xf32>
      %add3A_557 = arith.addf %add3A_548, %abs3A_556 : vector<16xf32>
      %broadcast_in_dim3A_558 = arith.constant 12 : i32
      %broadcast_in_dim3A_559 = vector.broadcast %broadcast_in_dim3A_558 : i32 to vector<16xi32>
      %gather3A_560 = tpu.vector_load_idx %arg13[%add3A_442, %broadcast_in_dim3A_559] : memref<512x64xf32, #tpu.memory_space<vmem>>[vector<16xi32>, vector<16xi32>], vector<16xf32>,
      %gather3A_561 = tpu.vector_load_idx %arg14[%add3A_442, %broadcast_in_dim3A_559] : memref<512x64xf32, #tpu.memory_space<vmem>>[vector<16xi32>, vector<16xi32>], vector<16xf32>,
      %gather3A_562 = tpu.vector_load_idx %arg15[%add3A_442, %broadcast_in_dim3A_559] : memref<512x64xf32, #tpu.memory_space<vmem>>[vector<16xi32>, vector<16xi32>], vector<16xf32>,
      %add3A_563 = arith.addf %gather3A_560, %gather3A_561 : vector<16xf32>
      %sub3A_564 = arith.subf %add3A_563, %gather3A_562 : vector<16xf32>
      %abs3A_565 = math.absf %sub3A_564 : vector<16xf32>
      %add3A_566 = arith.addf %add3A_557, %abs3A_565 : vector<16xf32>
      %broadcast_in_dim3A_567 = arith.constant 13 : i32
      %broadcast_in_dim3A_568 = vector.broadcast %broadcast_in_dim3A_567 : i32 to vector<16xi32>
      %gather3A_569 = tpu.vector_load_idx %arg13[%add3A_442, %broadcast_in_dim3A_568] : memref<512x64xf32, #tpu.memory_space<vmem>>[vector<16xi32>, vector<16xi32>], vector<16xf32>,
      %gather3A_570 = tpu.vector_load_idx %arg14[%add3A_442, %broadcast_in_dim3A_568] : memref<512x64xf32, #tpu.memory_space<vmem>>[vector<16xi32>, vector<16xi32>], vector<16xf32>,
      %gather3A_571 = tpu.vector_load_idx %arg15[%add3A_442, %broadcast_in_dim3A_568] : memref<512x64xf32, #tpu.memory_space<vmem>>[vector<16xi32>, vector<16xi32>], vector<16xf32>,
      %add3A_572 = arith.addf %gather3A_569, %gather3A_570 : vector<16xf32>
      %sub3A_573 = arith.subf %add3A_572, %gather3A_571 : vector<16xf32>
      %abs3A_574 = math.absf %sub3A_573 : vector<16xf32>
      %add3A_575 = arith.addf %add3A_566, %abs3A_574 : vector<16xf32>
      %broadcast_in_dim3A_576 = arith.constant 14 : i32
      %broadcast_in_dim3A_577 = vector.broadcast %broadcast_in_dim3A_576 : i32 to vector<16xi32>
      %gather3A_578 = tpu.vector_load_idx %arg13[%add3A_442, %broadcast_in_dim3A_577] : memref<512x64xf32, #tpu.memory_space<vmem>>[vector<16xi32>, vector<16xi32>], vector<16xf32>,
      %gather3A_579 = tpu.vector_load_idx %arg14[%add3A_442, %broadcast_in_dim3A_577] : memref<512x64xf32, #tpu.memory_space<vmem>>[vector<16xi32>, vector<16xi32>], vector<16xf32>,
      %gather3A_580 = tpu.vector_load_idx %arg15[%add3A_442, %broadcast_in_dim3A_577] : memref<512x64xf32, #tpu.memory_space<vmem>>[vector<16xi32>, vector<16xi32>], vector<16xf32>,
      %add3A_581 = arith.addf %gather3A_578, %gather3A_579 : vector<16xf32>
      %sub3A_582 = arith.subf %add3A_581, %gather3A_580 : vector<16xf32>
      %abs3A_583 = math.absf %sub3A_582 : vector<16xf32>
      %add3A_584 = arith.addf %add3A_575, %abs3A_583 : vector<16xf32>
      %broadcast_in_dim3A_585 = arith.constant 15 : i32
      %broadcast_in_dim3A_586 = vector.broadcast %broadcast_in_dim3A_585 : i32 to vector<16xi32>
      %gather3A_587 = tpu.vector_load_idx %arg13[%add3A_442, %broadcast_in_dim3A_586] : memref<512x64xf32, #tpu.memory_space<vmem>>[vector<16xi32>, vector<16xi32>], vector<16xf32>,
      %gather3A_588 = tpu.vector_load_idx %arg14[%add3A_442, %broadcast_in_dim3A_586] : memref<512x64xf32, #tpu.memory_space<vmem>>[vector<16xi32>, vector<16xi32>], vector<16xf32>,
      %gather3A_589 = tpu.vector_load_idx %arg15[%add3A_442, %broadcast_in_dim3A_586] : memref<512x64xf32, #tpu.memory_space<vmem>>[vector<16xi32>, vector<16xi32>], vector<16xf32>,
      %add3A_590 = arith.addf %gather3A_587, %gather3A_588 : vector<16xf32>
      %sub3A_591 = arith.subf %add3A_590, %gather3A_589 : vector<16xf32>
      %abs3A_592 = math.absf %sub3A_591 : vector<16xf32>
      %add3A_593 = arith.addf %add3A_584, %abs3A_592 : vector<16xf32>
      %broadcast_in_dim3A_594 = arith.constant 16 : i32
      %broadcast_in_dim3A_595 = vector.broadcast %broadcast_in_dim3A_594 : i32 to vector<16xi32>
      %gather3A_596 = tpu.vector_load_idx %arg13[%add3A_442, %broadcast_in_dim3A_595] : memref<512x64xf32, #tpu.memory_space<vmem>>[vector<16xi32>, vector<16xi32>], vector<16xf32>,
      %gather3A_597 = tpu.vector_load_idx %arg14[%add3A_442, %broadcast_in_dim3A_595] : memref<512x64xf32, #tpu.memory_space<vmem>>[vector<16xi32>, vector<16xi32>], vector<16xf32>,
      %gather3A_598 = tpu.vector_load_idx %arg15[%add3A_442, %broadcast_in_dim3A_595] : memref<512x64xf32, #tpu.memory_space<vmem>>[vector<16xi32>, vector<16xi32>], vector<16xf32>,
      %add3A_599 = arith.addf %gather3A_596, %gather3A_597 : vector<16xf32>
      %sub3A_600 = arith.subf %add3A_599, %gather3A_598 : vector<16xf32>
      %abs3A_601 = math.absf %sub3A_600 : vector<16xf32>
      %add3A_602 = arith.addf %add3A_593, %abs3A_601 : vector<16xf32>
      %broadcast_in_dim3A_603 = arith.constant 17 : i32
      %broadcast_in_dim3A_604 = vector.broadcast %broadcast_in_dim3A_603 : i32 to vector<16xi32>
      %gather3A_605 = tpu.vector_load_idx %arg13[%add3A_442, %broadcast_in_dim3A_604] : memref<512x64xf32, #tpu.memory_space<vmem>>[vector<16xi32>, vector<16xi32>], vector<16xf32>,
      %gather3A_606 = tpu.vector_load_idx %arg14[%add3A_442, %broadcast_in_dim3A_604] : memref<512x64xf32, #tpu.memory_space<vmem>>[vector<16xi32>, vector<16xi32>], vector<16xf32>,
      %gather3A_607 = tpu.vector_load_idx %arg15[%add3A_442, %broadcast_in_dim3A_604] : memref<512x64xf32, #tpu.memory_space<vmem>>[vector<16xi32>, vector<16xi32>], vector<16xf32>,
      %add3A_608 = arith.addf %gather3A_605, %gather3A_606 : vector<16xf32>
      %sub3A_609 = arith.subf %add3A_608, %gather3A_607 : vector<16xf32>
      %abs3A_610 = math.absf %sub3A_609 : vector<16xf32>
      %add3A_611 = arith.addf %add3A_602, %abs3A_610 : vector<16xf32>
      %broadcast_in_dim3A_612 = arith.constant 18 : i32
      %broadcast_in_dim3A_613 = vector.broadcast %broadcast_in_dim3A_612 : i32 to vector<16xi32>
      %gather3A_614 = tpu.vector_load_idx %arg13[%add3A_442, %broadcast_in_dim3A_613] : memref<512x64xf32, #tpu.memory_space<vmem>>[vector<16xi32>, vector<16xi32>], vector<16xf32>,
      %gather3A_615 = tpu.vector_load_idx %arg14[%add3A_442, %broadcast_in_dim3A_613] : memref<512x64xf32, #tpu.memory_space<vmem>>[vector<16xi32>, vector<16xi32>], vector<16xf32>,
      %gather3A_616 = tpu.vector_load_idx %arg15[%add3A_442, %broadcast_in_dim3A_613] : memref<512x64xf32, #tpu.memory_space<vmem>>[vector<16xi32>, vector<16xi32>], vector<16xf32>,
      %add3A_617 = arith.addf %gather3A_614, %gather3A_615 : vector<16xf32>
      %sub3A_618 = arith.subf %add3A_617, %gather3A_616 : vector<16xf32>
      %abs3A_619 = math.absf %sub3A_618 : vector<16xf32>
      %add3A_620 = arith.addf %add3A_611, %abs3A_619 : vector<16xf32>
      %broadcast_in_dim3A_621 = arith.constant 19 : i32
      %broadcast_in_dim3A_622 = vector.broadcast %broadcast_in_dim3A_621 : i32 to vector<16xi32>
      %gather3A_623 = tpu.vector_load_idx %arg13[%add3A_442, %broadcast_in_dim3A_622] : memref<512x64xf32, #tpu.memory_space<vmem>>[vector<16xi32>, vector<16xi32>], vector<16xf32>,
      %gather3A_624 = tpu.vector_load_idx %arg14[%add3A_442, %broadcast_in_dim3A_622] : memref<512x64xf32, #tpu.memory_space<vmem>>[vector<16xi32>, vector<16xi32>], vector<16xf32>,
      %gather3A_625 = tpu.vector_load_idx %arg15[%add3A_442, %broadcast_in_dim3A_622] : memref<512x64xf32, #tpu.memory_space<vmem>>[vector<16xi32>, vector<16xi32>], vector<16xf32>,
      %add3A_626 = arith.addf %gather3A_623, %gather3A_624 : vector<16xf32>
      %sub3A_627 = arith.subf %add3A_626, %gather3A_625 : vector<16xf32>
      %abs3A_628 = math.absf %sub3A_627 : vector<16xf32>
      %add3A_629 = arith.addf %add3A_620, %abs3A_628 : vector<16xf32>
      %broadcast_in_dim3A_630 = arith.constant 20 : i32
      %broadcast_in_dim3A_631 = vector.broadcast %broadcast_in_dim3A_630 : i32 to vector<16xi32>
      %gather3A_632 = tpu.vector_load_idx %arg13[%add3A_442, %broadcast_in_dim3A_631] : memref<512x64xf32, #tpu.memory_space<vmem>>[vector<16xi32>, vector<16xi32>], vector<16xf32>,
      %gather3A_633 = tpu.vector_load_idx %arg14[%add3A_442, %broadcast_in_dim3A_631] : memref<512x64xf32, #tpu.memory_space<vmem>>[vector<16xi32>, vector<16xi32>], vector<16xf32>,
      %gather3A_634 = tpu.vector_load_idx %arg15[%add3A_442, %broadcast_in_dim3A_631] : memref<512x64xf32, #tpu.memory_space<vmem>>[vector<16xi32>, vector<16xi32>], vector<16xf32>,
      %add3A_635 = arith.addf %gather3A_632, %gather3A_633 : vector<16xf32>
      %sub3A_636 = arith.subf %add3A_635, %gather3A_634 : vector<16xf32>
      %abs3A_637 = math.absf %sub3A_636 : vector<16xf32>
      %add3A_638 = arith.addf %add3A_629, %abs3A_637 : vector<16xf32>
      %broadcast_in_dim3A_639 = arith.constant 21 : i32
      %broadcast_in_dim3A_640 = vector.broadcast %broadcast_in_dim3A_639 : i32 to vector<16xi32>
      %gather3A_641 = tpu.vector_load_idx %arg13[%add3A_442, %broadcast_in_dim3A_640] : memref<512x64xf32, #tpu.memory_space<vmem>>[vector<16xi32>, vector<16xi32>], vector<16xf32>,
      %gather3A_642 = tpu.vector_load_idx %arg14[%add3A_442, %broadcast_in_dim3A_640] : memref<512x64xf32, #tpu.memory_space<vmem>>[vector<16xi32>, vector<16xi32>], vector<16xf32>,
      %gather3A_643 = tpu.vector_load_idx %arg15[%add3A_442, %broadcast_in_dim3A_640] : memref<512x64xf32, #tpu.memory_space<vmem>>[vector<16xi32>, vector<16xi32>], vector<16xf32>,
      %add3A_644 = arith.addf %gather3A_641, %gather3A_642 : vector<16xf32>
      %sub3A_645 = arith.subf %add3A_644, %gather3A_643 : vector<16xf32>
      %abs3A_646 = math.absf %sub3A_645 : vector<16xf32>
      %add3A_647 = arith.addf %add3A_638, %abs3A_646 : vector<16xf32>
      %broadcast_in_dim3A_648 = arith.constant 22 : i32
      %broadcast_in_dim3A_649 = vector.broadcast %broadcast_in_dim3A_648 : i32 to vector<16xi32>
      %gather3A_650 = tpu.vector_load_idx %arg13[%add3A_442, %broadcast_in_dim3A_649] : memref<512x64xf32, #tpu.memory_space<vmem>>[vector<16xi32>, vector<16xi32>], vector<16xf32>,
      %gather3A_651 = tpu.vector_load_idx %arg14[%add3A_442, %broadcast_in_dim3A_649] : memref<512x64xf32, #tpu.memory_space<vmem>>[vector<16xi32>, vector<16xi32>], vector<16xf32>,
      %gather3A_652 = tpu.vector_load_idx %arg15[%add3A_442, %broadcast_in_dim3A_649] : memref<512x64xf32, #tpu.memory_space<vmem>>[vector<16xi32>, vector<16xi32>], vector<16xf32>,
      %add3A_653 = arith.addf %gather3A_650, %gather3A_651 : vector<16xf32>
      %sub3A_654 = arith.subf %add3A_653, %gather3A_652 : vector<16xf32>
      %abs3A_655 = math.absf %sub3A_654 : vector<16xf32>
      %add3A_656 = arith.addf %add3A_647, %abs3A_655 : vector<16xf32>
      %broadcast_in_dim3A_657 = arith.constant 23 : i32
      %broadcast_in_dim3A_658 = vector.broadcast %broadcast_in_dim3A_657 : i32 to vector<16xi32>
      %gather3A_659 = tpu.vector_load_idx %arg13[%add3A_442, %broadcast_in_dim3A_658] : memref<512x64xf32, #tpu.memory_space<vmem>>[vector<16xi32>, vector<16xi32>], vector<16xf32>,
      %gather3A_660 = tpu.vector_load_idx %arg14[%add3A_442, %broadcast_in_dim3A_658] : memref<512x64xf32, #tpu.memory_space<vmem>>[vector<16xi32>, vector<16xi32>], vector<16xf32>,
      %gather3A_661 = tpu.vector_load_idx %arg15[%add3A_442, %broadcast_in_dim3A_658] : memref<512x64xf32, #tpu.memory_space<vmem>>[vector<16xi32>, vector<16xi32>], vector<16xf32>,
      %add3A_662 = arith.addf %gather3A_659, %gather3A_660 : vector<16xf32>
      %sub3A_663 = arith.subf %add3A_662, %gather3A_661 : vector<16xf32>
      %abs3A_664 = math.absf %sub3A_663 : vector<16xf32>
      %add3A_665 = arith.addf %add3A_656, %abs3A_664 : vector<16xf32>
      %broadcast_in_dim3A_666 = arith.constant 24 : i32
      %broadcast_in_dim3A_667 = vector.broadcast %broadcast_in_dim3A_666 : i32 to vector<16xi32>
      %gather3A_668 = tpu.vector_load_idx %arg13[%add3A_442, %broadcast_in_dim3A_667] : memref<512x64xf32, #tpu.memory_space<vmem>>[vector<16xi32>, vector<16xi32>], vector<16xf32>,
      %gather3A_669 = tpu.vector_load_idx %arg14[%add3A_442, %broadcast_in_dim3A_667] : memref<512x64xf32, #tpu.memory_space<vmem>>[vector<16xi32>, vector<16xi32>], vector<16xf32>,
      %gather3A_670 = tpu.vector_load_idx %arg15[%add3A_442, %broadcast_in_dim3A_667] : memref<512x64xf32, #tpu.memory_space<vmem>>[vector<16xi32>, vector<16xi32>], vector<16xf32>,
      %add3A_671 = arith.addf %gather3A_668, %gather3A_669 : vector<16xf32>
      %sub3A_672 = arith.subf %add3A_671, %gather3A_670 : vector<16xf32>
      %abs3A_673 = math.absf %sub3A_672 : vector<16xf32>
      %add3A_674 = arith.addf %add3A_665, %abs3A_673 : vector<16xf32>
      %broadcast_in_dim3A_675 = arith.constant 25 : i32
      %broadcast_in_dim3A_676 = vector.broadcast %broadcast_in_dim3A_675 : i32 to vector<16xi32>
      %gather3A_677 = tpu.vector_load_idx %arg13[%add3A_442, %broadcast_in_dim3A_676] : memref<512x64xf32, #tpu.memory_space<vmem>>[vector<16xi32>, vector<16xi32>], vector<16xf32>,
      %gather3A_678 = tpu.vector_load_idx %arg14[%add3A_442, %broadcast_in_dim3A_676] : memref<512x64xf32, #tpu.memory_space<vmem>>[vector<16xi32>, vector<16xi32>], vector<16xf32>,
      %gather3A_679 = tpu.vector_load_idx %arg15[%add3A_442, %broadcast_in_dim3A_676] : memref<512x64xf32, #tpu.memory_space<vmem>>[vector<16xi32>, vector<16xi32>], vector<16xf32>,
      %add3A_680 = arith.addf %gather3A_677, %gather3A_678 : vector<16xf32>
      %sub3A_681 = arith.subf %add3A_680, %gather3A_679 : vector<16xf32>
      %abs3A_682 = math.absf %sub3A_681 : vector<16xf32>
      %add3A_683 = arith.addf %add3A_674, %abs3A_682 : vector<16xf32>
      %broadcast_in_dim3A_684 = arith.constant 26 : i32
      %broadcast_in_dim3A_685 = vector.broadcast %broadcast_in_dim3A_684 : i32 to vector<16xi32>
      %gather3A_686 = tpu.vector_load_idx %arg13[%add3A_442, %broadcast_in_dim3A_685] : memref<512x64xf32, #tpu.memory_space<vmem>>[vector<16xi32>, vector<16xi32>], vector<16xf32>,
      %gather3A_687 = tpu.vector_load_idx %arg14[%add3A_442, %broadcast_in_dim3A_685] : memref<512x64xf32, #tpu.memory_space<vmem>>[vector<16xi32>, vector<16xi32>], vector<16xf32>,
      %gather3A_688 = tpu.vector_load_idx %arg15[%add3A_442, %broadcast_in_dim3A_685] : memref<512x64xf32, #tpu.memory_space<vmem>>[vector<16xi32>, vector<16xi32>], vector<16xf32>,
      %add3A_689 = arith.addf %gather3A_686, %gather3A_687 : vector<16xf32>
      %sub3A_690 = arith.subf %add3A_689, %gather3A_688 : vector<16xf32>
      %abs3A_691 = math.absf %sub3A_690 : vector<16xf32>
      %add3A_692 = arith.addf %add3A_683, %abs3A_691 : vector<16xf32>
      %broadcast_in_dim3A_693 = arith.constant 27 : i32
      %broadcast_in_dim3A_694 = vector.broadcast %broadcast_in_dim3A_693 : i32 to vector<16xi32>
      %gather3A_695 = tpu.vector_load_idx %arg13[%add3A_442, %broadcast_in_dim3A_694] : memref<512x64xf32, #tpu.memory_space<vmem>>[vector<16xi32>, vector<16xi32>], vector<16xf32>,
      %gather3A_696 = tpu.vector_load_idx %arg14[%add3A_442, %broadcast_in_dim3A_694] : memref<512x64xf32, #tpu.memory_space<vmem>>[vector<16xi32>, vector<16xi32>], vector<16xf32>,
      %gather3A_697 = tpu.vector_load_idx %arg15[%add3A_442, %broadcast_in_dim3A_694] : memref<512x64xf32, #tpu.memory_space<vmem>>[vector<16xi32>, vector<16xi32>], vector<16xf32>,
      %add3A_698 = arith.addf %gather3A_695, %gather3A_696 : vector<16xf32>
      %sub3A_699 = arith.subf %add3A_698, %gather3A_697 : vector<16xf32>
      %abs3A_700 = math.absf %sub3A_699 : vector<16xf32>
      %add3A_701 = arith.addf %add3A_692, %abs3A_700 : vector<16xf32>
      %broadcast_in_dim3A_702 = arith.constant 28 : i32
      %broadcast_in_dim3A_703 = vector.broadcast %broadcast_in_dim3A_702 : i32 to vector<16xi32>
      %gather3A_704 = tpu.vector_load_idx %arg13[%add3A_442, %broadcast_in_dim3A_703] : memref<512x64xf32, #tpu.memory_space<vmem>>[vector<16xi32>, vector<16xi32>], vector<16xf32>,
      %gather3A_705 = tpu.vector_load_idx %arg14[%add3A_442, %broadcast_in_dim3A_703] : memref<512x64xf32, #tpu.memory_space<vmem>>[vector<16xi32>, vector<16xi32>], vector<16xf32>,
      %gather3A_706 = tpu.vector_load_idx %arg15[%add3A_442, %broadcast_in_dim3A_703] : memref<512x64xf32, #tpu.memory_space<vmem>>[vector<16xi32>, vector<16xi32>], vector<16xf32>,
      %add3A_707 = arith.addf %gather3A_704, %gather3A_705 : vector<16xf32>
      %sub3A_708 = arith.subf %add3A_707, %gather3A_706 : vector<16xf32>
      %abs3A_709 = math.absf %sub3A_708 : vector<16xf32>
      %add3A_710 = arith.addf %add3A_701, %abs3A_709 : vector<16xf32>
      %broadcast_in_dim3A_711 = arith.constant 29 : i32
      %broadcast_in_dim3A_712 = vector.broadcast %broadcast_in_dim3A_711 : i32 to vector<16xi32>
      %gather3A_713 = tpu.vector_load_idx %arg13[%add3A_442, %broadcast_in_dim3A_712] : memref<512x64xf32, #tpu.memory_space<vmem>>[vector<16xi32>, vector<16xi32>], vector<16xf32>,
      %gather3A_714 = tpu.vector_load_idx %arg14[%add3A_442, %broadcast_in_dim3A_712] : memref<512x64xf32, #tpu.memory_space<vmem>>[vector<16xi32>, vector<16xi32>], vector<16xf32>,
      %gather3A_715 = tpu.vector_load_idx %arg15[%add3A_442, %broadcast_in_dim3A_712] : memref<512x64xf32, #tpu.memory_space<vmem>>[vector<16xi32>, vector<16xi32>], vector<16xf32>,
      %add3A_716 = arith.addf %gather3A_713, %gather3A_714 : vector<16xf32>
      %sub3A_717 = arith.subf %add3A_716, %gather3A_715 : vector<16xf32>
      %abs3A_718 = math.absf %sub3A_717 : vector<16xf32>
      %add3A_719 = arith.addf %add3A_710, %abs3A_718 : vector<16xf32>
      %broadcast_in_dim3A_720 = arith.constant 30 : i32
      %broadcast_in_dim3A_721 = vector.broadcast %broadcast_in_dim3A_720 : i32 to vector<16xi32>
      %gather3A_722 = tpu.vector_load_idx %arg13[%add3A_442, %broadcast_in_dim3A_721] : memref<512x64xf32, #tpu.memory_space<vmem>>[vector<16xi32>, vector<16xi32>], vector<16xf32>,
      %gather3A_723 = tpu.vector_load_idx %arg14[%add3A_442, %broadcast_in_dim3A_721] : memref<512x64xf32, #tpu.memory_space<vmem>>[vector<16xi32>, vector<16xi32>], vector<16xf32>,
      %gather3A_724 = tpu.vector_load_idx %arg15[%add3A_442, %broadcast_in_dim3A_721] : memref<512x64xf32, #tpu.memory_space<vmem>>[vector<16xi32>, vector<16xi32>], vector<16xf32>,
      %add3A_725 = arith.addf %gather3A_722, %gather3A_723 : vector<16xf32>
      %sub3A_726 = arith.subf %add3A_725, %gather3A_724 : vector<16xf32>
      %abs3A_727 = math.absf %sub3A_726 : vector<16xf32>
      %add3A_728 = arith.addf %add3A_719, %abs3A_727 : vector<16xf32>
      %broadcast_in_dim3A_729 = arith.constant 31 : i32
      %broadcast_in_dim3A_730 = vector.broadcast %broadcast_in_dim3A_729 : i32 to vector<16xi32>
      %gather3A_731 = tpu.vector_load_idx %arg13[%add3A_442, %broadcast_in_dim3A_730] : memref<512x64xf32, #tpu.memory_space<vmem>>[vector<16xi32>, vector<16xi32>], vector<16xf32>,
      %gather3A_732 = tpu.vector_load_idx %arg14[%add3A_442, %broadcast_in_dim3A_730] : memref<512x64xf32, #tpu.memory_space<vmem>>[vector<16xi32>, vector<16xi32>], vector<16xf32>,
      %gather3A_733 = tpu.vector_load_idx %arg15[%add3A_442, %broadcast_in_dim3A_730] : memref<512x64xf32, #tpu.memory_space<vmem>>[vector<16xi32>, vector<16xi32>], vector<16xf32>,
      %add3A_734 = arith.addf %gather3A_731, %gather3A_732 : vector<16xf32>
      %sub3A_735 = arith.subf %add3A_734, %gather3A_733 : vector<16xf32>
      %abs3A_736 = math.absf %sub3A_735 : vector<16xf32>
      %add3A_737 = arith.addf %add3A_728, %abs3A_736 : vector<16xf32>
      %broadcast_in_dim3A_738 = arith.constant 32 : i32
      %broadcast_in_dim3A_739 = vector.broadcast %broadcast_in_dim3A_738 : i32 to vector<16xi32>
      %gather3A_740 = tpu.vector_load_idx %arg13[%add3A_442, %broadcast_in_dim3A_739] : memref<512x64xf32, #tpu.memory_space<vmem>>[vector<16xi32>, vector<16xi32>], vector<16xf32>,
      %gather3A_741 = tpu.vector_load_idx %arg14[%add3A_442, %broadcast_in_dim3A_739] : memref<512x64xf32, #tpu.memory_space<vmem>>[vector<16xi32>, vector<16xi32>], vector<16xf32>,
      %gather3A_742 = tpu.vector_load_idx %arg15[%add3A_442, %broadcast_in_dim3A_739] : memref<512x64xf32, #tpu.memory_space<vmem>>[vector<16xi32>, vector<16xi32>], vector<16xf32>,
      %add3A_743 = arith.addf %gather3A_740, %gather3A_741 : vector<16xf32>
      %sub3A_744 = arith.subf %add3A_743, %gather3A_742 : vector<16xf32>
      %abs3A_745 = math.absf %sub3A_744 : vector<16xf32>
      %add3A_746 = arith.addf %add3A_737, %abs3A_745 : vector<16xf32>
      %broadcast_in_dim3A_747 = arith.constant 33 : i32
      %broadcast_in_dim3A_748 = vector.broadcast %broadcast_in_dim3A_747 : i32 to vector<16xi32>
      %gather3A_749 = tpu.vector_load_idx %arg13[%add3A_442, %broadcast_in_dim3A_748] : memref<512x64xf32, #tpu.memory_space<vmem>>[vector<16xi32>, vector<16xi32>], vector<16xf32>,
      %gather3A_750 = tpu.vector_load_idx %arg14[%add3A_442, %broadcast_in_dim3A_748] : memref<512x64xf32, #tpu.memory_space<vmem>>[vector<16xi32>, vector<16xi32>], vector<16xf32>,
      %gather3A_751 = tpu.vector_load_idx %arg15[%add3A_442, %broadcast_in_dim3A_748] : memref<512x64xf32, #tpu.memory_space<vmem>>[vector<16xi32>, vector<16xi32>], vector<16xf32>,
      %add3A_752 = arith.addf %gather3A_749, %gather3A_750 : vector<16xf32>
      %sub3A_753 = arith.subf %add3A_752, %gather3A_751 : vector<16xf32>
      %abs3A_754 = math.absf %sub3A_753 : vector<16xf32>
      %add3A_755 = arith.addf %add3A_746, %abs3A_754 : vector<16xf32>
      %broadcast_in_dim3A_756 = arith.constant 34 : i32
      %broadcast_in_dim3A_757 = vector.broadcast %broadcast_in_dim3A_756 : i32 to vector<16xi32>
      %gather3A_758 = tpu.vector_load_idx %arg13[%add3A_442, %broadcast_in_dim3A_757] : memref<512x64xf32, #tpu.memory_space<vmem>>[vector<16xi32>, vector<16xi32>], vector<16xf32>,
      %gather3A_759 = tpu.vector_load_idx %arg14[%add3A_442, %broadcast_in_dim3A_757] : memref<512x64xf32, #tpu.memory_space<vmem>>[vector<16xi32>, vector<16xi32>], vector<16xf32>,
      %gather3A_760 = tpu.vector_load_idx %arg15[%add3A_442, %broadcast_in_dim3A_757] : memref<512x64xf32, #tpu.memory_space<vmem>>[vector<16xi32>, vector<16xi32>], vector<16xf32>,
      %add3A_761 = arith.addf %gather3A_758, %gather3A_759 : vector<16xf32>
      %sub3A_762 = arith.subf %add3A_761, %gather3A_760 : vector<16xf32>
      %abs3A_763 = math.absf %sub3A_762 : vector<16xf32>
      %add3A_764 = arith.addf %add3A_755, %abs3A_763 : vector<16xf32>
      %broadcast_in_dim3A_765 = arith.constant 35 : i32
      %broadcast_in_dim3A_766 = vector.broadcast %broadcast_in_dim3A_765 : i32 to vector<16xi32>
      %gather3A_767 = tpu.vector_load_idx %arg13[%add3A_442, %broadcast_in_dim3A_766] : memref<512x64xf32, #tpu.memory_space<vmem>>[vector<16xi32>, vector<16xi32>], vector<16xf32>,
      %gather3A_768 = tpu.vector_load_idx %arg14[%add3A_442, %broadcast_in_dim3A_766] : memref<512x64xf32, #tpu.memory_space<vmem>>[vector<16xi32>, vector<16xi32>], vector<16xf32>,
      %gather3A_769 = tpu.vector_load_idx %arg15[%add3A_442, %broadcast_in_dim3A_766] : memref<512x64xf32, #tpu.memory_space<vmem>>[vector<16xi32>, vector<16xi32>], vector<16xf32>,
      %add3A_770 = arith.addf %gather3A_767, %gather3A_768 : vector<16xf32>
      %sub3A_771 = arith.subf %add3A_770, %gather3A_769 : vector<16xf32>
      %abs3A_772 = math.absf %sub3A_771 : vector<16xf32>
      %add3A_773 = arith.addf %add3A_764, %abs3A_772 : vector<16xf32>
      %broadcast_in_dim3A_774 = arith.constant 36 : i32
      %broadcast_in_dim3A_775 = vector.broadcast %broadcast_in_dim3A_774 : i32 to vector<16xi32>
      %gather3A_776 = tpu.vector_load_idx %arg13[%add3A_442, %broadcast_in_dim3A_775] : memref<512x64xf32, #tpu.memory_space<vmem>>[vector<16xi32>, vector<16xi32>], vector<16xf32>,
      %gather3A_777 = tpu.vector_load_idx %arg14[%add3A_442, %broadcast_in_dim3A_775] : memref<512x64xf32, #tpu.memory_space<vmem>>[vector<16xi32>, vector<16xi32>], vector<16xf32>,
      %gather3A_778 = tpu.vector_load_idx %arg15[%add3A_442, %broadcast_in_dim3A_775] : memref<512x64xf32, #tpu.memory_space<vmem>>[vector<16xi32>, vector<16xi32>], vector<16xf32>,
      %add3A_779 = arith.addf %gather3A_776, %gather3A_777 : vector<16xf32>
      %sub3A_780 = arith.subf %add3A_779, %gather3A_778 : vector<16xf32>
      %abs3A_781 = math.absf %sub3A_780 : vector<16xf32>
      %add3A_782 = arith.addf %add3A_773, %abs3A_781 : vector<16xf32>
      %broadcast_in_dim3A_783 = arith.constant 37 : i32
      %broadcast_in_dim3A_784 = vector.broadcast %broadcast_in_dim3A_783 : i32 to vector<16xi32>
      %gather3A_785 = tpu.vector_load_idx %arg13[%add3A_442, %broadcast_in_dim3A_784] : memref<512x64xf32, #tpu.memory_space<vmem>>[vector<16xi32>, vector<16xi32>], vector<16xf32>,
      %gather3A_786 = tpu.vector_load_idx %arg14[%add3A_442, %broadcast_in_dim3A_784] : memref<512x64xf32, #tpu.memory_space<vmem>>[vector<16xi32>, vector<16xi32>], vector<16xf32>,
      %gather3A_787 = tpu.vector_load_idx %arg15[%add3A_442, %broadcast_in_dim3A_784] : memref<512x64xf32, #tpu.memory_space<vmem>>[vector<16xi32>, vector<16xi32>], vector<16xf32>,
      %add3A_788 = arith.addf %gather3A_785, %gather3A_786 : vector<16xf32>
      %sub3A_789 = arith.subf %add3A_788, %gather3A_787 : vector<16xf32>
      %abs3A_790 = math.absf %sub3A_789 : vector<16xf32>
      %add3A_791 = arith.addf %add3A_782, %abs3A_790 : vector<16xf32>
      %broadcast_in_dim3A_792 = arith.constant 38 : i32
      %broadcast_in_dim3A_793 = vector.broadcast %broadcast_in_dim3A_792 : i32 to vector<16xi32>
      %gather3A_794 = tpu.vector_load_idx %arg13[%add3A_442, %broadcast_in_dim3A_793] : memref<512x64xf32, #tpu.memory_space<vmem>>[vector<16xi32>, vector<16xi32>], vector<16xf32>,
      %gather3A_795 = tpu.vector_load_idx %arg14[%add3A_442, %broadcast_in_dim3A_793] : memref<512x64xf32, #tpu.memory_space<vmem>>[vector<16xi32>, vector<16xi32>], vector<16xf32>,
      %gather3A_796 = tpu.vector_load_idx %arg15[%add3A_442, %broadcast_in_dim3A_793] : memref<512x64xf32, #tpu.memory_space<vmem>>[vector<16xi32>, vector<16xi32>], vector<16xf32>,
      %add3A_797 = arith.addf %gather3A_794, %gather3A_795 : vector<16xf32>
      %sub3A_798 = arith.subf %add3A_797, %gather3A_796 : vector<16xf32>
      %abs3A_799 = math.absf %sub3A_798 : vector<16xf32>
      %add3A_800 = arith.addf %add3A_791, %abs3A_799 : vector<16xf32>
      %broadcast_in_dim3A_801 = arith.constant 39 : i32
      %broadcast_in_dim3A_802 = vector.broadcast %broadcast_in_dim3A_801 : i32 to vector<16xi32>
      %gather3A_803 = tpu.vector_load_idx %arg13[%add3A_442, %broadcast_in_dim3A_802] : memref<512x64xf32, #tpu.memory_space<vmem>>[vector<16xi32>, vector<16xi32>], vector<16xf32>,
      %gather3A_804 = tpu.vector_load_idx %arg14[%add3A_442, %broadcast_in_dim3A_802] : memref<512x64xf32, #tpu.memory_space<vmem>>[vector<16xi32>, vector<16xi32>], vector<16xf32>,
      %gather3A_805 = tpu.vector_load_idx %arg15[%add3A_442, %broadcast_in_dim3A_802] : memref<512x64xf32, #tpu.memory_space<vmem>>[vector<16xi32>, vector<16xi32>], vector<16xf32>,
      %add3A_806 = arith.addf %gather3A_803, %gather3A_804 : vector<16xf32>
      %sub3A_807 = arith.subf %add3A_806, %gather3A_805 : vector<16xf32>
      %abs3A_808 = math.absf %sub3A_807 : vector<16xf32>
      %add3A_809 = arith.addf %add3A_800, %abs3A_808 : vector<16xf32>
      %broadcast_in_dim3A_810 = arith.constant 40 : i32
      %broadcast_in_dim3A_811 = vector.broadcast %broadcast_in_dim3A_810 : i32 to vector<16xi32>
      %gather3A_812 = tpu.vector_load_idx %arg13[%add3A_442, %broadcast_in_dim3A_811] : memref<512x64xf32, #tpu.memory_space<vmem>>[vector<16xi32>, vector<16xi32>], vector<16xf32>,
      %gather3A_813 = tpu.vector_load_idx %arg14[%add3A_442, %broadcast_in_dim3A_811] : memref<512x64xf32, #tpu.memory_space<vmem>>[vector<16xi32>, vector<16xi32>], vector<16xf32>,
      %gather3A_814 = tpu.vector_load_idx %arg15[%add3A_442, %broadcast_in_dim3A_811] : memref<512x64xf32, #tpu.memory_space<vmem>>[vector<16xi32>, vector<16xi32>], vector<16xf32>,
      %add3A_815 = arith.addf %gather3A_812, %gather3A_813 : vector<16xf32>
      %sub3A_816 = arith.subf %add3A_815, %gather3A_814 : vector<16xf32>
      %abs3A_817 = math.absf %sub3A_816 : vector<16xf32>
      %add3A_818 = arith.addf %add3A_809, %abs3A_817 : vector<16xf32>
      %broadcast_in_dim3A_819 = arith.constant 41 : i32
      %broadcast_in_dim3A_820 = vector.broadcast %broadcast_in_dim3A_819 : i32 to vector<16xi32>
      %gather3A_821 = tpu.vector_load_idx %arg13[%add3A_442, %broadcast_in_dim3A_820] : memref<512x64xf32, #tpu.memory_space<vmem>>[vector<16xi32>, vector<16xi32>], vector<16xf32>,
      %gather3A_822 = tpu.vector_load_idx %arg14[%add3A_442, %broadcast_in_dim3A_820] : memref<512x64xf32, #tpu.memory_space<vmem>>[vector<16xi32>, vector<16xi32>], vector<16xf32>,
      %gather3A_823 = tpu.vector_load_idx %arg15[%add3A_442, %broadcast_in_dim3A_820] : memref<512x64xf32, #tpu.memory_space<vmem>>[vector<16xi32>, vector<16xi32>], vector<16xf32>,
      %add3A_824 = arith.addf %gather3A_821, %gather3A_822 : vector<16xf32>
      %sub3A_825 = arith.subf %add3A_824, %gather3A_823 : vector<16xf32>
      %abs3A_826 = math.absf %sub3A_825 : vector<16xf32>
      %add3A_827 = arith.addf %add3A_818, %abs3A_826 : vector<16xf32>
      %broadcast_in_dim3A_828 = arith.constant 42 : i32
      %broadcast_in_dim3A_829 = vector.broadcast %broadcast_in_dim3A_828 : i32 to vector<16xi32>
      %gather3A_830 = tpu.vector_load_idx %arg13[%add3A_442, %broadcast_in_dim3A_829] : memref<512x64xf32, #tpu.memory_space<vmem>>[vector<16xi32>, vector<16xi32>], vector<16xf32>,
      %gather3A_831 = tpu.vector_load_idx %arg14[%add3A_442, %broadcast_in_dim3A_829] : memref<512x64xf32, #tpu.memory_space<vmem>>[vector<16xi32>, vector<16xi32>], vector<16xf32>,
      %gather3A_832 = tpu.vector_load_idx %arg15[%add3A_442, %broadcast_in_dim3A_829] : memref<512x64xf32, #tpu.memory_space<vmem>>[vector<16xi32>, vector<16xi32>], vector<16xf32>,
      %add3A_833 = arith.addf %gather3A_830, %gather3A_831 : vector<16xf32>
      %sub3A_834 = arith.subf %add3A_833, %gather3A_832 : vector<16xf32>
      %abs3A_835 = math.absf %sub3A_834 : vector<16xf32>
      %add3A_836 = arith.addf %add3A_827, %abs3A_835 : vector<16xf32>
      %broadcast_in_dim3A_837 = arith.constant 43 : i32
      %broadcast_in_dim3A_838 = vector.broadcast %broadcast_in_dim3A_837 : i32 to vector<16xi32>
      %gather3A_839 = tpu.vector_load_idx %arg13[%add3A_442, %broadcast_in_dim3A_838] : memref<512x64xf32, #tpu.memory_space<vmem>>[vector<16xi32>, vector<16xi32>], vector<16xf32>,
      %gather3A_840 = tpu.vector_load_idx %arg14[%add3A_442, %broadcast_in_dim3A_838] : memref<512x64xf32, #tpu.memory_space<vmem>>[vector<16xi32>, vector<16xi32>], vector<16xf32>,
      %gather3A_841 = tpu.vector_load_idx %arg15[%add3A_442, %broadcast_in_dim3A_838] : memref<512x64xf32, #tpu.memory_space<vmem>>[vector<16xi32>, vector<16xi32>], vector<16xf32>,
      %add3A_842 = arith.addf %gather3A_839, %gather3A_840 : vector<16xf32>
      %sub3A_843 = arith.subf %add3A_842, %gather3A_841 : vector<16xf32>
      %abs3A_844 = math.absf %sub3A_843 : vector<16xf32>
      %add3A_845 = arith.addf %add3A_836, %abs3A_844 : vector<16xf32>
      %broadcast_in_dim3A_846 = arith.constant 44 : i32
      %broadcast_in_dim3A_847 = vector.broadcast %broadcast_in_dim3A_846 : i32 to vector<16xi32>
      %gather3A_848 = tpu.vector_load_idx %arg13[%add3A_442, %broadcast_in_dim3A_847] : memref<512x64xf32, #tpu.memory_space<vmem>>[vector<16xi32>, vector<16xi32>], vector<16xf32>,
      %gather3A_849 = tpu.vector_load_idx %arg14[%add3A_442, %broadcast_in_dim3A_847] : memref<512x64xf32, #tpu.memory_space<vmem>>[vector<16xi32>, vector<16xi32>], vector<16xf32>,
      %gather3A_850 = tpu.vector_load_idx %arg15[%add3A_442, %broadcast_in_dim3A_847] : memref<512x64xf32, #tpu.memory_space<vmem>>[vector<16xi32>, vector<16xi32>], vector<16xf32>,
      %add3A_851 = arith.addf %gather3A_848, %gather3A_849 : vector<16xf32>
      %sub3A_852 = arith.subf %add3A_851, %gather3A_850 : vector<16xf32>
      %abs3A_853 = math.absf %sub3A_852 : vector<16xf32>
      %add3A_854 = arith.addf %add3A_845, %abs3A_853 : vector<16xf32>
      %broadcast_in_dim3A_855 = arith.constant 45 : i32
      %broadcast_in_dim3A_856 = vector.broadcast %broadcast_in_dim3A_855 : i32 to vector<16xi32>
      %gather3A_857 = tpu.vector_load_idx %arg13[%add3A_442, %broadcast_in_dim3A_856] : memref<512x64xf32, #tpu.memory_space<vmem>>[vector<16xi32>, vector<16xi32>], vector<16xf32>,
      %gather3A_858 = tpu.vector_load_idx %arg14[%add3A_442, %broadcast_in_dim3A_856] : memref<512x64xf32, #tpu.memory_space<vmem>>[vector<16xi32>, vector<16xi32>], vector<16xf32>,
      %gather3A_859 = tpu.vector_load_idx %arg15[%add3A_442, %broadcast_in_dim3A_856] : memref<512x64xf32, #tpu.memory_space<vmem>>[vector<16xi32>, vector<16xi32>], vector<16xf32>,
      %add3A_860 = arith.addf %gather3A_857, %gather3A_858 : vector<16xf32>
      %sub3A_861 = arith.subf %add3A_860, %gather3A_859 : vector<16xf32>
      %abs3A_862 = math.absf %sub3A_861 : vector<16xf32>
      %add3A_863 = arith.addf %add3A_854, %abs3A_862 : vector<16xf32>
      %broadcast_in_dim3A_864 = arith.constant 46 : i32
      %broadcast_in_dim3A_865 = vector.broadcast %broadcast_in_dim3A_864 : i32 to vector<16xi32>
      %gather3A_866 = tpu.vector_load_idx %arg13[%add3A_442, %broadcast_in_dim3A_865] : memref<512x64xf32, #tpu.memory_space<vmem>>[vector<16xi32>, vector<16xi32>], vector<16xf32>,
      %gather3A_867 = tpu.vector_load_idx %arg14[%add3A_442, %broadcast_in_dim3A_865] : memref<512x64xf32, #tpu.memory_space<vmem>>[vector<16xi32>, vector<16xi32>], vector<16xf32>,
      %gather3A_868 = tpu.vector_load_idx %arg15[%add3A_442, %broadcast_in_dim3A_865] : memref<512x64xf32, #tpu.memory_space<vmem>>[vector<16xi32>, vector<16xi32>], vector<16xf32>,
      %add3A_869 = arith.addf %gather3A_866, %gather3A_867 : vector<16xf32>
      %sub3A_870 = arith.subf %add3A_869, %gather3A_868 : vector<16xf32>
      %abs3A_871 = math.absf %sub3A_870 : vector<16xf32>
      %add3A_872 = arith.addf %add3A_863, %abs3A_871 : vector<16xf32>
      %broadcast_in_dim3A_873 = arith.constant 47 : i32
      %broadcast_in_dim3A_874 = vector.broadcast %broadcast_in_dim3A_873 : i32 to vector<16xi32>
      %gather3A_875 = tpu.vector_load_idx %arg13[%add3A_442, %broadcast_in_dim3A_874] : memref<512x64xf32, #tpu.memory_space<vmem>>[vector<16xi32>, vector<16xi32>], vector<16xf32>,
      %gather3A_876 = tpu.vector_load_idx %arg14[%add3A_442, %broadcast_in_dim3A_874] : memref<512x64xf32, #tpu.memory_space<vmem>>[vector<16xi32>, vector<16xi32>], vector<16xf32>,
      %gather3A_877 = tpu.vector_load_idx %arg15[%add3A_442, %broadcast_in_dim3A_874] : memref<512x64xf32, #tpu.memory_space<vmem>>[vector<16xi32>, vector<16xi32>], vector<16xf32>,
      %add3A_878 = arith.addf %gather3A_875, %gather3A_876 : vector<16xf32>
      %sub3A_879 = arith.subf %add3A_878, %gather3A_877 : vector<16xf32>
      %abs3A_880 = math.absf %sub3A_879 : vector<16xf32>
      %add3A_881 = arith.addf %add3A_872, %abs3A_880 : vector<16xf32>
      %broadcast_in_dim3A_882 = arith.constant 48 : i32
      %broadcast_in_dim3A_883 = vector.broadcast %broadcast_in_dim3A_882 : i32 to vector<16xi32>
      %gather3A_884 = tpu.vector_load_idx %arg13[%add3A_442, %broadcast_in_dim3A_883] : memref<512x64xf32, #tpu.memory_space<vmem>>[vector<16xi32>, vector<16xi32>], vector<16xf32>,
      %gather3A_885 = tpu.vector_load_idx %arg14[%add3A_442, %broadcast_in_dim3A_883] : memref<512x64xf32, #tpu.memory_space<vmem>>[vector<16xi32>, vector<16xi32>], vector<16xf32>,
      %gather3A_886 = tpu.vector_load_idx %arg15[%add3A_442, %broadcast_in_dim3A_883] : memref<512x64xf32, #tpu.memory_space<vmem>>[vector<16xi32>, vector<16xi32>], vector<16xf32>,
      %add3A_887 = arith.addf %gather3A_884, %gather3A_885 : vector<16xf32>
      %sub3A_888 = arith.subf %add3A_887, %gather3A_886 : vector<16xf32>
      %abs3A_889 = math.absf %sub3A_888 : vector<16xf32>
      %add3A_890 = arith.addf %add3A_881, %abs3A_889 : vector<16xf32>
      %broadcast_in_dim3A_891 = arith.constant 49 : i32
      %broadcast_in_dim3A_892 = vector.broadcast %broadcast_in_dim3A_891 : i32 to vector<16xi32>
      %gather3A_893 = tpu.vector_load_idx %arg13[%add3A_442, %broadcast_in_dim3A_892] : memref<512x64xf32, #tpu.memory_space<vmem>>[vector<16xi32>, vector<16xi32>], vector<16xf32>,
      %gather3A_894 = tpu.vector_load_idx %arg14[%add3A_442, %broadcast_in_dim3A_892] : memref<512x64xf32, #tpu.memory_space<vmem>>[vector<16xi32>, vector<16xi32>], vector<16xf32>,
      %gather3A_895 = tpu.vector_load_idx %arg15[%add3A_442, %broadcast_in_dim3A_892] : memref<512x64xf32, #tpu.memory_space<vmem>>[vector<16xi32>, vector<16xi32>], vector<16xf32>,
      %add3A_896 = arith.addf %gather3A_893, %gather3A_894 : vector<16xf32>
      %sub3A_897 = arith.subf %add3A_896, %gather3A_895 : vector<16xf32>
      %abs3A_898 = math.absf %sub3A_897 : vector<16xf32>
      %add3A_899 = arith.addf %add3A_890, %abs3A_898 : vector<16xf32>
      %broadcast_in_dim3A_900 = arith.constant 50 : i32
      %broadcast_in_dim3A_901 = vector.broadcast %broadcast_in_dim3A_900 : i32 to vector<16xi32>
      %gather3A_902 = tpu.vector_load_idx %arg13[%add3A_442, %broadcast_in_dim3A_901] : memref<512x64xf32, #tpu.memory_space<vmem>>[vector<16xi32>, vector<16xi32>], vector<16xf32>,
      %gather3A_903 = tpu.vector_load_idx %arg14[%add3A_442, %broadcast_in_dim3A_901] : memref<512x64xf32, #tpu.memory_space<vmem>>[vector<16xi32>, vector<16xi32>], vector<16xf32>,
      %gather3A_904 = tpu.vector_load_idx %arg15[%add3A_442, %broadcast_in_dim3A_901] : memref<512x64xf32, #tpu.memory_space<vmem>>[vector<16xi32>, vector<16xi32>], vector<16xf32>,
      %add3A_905 = arith.addf %gather3A_902, %gather3A_903 : vector<16xf32>
      %sub3A_906 = arith.subf %add3A_905, %gather3A_904 : vector<16xf32>
      %abs3A_907 = math.absf %sub3A_906 : vector<16xf32>
      %add3A_908 = arith.addf %add3A_899, %abs3A_907 : vector<16xf32>
      %broadcast_in_dim3A_909 = arith.constant 51 : i32
      %broadcast_in_dim3A_910 = vector.broadcast %broadcast_in_dim3A_909 : i32 to vector<16xi32>
      %gather3A_911 = tpu.vector_load_idx %arg13[%add3A_442, %broadcast_in_dim3A_910] : memref<512x64xf32, #tpu.memory_space<vmem>>[vector<16xi32>, vector<16xi32>], vector<16xf32>,
      %gather3A_912 = tpu.vector_load_idx %arg14[%add3A_442, %broadcast_in_dim3A_910] : memref<512x64xf32, #tpu.memory_space<vmem>>[vector<16xi32>, vector<16xi32>], vector<16xf32>,
      %gather3A_913 = tpu.vector_load_idx %arg15[%add3A_442, %broadcast_in_dim3A_910] : memref<512x64xf32, #tpu.memory_space<vmem>>[vector<16xi32>, vector<16xi32>], vector<16xf32>,
      %add3A_914 = arith.addf %gather3A_911, %gather3A_912 : vector<16xf32>
      %sub3A_915 = arith.subf %add3A_914, %gather3A_913 : vector<16xf32>
      %abs3A_916 = math.absf %sub3A_915 : vector<16xf32>
      %add3A_917 = arith.addf %add3A_908, %abs3A_916 : vector<16xf32>
      %broadcast_in_dim3A_918 = arith.constant 52 : i32
      %broadcast_in_dim3A_919 = vector.broadcast %broadcast_in_dim3A_918 : i32 to vector<16xi32>
      %gather3A_920 = tpu.vector_load_idx %arg13[%add3A_442, %broadcast_in_dim3A_919] : memref<512x64xf32, #tpu.memory_space<vmem>>[vector<16xi32>, vector<16xi32>], vector<16xf32>,
      %gather3A_921 = tpu.vector_load_idx %arg14[%add3A_442, %broadcast_in_dim3A_919] : memref<512x64xf32, #tpu.memory_space<vmem>>[vector<16xi32>, vector<16xi32>], vector<16xf32>,
      %gather3A_922 = tpu.vector_load_idx %arg15[%add3A_442, %broadcast_in_dim3A_919] : memref<512x64xf32, #tpu.memory_space<vmem>>[vector<16xi32>, vector<16xi32>], vector<16xf32>,
      %add3A_923 = arith.addf %gather3A_920, %gather3A_921 : vector<16xf32>
      %sub3A_924 = arith.subf %add3A_923, %gather3A_922 : vector<16xf32>
      %abs3A_925 = math.absf %sub3A_924 : vector<16xf32>
      %add3A_926 = arith.addf %add3A_917, %abs3A_925 : vector<16xf32>
      %broadcast_in_dim3A_927 = arith.constant 53 : i32
      %broadcast_in_dim3A_928 = vector.broadcast %broadcast_in_dim3A_927 : i32 to vector<16xi32>
      %gather3A_929 = tpu.vector_load_idx %arg13[%add3A_442, %broadcast_in_dim3A_928] : memref<512x64xf32, #tpu.memory_space<vmem>>[vector<16xi32>, vector<16xi32>], vector<16xf32>,
      %gather3A_930 = tpu.vector_load_idx %arg14[%add3A_442, %broadcast_in_dim3A_928] : memref<512x64xf32, #tpu.memory_space<vmem>>[vector<16xi32>, vector<16xi32>], vector<16xf32>,
      %gather3A_931 = tpu.vector_load_idx %arg15[%add3A_442, %broadcast_in_dim3A_928] : memref<512x64xf32, #tpu.memory_space<vmem>>[vector<16xi32>, vector<16xi32>], vector<16xf32>,
      %add3A_932 = arith.addf %gather3A_929, %gather3A_930 : vector<16xf32>
      %sub3A_933 = arith.subf %add3A_932, %gather3A_931 : vector<16xf32>
      %abs3A_934 = math.absf %sub3A_933 : vector<16xf32>
      %add3A_935 = arith.addf %add3A_926, %abs3A_934 : vector<16xf32>
      %broadcast_in_dim3A_936 = arith.constant 54 : i32
      %broadcast_in_dim3A_937 = vector.broadcast %broadcast_in_dim3A_936 : i32 to vector<16xi32>
      %gather3A_938 = tpu.vector_load_idx %arg13[%add3A_442, %broadcast_in_dim3A_937] : memref<512x64xf32, #tpu.memory_space<vmem>>[vector<16xi32>, vector<16xi32>], vector<16xf32>,
      %gather3A_939 = tpu.vector_load_idx %arg14[%add3A_442, %broadcast_in_dim3A_937] : memref<512x64xf32, #tpu.memory_space<vmem>>[vector<16xi32>, vector<16xi32>], vector<16xf32>,
      %gather3A_940 = tpu.vector_load_idx %arg15[%add3A_442, %broadcast_in_dim3A_937] : memref<512x64xf32, #tpu.memory_space<vmem>>[vector<16xi32>, vector<16xi32>], vector<16xf32>,
      %add3A_941 = arith.addf %gather3A_938, %gather3A_939 : vector<16xf32>
      %sub3A_942 = arith.subf %add3A_941, %gather3A_940 : vector<16xf32>
      %abs3A_943 = math.absf %sub3A_942 : vector<16xf32>
      %add3A_944 = arith.addf %add3A_935, %abs3A_943 : vector<16xf32>
      %broadcast_in_dim3A_945 = arith.constant 55 : i32
      %broadcast_in_dim3A_946 = vector.broadcast %broadcast_in_dim3A_945 : i32 to vector<16xi32>
      %gather3A_947 = tpu.vector_load_idx %arg13[%add3A_442, %broadcast_in_dim3A_946] : memref<512x64xf32, #tpu.memory_space<vmem>>[vector<16xi32>, vector<16xi32>], vector<16xf32>,
      %gather3A_948 = tpu.vector_load_idx %arg14[%add3A_442, %broadcast_in_dim3A_946] : memref<512x64xf32, #tpu.memory_space<vmem>>[vector<16xi32>, vector<16xi32>], vector<16xf32>,
      %gather3A_949 = tpu.vector_load_idx %arg15[%add3A_442, %broadcast_in_dim3A_946] : memref<512x64xf32, #tpu.memory_space<vmem>>[vector<16xi32>, vector<16xi32>], vector<16xf32>,
      %add3A_950 = arith.addf %gather3A_947, %gather3A_948 : vector<16xf32>
      %sub3A_951 = arith.subf %add3A_950, %gather3A_949 : vector<16xf32>
      %abs3A_952 = math.absf %sub3A_951 : vector<16xf32>
      %add3A_953 = arith.addf %add3A_944, %abs3A_952 : vector<16xf32>
      %broadcast_in_dim3A_954 = arith.constant 56 : i32
      %broadcast_in_dim3A_955 = vector.broadcast %broadcast_in_dim3A_954 : i32 to vector<16xi32>
      %gather3A_956 = tpu.vector_load_idx %arg13[%add3A_442, %broadcast_in_dim3A_955] : memref<512x64xf32, #tpu.memory_space<vmem>>[vector<16xi32>, vector<16xi32>], vector<16xf32>,
      %gather3A_957 = tpu.vector_load_idx %arg14[%add3A_442, %broadcast_in_dim3A_955] : memref<512x64xf32, #tpu.memory_space<vmem>>[vector<16xi32>, vector<16xi32>], vector<16xf32>,
      %gather3A_958 = tpu.vector_load_idx %arg15[%add3A_442, %broadcast_in_dim3A_955] : memref<512x64xf32, #tpu.memory_space<vmem>>[vector<16xi32>, vector<16xi32>], vector<16xf32>,
      %add3A_959 = arith.addf %gather3A_956, %gather3A_957 : vector<16xf32>
      %sub3A_960 = arith.subf %add3A_959, %gather3A_958 : vector<16xf32>
      %abs3A_961 = math.absf %sub3A_960 : vector<16xf32>
      %add3A_962 = arith.addf %add3A_953, %abs3A_961 : vector<16xf32>
      %broadcast_in_dim3A_963 = arith.constant 57 : i32
      %broadcast_in_dim3A_964 = vector.broadcast %broadcast_in_dim3A_963 : i32 to vector<16xi32>
      %gather3A_965 = tpu.vector_load_idx %arg13[%add3A_442, %broadcast_in_dim3A_964] : memref<512x64xf32, #tpu.memory_space<vmem>>[vector<16xi32>, vector<16xi32>], vector<16xf32>,
      %gather3A_966 = tpu.vector_load_idx %arg14[%add3A_442, %broadcast_in_dim3A_964] : memref<512x64xf32, #tpu.memory_space<vmem>>[vector<16xi32>, vector<16xi32>], vector<16xf32>,
      %gather3A_967 = tpu.vector_load_idx %arg15[%add3A_442, %broadcast_in_dim3A_964] : memref<512x64xf32, #tpu.memory_space<vmem>>[vector<16xi32>, vector<16xi32>], vector<16xf32>,
      %add3A_968 = arith.addf %gather3A_965, %gather3A_966 : vector<16xf32>
      %sub3A_969 = arith.subf %add3A_968, %gather3A_967 : vector<16xf32>
      %abs3A_970 = math.absf %sub3A_969 : vector<16xf32>
      %add3A_971 = arith.addf %add3A_962, %abs3A_970 : vector<16xf32>
      %broadcast_in_dim3A_972 = arith.constant 58 : i32
      %broadcast_in_dim3A_973 = vector.broadcast %broadcast_in_dim3A_972 : i32 to vector<16xi32>
      %gather3A_974 = tpu.vector_load_idx %arg13[%add3A_442, %broadcast_in_dim3A_973] : memref<512x64xf32, #tpu.memory_space<vmem>>[vector<16xi32>, vector<16xi32>], vector<16xf32>,
      %gather3A_975 = tpu.vector_load_idx %arg14[%add3A_442, %broadcast_in_dim3A_973] : memref<512x64xf32, #tpu.memory_space<vmem>>[vector<16xi32>, vector<16xi32>], vector<16xf32>,
      %gather3A_976 = tpu.vector_load_idx %arg15[%add3A_442, %broadcast_in_dim3A_973] : memref<512x64xf32, #tpu.memory_space<vmem>>[vector<16xi32>, vector<16xi32>], vector<16xf32>,
      %add3A_977 = arith.addf %gather3A_974, %gather3A_975 : vector<16xf32>
      %sub3A_978 = arith.subf %add3A_977, %gather3A_976 : vector<16xf32>
      %abs3A_979 = math.absf %sub3A_978 : vector<16xf32>
      %add3A_980 = arith.addf %add3A_971, %abs3A_979 : vector<16xf32>
      %broadcast_in_dim3A_981 = arith.constant 59 : i32
      %broadcast_in_dim3A_982 = vector.broadcast %broadcast_in_dim3A_981 : i32 to vector<16xi32>
      %gather3A_983 = tpu.vector_load_idx %arg13[%add3A_442, %broadcast_in_dim3A_982] : memref<512x64xf32, #tpu.memory_space<vmem>>[vector<16xi32>, vector<16xi32>], vector<16xf32>,
      %gather3A_984 = tpu.vector_load_idx %arg14[%add3A_442, %broadcast_in_dim3A_982] : memref<512x64xf32, #tpu.memory_space<vmem>>[vector<16xi32>, vector<16xi32>], vector<16xf32>,
      %gather3A_985 = tpu.vector_load_idx %arg15[%add3A_442, %broadcast_in_dim3A_982] : memref<512x64xf32, #tpu.memory_space<vmem>>[vector<16xi32>, vector<16xi32>], vector<16xf32>,
      %add3A_986 = arith.addf %gather3A_983, %gather3A_984 : vector<16xf32>
      %sub3A_987 = arith.subf %add3A_986, %gather3A_985 : vector<16xf32>
      %abs3A_988 = math.absf %sub3A_987 : vector<16xf32>
      %add3A_989 = arith.addf %add3A_980, %abs3A_988 : vector<16xf32>
      %broadcast_in_dim3A_990 = arith.constant 60 : i32
      %broadcast_in_dim3A_991 = vector.broadcast %broadcast_in_dim3A_990 : i32 to vector<16xi32>
      %gather3A_992 = tpu.vector_load_idx %arg13[%add3A_442, %broadcast_in_dim3A_991] : memref<512x64xf32, #tpu.memory_space<vmem>>[vector<16xi32>, vector<16xi32>], vector<16xf32>,
      %gather3A_993 = tpu.vector_load_idx %arg14[%add3A_442, %broadcast_in_dim3A_991] : memref<512x64xf32, #tpu.memory_space<vmem>>[vector<16xi32>, vector<16xi32>], vector<16xf32>,
      %gather3A_994 = tpu.vector_load_idx %arg15[%add3A_442, %broadcast_in_dim3A_991] : memref<512x64xf32, #tpu.memory_space<vmem>>[vector<16xi32>, vector<16xi32>], vector<16xf32>,
      %add3A_995 = arith.addf %gather3A_992, %gather3A_993 : vector<16xf32>
      %sub3A_996 = arith.subf %add3A_995, %gather3A_994 : vector<16xf32>
      %abs3A_997 = math.absf %sub3A_996 : vector<16xf32>
      %add3A_998 = arith.addf %add3A_989, %abs3A_997 : vector<16xf32>
      %broadcast_in_dim3A_999 = arith.constant 61 : i32
      %broadcast_in_dim3A_1000 = vector.broadcast %broadcast_in_dim3A_999 : i32 to vector<16xi32>
      %gather3A_1001 = tpu.vector_load_idx %arg13[%add3A_442, %broadcast_in_dim3A_1000] : memref<512x64xf32, #tpu.memory_space<vmem>>[vector<16xi32>, vector<16xi32>], vector<16xf32>,
      %gather3A_1002 = tpu.vector_load_idx %arg14[%add3A_442, %broadcast_in_dim3A_1000] : memref<512x64xf32, #tpu.memory_space<vmem>>[vector<16xi32>, vector<16xi32>], vector<16xf32>,
      %gather3A_1003 = tpu.vector_load_idx %arg15[%add3A_442, %broadcast_in_dim3A_1000] : memref<512x64xf32, #tpu.memory_space<vmem>>[vector<16xi32>, vector<16xi32>], vector<16xf32>,
      %add3A_1004 = arith.addf %gather3A_1001, %gather3A_1002 : vector<16xf32>
      %sub3A_1005 = arith.subf %add3A_1004, %gather3A_1003 : vector<16xf32>
      %abs3A_1006 = math.absf %sub3A_1005 : vector<16xf32>
      %add3A_1007 = arith.addf %add3A_998, %abs3A_1006 : vector<16xf32>
      %broadcast_in_dim3A_1008 = arith.constant 62 : i32
      %broadcast_in_dim3A_1009 = vector.broadcast %broadcast_in_dim3A_1008 : i32 to vector<16xi32>
      %gather3A_1010 = tpu.vector_load_idx %arg13[%add3A_442, %broadcast_in_dim3A_1009] : memref<512x64xf32, #tpu.memory_space<vmem>>[vector<16xi32>, vector<16xi32>], vector<16xf32>,
      %gather3A_1011 = tpu.vector_load_idx %arg14[%add3A_442, %broadcast_in_dim3A_1009] : memref<512x64xf32, #tpu.memory_space<vmem>>[vector<16xi32>, vector<16xi32>], vector<16xf32>,
      %gather3A_1012 = tpu.vector_load_idx %arg15[%add3A_442, %broadcast_in_dim3A_1009] : memref<512x64xf32, #tpu.memory_space<vmem>>[vector<16xi32>, vector<16xi32>], vector<16xf32>,
      %add3A_1013 = arith.addf %gather3A_1010, %gather3A_1011 : vector<16xf32>
      %sub3A_1014 = arith.subf %add3A_1013, %gather3A_1012 : vector<16xf32>
      %abs3A_1015 = math.absf %sub3A_1014 : vector<16xf32>
      %add3A_1016 = arith.addf %add3A_1007, %abs3A_1015 : vector<16xf32>
      %broadcast_in_dim3A_1017 = arith.constant 63 : i32
      %broadcast_in_dim3A_1018 = vector.broadcast %broadcast_in_dim3A_1017 : i32 to vector<16xi32>
      %gather3A_1019 = tpu.vector_load_idx %arg13[%add3A_442, %broadcast_in_dim3A_1018] : memref<512x64xf32, #tpu.memory_space<vmem>>[vector<16xi32>, vector<16xi32>], vector<16xf32>,
      %gather3A_1020 = tpu.vector_load_idx %arg14[%add3A_442, %broadcast_in_dim3A_1018] : memref<512x64xf32, #tpu.memory_space<vmem>>[vector<16xi32>, vector<16xi32>], vector<16xf32>,
      %gather3A_1021 = tpu.vector_load_idx %arg15[%add3A_442, %broadcast_in_dim3A_1018] : memref<512x64xf32, #tpu.memory_space<vmem>>[vector<16xi32>, vector<16xi32>], vector<16xf32>,
      %add3A_1022 = arith.addf %gather3A_1019, %gather3A_1020 : vector<16xf32>
      %sub3A_1023 = arith.subf %add3A_1022, %gather3A_1021 : vector<16xf32>
      %abs3A_1024 = math.absf %sub3A_1023 : vector<16xf32>
      %add3A_1025 = arith.addf %add3A_1016, %abs3A_1024 : vector<16xf32>
      %sub3A_1026 = arith.constant 9.000000e+00 : f32
      %sub3A_1027 = vector.broadcast %sub3A_1026 : f32 to vector<16xf32>
      %sub3A_1028 = arith.subf %sub3A_1027, %add3A_1025 : vector<16xf32>
      %add3A_1029 = arith.addf %sub3A_1028, %add3A_451 : vector<16xf32>
      %swap3A = arith.index_cast %mul3A_444 : i32 to index
      %swap3A_1030 = tpu.vector_load %arg19[%swap3A] {strides = array<i32>} : memref<512xf32, #tpu.memory_space<vmem>>, vector<16xf32>,
      tpu.vector_store %arg19[%swap3A], %add3A_1029 {strides = array<i32>} : memref<512xf32, #tpu.memory_space<vmem>>, vector<16xf32>,
    }
    %scan3A_437 = arith.constant 32 : i32
    "tpu.region"() ({
      %run_scoped3A = tpu.sem_alloc : memref<!tpu.dma_semaphore, #tpu.memory_space<semaphore_mem>>
      %dma_start3A_438 = tpu.memref_slice %arg9[%mul3A_2] : memref<16384xf32, #tpu.memory_space<hbm>> -> memref<512xf32, #tpu.memory_space<hbm>>
      %dma_start3A_439 = tpu.memref_slice %arg9[%mul3A_2] : memref<16384xf32, #tpu.memory_space<hbm>> -> memref<512xf32, #tpu.memory_space<hbm>>
      tpu.enqueue_dma source(%arg19 : memref<512xf32, #tpu.memory_space<vmem>>) target(%dma_start3A_439 : memref<512xf32, #tpu.memory_space<hbm>>) target_semaphore(%run_scoped3A : memref<!tpu.dma_semaphore, #tpu.memory_space<semaphore_mem>>)
      %dma_wait3A_440 = tpu.memref_slice %arg9[%mul3A_2] : memref<16384xf32, #tpu.memory_space<hbm>> -> memref<512xf32, #tpu.memory_space<hbm>>
      %dma_wait3A_441 = tpu.memref_slice %arg9[%mul3A_2] : memref<16384xf32, #tpu.memory_space<hbm>> -> memref<512xf32, #tpu.memory_space<hbm>>
      tpu.wait_dma2 semaphore(%run_scoped3A : memref<!tpu.dma_semaphore, #tpu.memory_space<semaphore_mem>>) src(%arg19 : memref<512xf32, #tpu.memory_space<vmem>>) dst(%dma_wait3A_441 : memref<512xf32, #tpu.memory_space<hbm>>)
      tpu.yield
    }) : () -> ()
    return
  }
}

</mosaic_0001>

<sc_bundles>
// kernel: kernel.3.cloned.1.call-start
scs
__scs_entry_jumppad:
0x0: {  	(pc) =	sbr.rel $0x88, $3  }
0x1: {  	(tag) =	ssettag $0x0;
	lr =	simm.s32 $0x1  }
0x2: {  	[smem:$0x3F9A] =	sst lr;
	_ =	strace $0xD0000000  }
0x3: {  	_ = 	snop  }
0x4: {  	_ = 	snop  }
0x5: {  	_ = 	snop  }
0x6: {  	_ = 	snop  }
0x7: {  	_ = 	snop  }
__scs_overlays_trampoline_lowered:
0x8: {  	[smem:$0x3FA9] =	sst s0  }
0x9: {  	[smem:$0x3FAA] =	sst s1  }
0xa: {  	[smem:$0x3FAB] =	sst s2  }
0xb: {  	[smem:$0x3FAC] =	sst s3  }
0xc: {  	[smem:$0x3FAD] =	sst s4  }
0xd: {  	[smem:$0x3FAE] =	sst s5  }
0xe: {  	[smem:$0x3FAF] =	sst s6  }
0xf: {  	[smem:$0x3FB0] =	sst s7  }
0x10: {  	[smem:$0x3FB1] =	sst s8  }
0x11: {  	[smem:$0x3FB2] =	sst s9;
	s0 =	simm.s32 @!p0 $0x0  }
0x12: {  	s1 =	sld [smem:$0x3F98];
	s0 =	simm.s32 @p0 $0x1  }
0x13: {  	[smem:$0x3FB3] =	sst s0;
	s0 =	simm.s32 @!p1 $0x0  }
0x14: {  	s2 =	sld [smem:$0x3F97];
	s0 =	simm.s32 @p1 $0x1  }
0x15: {  	[smem:$0x3FB4] =	sst s0;
	s0 =	simm.s32 @!p2 $0x0  }
0x16: {  	s3 =	sld [smem:$0x3FDB];
	s0 =	simm.s32 @p2 $0x1  }
0x17: {  	s4 =	simm.s32 $0x1BF5;
	[smem:$0x3FB6] =	sst s0  }
0x18: {  	s0 =	sld [smem:$0x3F99];
	_ =	swait.ge [sflag:s4], $0x0  }
0x19: {  	s7 =	sld [smem:$0x3F9A]  }
0x1a: {  	s8 =	sadd.s32 $0xFFFFE003, lr  }
0x1b: {  	s9 =	sadd.s32 $0xFFFFFEF7, lr;
	s5 =	simm.s32 $0xFFFFFFFF;
	p2 =	slt.u32 s8, $0xFFFFF086  }
0x1c: {  	p1 =	slt.u32 s9, $0xF7A;
	s5 =	simm.s32 @!p2 $0x0  }
0x1d: {  	s5 =	simm.s32 @p1 $0x1;
	p0 =	seq.s32 s7, s2  }
0x1e: {  	s7 =	smul.u32 @!p0 $0xF7A, s2;
	p2 =	seq.s32 @!p0 s5, $0x0  }
0x1f: {  	s9 =	smul.u32 $0xF7A, s1;
	s8 =	simm.s32 @!p0 $0x1BF5;
	p2 =	por !p2, p0  }
0x20: {  	[sflag:s8] =	ssyncset.s32 @!p0 $0xFFFFF086;
	s6 =	sadd.s32 @!p0 s3, s7;
	s7 =	simm.s32 @!p0 $0x108  }
0x21: {  	s3 =	sadd.s32 s3, s9;
	s6 =	sadd.s32 @!p0 $0x88, s6;
	s7 =	simm.s32 @p2 $0x1082  }
0x22: {  	[simem:s7], [sflag:s8] =	dma.local @!p0 [hbm:s6], $0xF7A  }
0x23: {  	s9 =	sor.u32 $0xD0000000, s2;
	s6 =	simm.s32 $0x108;
	_ =	swait.ge @!p0 [sflag:s8], $0x0  }
0x24: {  	s3 =	sadd.s32 $0x88, s3;
	s6 =	simm.s32 @!p1 $0x1082;
	[sflag:s4] =	ssyncset.s32 $0xFFFFF086  }
0x25: {  	[simem:s6], [sflag:s4] =	dma.local [hbm:s3], $0xF7A  }
0x26: {  	[smem:$0x3F9A] =	sst s1;
	(tag) =	ssettag s2;
	_ =	strace s9  }
0x27: {  	s1 =	sld [smem:$0x3FAA]  }
0x28: {  	s2 =	sld [smem:$0x3FAB]  }
0x29: {  	s4 =	sld [smem:$0x3FAD]  }
0x2a: {  	p0 =	seq.s32 s5, $0x0;
	s5 =	sld [smem:$0x3FAE]  }
0x2b: {  	s6 =	sld [smem:$0x3FAF]  }
0x2c: {  	s7 =	sld [smem:$0x3FB0]  }
0x2d: {  	s3 =	simm.s32 $0x108;
	s8 =	sld [smem:$0x3FB1]  }
0x2e: {  	s3 =	simm.s32 @!p0 $0x1082;
	s9 =	sld [smem:$0x3FB2]  }
0x2f: {  	lr =	sadd.s32 s0, s3;
	s0 =	sld [smem:$0x3FA9]  }
0x30: {  	s3 =	sld [smem:$0x3FAC]  }
0x31: {  	[smem:$0x3FB5] =	sst s10  }
0x32: {  	s10 =	sld [smem:$0x3FB3];
	_ =	sdelay $0x3  }
0x33: {  	p0 =	seq.s32 s10, $0x1;
	s10 =	sld [smem:$0x3FB5];
	_ =	sdelay $0x3  }
0x34: {  	[smem:$0x3FB5] =	sst s10  }
0x35: {  	s10 =	sld [smem:$0x3FB4];
	_ =	sdelay $0x3  }
0x36: {  	p1 =	seq.s32 s10, $0x1;
	s10 =	sld [smem:$0x3FB5];
	_ =	sdelay $0x3  }
0x37: {  	[smem:$0x3FB5] =	sst s10  }
0x38: {  	s10 =	sld [smem:$0x3FB6]  }
0x39: {  	_ = 	snop;
	(pc) =	sbr.ind lr, $3  }
0x3a: {  	_ = 	snop  }
0x3b: {  	_ = 	snop  }
0x3c: {  	p2 =	seq.s32 s10, $0x1;
	s10 =	sld [smem:$0x3FB5]  }
0x3d: {  	_ =	shalt  }
0x3e: {  	_ =	shalt  }
0x3f: {  	_ =	shalt  }
0x40: {  	_ =	shalt  }
0x41: {  	_ =	shalt  }
0x42: {  	_ =	shalt  }
0x43: {  	_ =	shalt  }
0x44: {  	_ =	shalt  }
0x45: {  	_ =	shalt  }
0x46: {  	_ =	shalt  }
0x47: {  	_ =	shalt  }
0x48: {  	_ =	shalt  }
0x49: {  	_ =	shalt  }
0x4a: {  	_ =	shalt  }
0x4b: {  	_ =	shalt  }
0x4c: {  	_ =	shalt  }
0x4d: {  	_ =	shalt  }
0x4e: {  	_ =	shalt  }
0x4f: {  	_ =	shalt  }
0x50: {  	_ =	shalt  }
0x51: {  	_ =	shalt  }
0x52: {  	_ =	shalt  }
0x53: {  	_ =	shalt  }
0x54: {  	_ =	shalt  }
0x55: {  	_ =	shalt  }
0x56: {  	_ =	shalt  }
0x57: {  	_ =	shalt  }
0x58: {  	_ =	shalt  }
0x59: {  	_ =	shalt  }
0x5a: {  	_ =	shalt  }
0x5b: {  	_ =	shalt  }
0x5c: {  	_ =	shalt  }
0x5d: {  	_ =	shalt  }
0x5e: {  	_ =	shalt  }
0x5f: {  	_ =	shalt  }
0x60: {  	_ =	shalt  }
0x61: {  	_ =	shalt  }
0x62: {  	_ =	shalt  }
0x63: {  	_ =	shalt  }
0x64: {  	_ =	shalt  }
0x65: {  	_ =	shalt  }
0x66: {  	_ =	shalt  }
0x67: {  	_ =	shalt  }
0x68: {  	_ =	shalt  }
0x69: {  	_ =	shalt  }
0x6a: {  	_ =	shalt  }
0x6b: {  	_ =	shalt  }
0x6c: {  	_ =	shalt  }
0x6d: {  	_ =	shalt  }
0x6e: {  	_ =	shalt  }
0x6f: {  	_ =	shalt  }
0x70: {  	_ =	shalt  }
0x71: {  	_ =	shalt  }
0x72: {  	_ =	shalt  }
0x73: {  	_ =	shalt  }
0x74: {  	_ =	shalt  }
0x75: {  	_ =	shalt  }
0x76: {  	_ =	shalt  }
0x77: {  	_ =	shalt  }
0x78: {  	_ =	shalt  }
0x79: {  	_ =	shalt  }
0x7a: {  	_ =	shalt  }
0x7b: {  	_ =	shalt  }
0x7c: {  	_ =	shalt  }
0x7d: {  	_ =	shalt  }
0x7e: {  	_ =	shalt  }
0x7f: {  	_ =	shalt  }
0x80: {  	_ =	shalt  }
0x81: {  	_ =	shalt  }
0x82: {  	_ =	shalt  }
0x83: {  	_ =	shalt  }
0x84: {  	_ =	shalt  }
0x85: {  	_ =	shalt  }
0x86: {  	_ =	shalt  }
0x87: {  	_ =	shalt  }
.Lfunc_end0:
.L_simem_size_0:
called_computation_lowered:
.L_overlay_start_0:
0x88: {  	s2 =	sld [smem:$0x3FD9]  }
0x89: {  	s3 =	sld [smem:$0x3FFE];
	_ =	sdelay $0x1  }
0x8a: {  	s1 =	srdreg.scid  }
0x8b: {  	s0 =	sand.u32 $0x1, s1  }
0x8c: {  	s17 =	sshll.u32 s0, $0xA;
	s2 =	sadd.s32 s3, s2  }
0x8d: {  	s2 =	sadd.s32 s2, s17  }
0x8e: {  	[smem:$0x3FC1] =	sst s2  }
0x8f: {  	_ = 	snop  }
0x90: {  	s2 =	sld [smem:$0x3FC9]  }
0x91: {  	s18 =	sld [smem:$0x3FC8]  }
0x92: {  	s4 =	sld [smem:$0x3FC7]  }
0x93: {  	s5 =	sld [smem:$0x3FC3]  }
0x94: {  	s6 =	sld [smem:$0x3FD0];
	(tm) =	ssettm $0x1  }
0x95: {  	s7 =	sld [smem:$0x3FFB];
	_ =	sdelay $0x3  }
0x96: {  	_ =	strace s7  }
0x97: {  	s7 =	sld [smem:$0x3FFC];
	_ =	sdelay $0x3  }
0x98: {  	_ =	strace s7  }
0x99: {  	s7 =	sld [smem:$0x3FFD];
	_ =	sdelay $0x3  }
0x9a: {  	_ =	strace s7  }
0x9b: {  	_ =	strace $0x8FFFFFFF  }
0x9c: {  	s19 =	sld [smem:$0x3FDB];
	_ =	sdelay $0x1  }
0x9d: {  	s8 =	simm.s32 $_scs_section_size  }
0x9e: {  	s9 =	simm.s32 $_size__tile_overlayer_lowered;
	s10 =	simm.s32 $_tile_overlayer_lowered  }
0x9f: {  	s22 =	simm.s32 $0x1BFF;
	s21 =	sshll.u32 s10, $0x1;
	s7 =	sadd.s32 s8, s19  }
0xa0: {  	s11 =	simm.s32 $0x0;
	s20 =	sshll.u32 s9, $0x1;
	s9 =	sadd.s32 s21, s7  }
0xa1: {  	[timem:s11], [sflag:s22] =	dma.local [hbm:s9], s20  }
0xa2: {  	_ =	swait.ge [sflag:s22], s20  }
0xa3: {  	s8 =	ssub.s32 $0x0, s20;
	[sflag:s22] =	ssyncset.done $0x0  }
0xa4: {  	[sflag:s22] =	ssyncadd.s32 s8;
	_ =	sdelay $0x1  }
0xa5: {  	s23 =	simm.s32 $0x1B8B  }
0xa6: {  	_ =	swait.ge [sflag:s23], $0x1  }
0xa7: {  	[sflag:s23] =	ssyncset.done $0x0  }
0xa8: {  	s25 =	simm.s32 $0x1B8E;
	s24 =	sld [smem:$0x3FFE];
	[sflag:s23] =	ssyncadd.s32 $0xFFFFFFFF  }
0xa9: {  	s26 =	simm.s32 $execute0_lowered;
	[smem:$0x3FD2] =	sst s25  }
0xaa: {  	s9 =	sshll.u32 s26, $0x1;
	_ =	strace $0x80000046;
	[dreg:$0x1] =	wrdreg $0xFFFFFFFF  }
0xab: {  	s28 =	simm.s32 $_size_execute0_lowered;
	s7 =	sadd.s32 s7, s9;
	[dreg:$0x0] =	wrdreg $0x0  }
0xac: {  	s9 =	sshll.u32 s28, $0x1;
	[dreg:$0x2] =	wrdreg s7  }
0xad: {  	[dreg:$0x3] =	wrdreg s9  }
0xae: {  	[dreg:$0x4] =	wrdreg $0xC0  }
0xaf: {  	_ =	task [dreg:s11], $0x5FFFF  }
0xb0: {  	[dreg:$0x1] =	wrdreg $0xFFFFFFFF  }
0xb1: {  	[dreg:$0x0] =	wrdreg $0x60  }
0xb2: {  	[dreg:$0x2] =	wrdreg s2  }
0xb3: {  	[dreg:$0x3] =	wrdreg s18  }
0xb4: {  	[dreg:$0x4] =	wrdreg s4  }
0xb5: {  	[dreg:$0x5] =	wrdreg s24  }
0xb6: {  	[dreg:$0x6] =	wrdreg s5  }
0xb7: {  	[dreg:$0x7] =	wrdreg s6  }
0xb8: {  	[dreg:$0x8] =	wrdreg $0x9  }
0xb9: {  	_ =	task.clear_ibuf [dreg:s11], $0x9FFFF;
	_ =	strace $0x90000046  }
0xba: {  	s29 =	simm.s32 $0x9;
	_ =	strace $0x80000048  }
0xbb: {  	_ =	swait.ge [sflag:s29], $0x1  }
0xbc: {  	[sflag:s29] =	ssyncadd.s32 $0xFFFFFFFF  }
0xbd: {  	_ =	strace $0x90000048  }
0xbe: {  	_ =	sfence  }
0xbf: {  	s30 =	sld [smem:$0x0];
	_ =	sdelay $0x2  }
0xc0: {  	s31 =	sshll.u32 s1, $0xD;
	s1 =	sshrl.u32 s1, $0x2  }
0xc1: {  	s3 =	sand.u32 $0x4000, s31;
	s1 =	sadd.s32 s1, s30  }
0xc2: {  	s0 =	sor.u32 s3, s0;
	s1 =	sshll.u32 s1, $0x11  }
0xc3: {  	s0 =	sor.u32 s1, s0  }
0xc4: {  	s0 =	sadd.s32 $0x8F2B, s0  }
0xc5: {  	[sflag:s0] =	ssyncadd.remote.s32 $0x1  }
0xc6: {  	_ =	sfence.sel $0xFFFF  }
0xc7: {  	[dreg:$0x0] =	wrdreg $0xFFFFFFFF;
	(pc) =	sbr.abs _section_cstart, $3  }
0xc8: {  	[dreg:$0x1] =	wrdreg $0xFFFFFFFF  }
0xc9: {  	_ =	task.clear_ibuf [dreg:s11], $0x2FFFF;
	_ =	strace $0x9FFFFFFF  }
0xca: {  	(tm) =	ssettm $0x7FFFFFFF  }
0xcb: {  	_ =	shalt  }
tec
execute0_lowered:
.L_overlay_start_1:
0x0: {  	(tag) =	ssettag $0x1  }
0x1: {  	s0 =	rddreg [dreg:$0x0]  }
0x2: {  	s3 =	rddreg [dreg:$0x1]  }
0x3: {  	s9 =	rddreg [dreg:$0x2]  }
0x4: {  	s6 =	rddreg [dreg:$0x3]  }
0x5: {  	s1 =	rddreg [dreg:$0x4]  }
0x6: {  	s10 =	rddreg [dreg:$0x5];
	s2 =	simm.s32 $0x0;
	s7 =	srdreg.scid  }
0x7: {  	s11 =	stileid.u32;
	s13 =	simm.s32 $0x200;
	s14 =	simm.s32 $0x400  }
0x8: {  	s15 =	simm.s32 $0x80;
	s16 =	simm.s32 $0x600;
	s17 =	simm.s32 $0x8600  }
0x9: {  	s18 =	simm.s32 $0x10600;
	s30 =	simm.s32 $0x300;
	s24 =	simm.s32 $0x180  }
0xa: {  	s26 =	simm.s32 $0x380;
	s31 =	simm.s32 $0x580;
	s25 =	simm.s32 $0x1  }
0xb: {  	s29 =	simm.s32 $0x18C00;
	[smem:$0x7FF] =	sst s2;
	s4 =	sadd.s32 $0xF42800, s6  }
0xc: {  	s5 =	sadd.s32 $0x400, s6;
	s7 =	sand.u32 $0x1, s7;
	s11 =	sshll.u32 s11, $0x7  }
0xd: {  	s6 =	sadd.s32 $0x2400, s6;
	s8 =	ssub.s32 $0x2, s7;
	s7 =	sshll.u32 s7, $0x6  }
0xe: {  	v0 =	vlaneseq.u32;
	_ =	strace $0x80000047;
	s12 =	sshrl.u32 s8, $0x1;
	s11 =	sor.u32 s7, s11  }
0xf: {  	v56 =	vmul.u32 $0x40, v0;
	s12 =	ssub.s32 s8, s12;
	s7 =	sadd.s32 s0, s11;
	s8 =	sadd.s32 s3, s11  }
0x10: {  	s9 =	sadd.s32 s9, s11;
	s10 =	sadd.s32 s10, s11;
	s0 =	simm.s32 $0x500  }
0x11: {  	[tilespmem:$0x1FFF0] =	vst v56;
	s3 =	simm.s32 $0x0;
	s11 =	smax.u32 s12, $0x1;
	s12 =	simm.s32 $0x2  }
.LBB2_1:
0x12: {  	[tilespmem:s2], [sflag:$0x2] =	stream.linear.gather [hbm4b:s7+s2], $0x200, $0x38;
	[tilespmem:$0x18E00] =	vst v63  }
0x13: {  	_ =	swait.ge [sflag:s12], $0x200  }
0x14: {  	[sflag:s12] =	ssyncset.done $0x0  }
0x15: {  	[sflag:s12] =	ssyncadd.s32 $0xFFFFFE00  }
0x16: {  	[tilespmem:s13], [sflag:$0x2] =	stream.linear.gather [hbm4b:s8+s2], $0x200, $0x38;
	[tilespmem:$0x18E00] =	vst v63  }
0x17: {  	_ =	swait.ge [sflag:s12], $0x200  }
0x18: {  	[sflag:s12] =	ssyncset.done $0x0  }
0x19: {  	[sflag:s12] =	ssyncadd.s32 $0xFFFFFE00  }
0x1a: {  	[tilespmem:s14], [sflag:$0x2] =	stream.linear.gather [hbm4b:s9+s2], $0x200, $0x38;
	[tilespmem:$0x18E00] =	vst v63  }
0x1b: {  	_ =	swait.ge [sflag:s12], $0x200  }
0x1c: {  	[sflag:s12] =	ssyncset.done $0x0  }
0x1d: {  	[sflag:s12] =	ssyncadd.s32 $0xFFFFFE00  }
0x1e: {  	[tilespmem:s16], [sflag:$0x1] =	stream.indirect.gather [hbm4b:s4+s15], $0x40, s2, s15, $0xb8;
	[tilespmem:$0x18E00] =	vst v63  }
0x1f: {  	_ = 	snop  }
0x20: {  	[tilespmem:s17], [sflag:$0x1] =	stream.indirect.gather [hbm4b:s5+s15], $0x40, s13, s15, $0xb8;
	[tilespmem:$0x18E00] =	vst v63  }
0x21: {  	_ = 	snop  }
0x22: {  	[tilespmem:s18], [sflag:$0x1] =	stream.indirect.gather [hbm4b:s4+s15], $0x40, s14, s15, $0xb8;
	[tilespmem:$0x18E00] =	vst v63  }
0x23: {  	s21 =	simm.s32 $0x18600  }
0x24: {  	[tilespmem:s21], [sflag:$0x1] =	stream.indirect.gather [hbm4b:s6+s15], $0x1, s2, s15, $0xb8;
	[tilespmem:$0x18E00] =	vst v63  }
0x25: {  	s23 =	simm.s32 $0x18800  }
0x26: {  	[tilespmem:s23], [sflag:$0x1] =	stream.indirect.gather [hbm4b:s1+s15], $0x1, s13, s15, $0xb8;
	[tilespmem:$0x18E00] =	vst v63  }
0x27: {  	s19 =	simm.s32 $0x18A00  }
0x28: {  	[tilespmem:s19], [sflag:$0x1] =	stream.indirect.gather [hbm4b:s6+s15], $0x1, s14, s15, $0xb8;
	[tilespmem:$0x18E00] =	vst v63  }
0x29: {  	s20 =	simm.s32 $0x2600  }
0x2a: {  	[tilespmem:s20], [sflag:$0x1] =	stream.indirect.gather [hbm4b:s4+s15], $0x40, s15, s15, $0xb8;
	[tilespmem:$0x18E00] =	vst v63  }
0x2b: {  	s22 =	simm.s32 $0xA600;
	s20 =	simm.s32 $0x280  }
0x2c: {  	[tilespmem:s22], [sflag:$0x1] =	stream.indirect.gather [hbm4b:s5+s15], $0x40, s20, s15, $0xb8;
	[tilespmem:$0x18E00] =	vst v63  }
0x2d: {  	s28 =	simm.s32 $0x12600;
	s22 =	simm.s32 $0x480  }
0x2e: {  	[tilespmem:s28], [sflag:$0x1] =	stream.indirect.gather [hbm4b:s4+s15], $0x40, s22, s15, $0xb8;
	[tilespmem:$0x18E00] =	vst v63  }
0x2f: {  	s28 =	simm.s32 $0x18680  }
0x30: {  	[tilespmem:s28], [sflag:$0x1] =	stream.indirect.gather [hbm4b:s6+s15], $0x1, s15, s15, $0xb8;
	[tilespmem:$0x18E00] =	vst v63  }
0x31: {  	s28 =	simm.s32 $0x18880  }
0x32: {  	[tilespmem:s28], [sflag:$0x1] =	stream.indirect.gather [hbm4b:s1+s15], $0x1, s20, s15, $0xb8;
	[tilespmem:$0x18E00] =	vst v63  }
0x33: {  	s28 =	simm.s32 $0x18A80  }
0x34: {  	[tilespmem:s28], [sflag:$0x1] =	stream.indirect.gather [hbm4b:s6+s15], $0x1, s22, s15, $0xb8;
	[tilespmem:$0x18E00] =	vst v63  }
0x35: {  	s20 =	simm.s32 $0x100;
	s28 =	simm.s32 $0x4600  }
0x36: {  	[tilespmem:s28], [sflag:$0x1] =	stream.indirect.gather [hbm4b:s4+s15], $0x40, s20, s15, $0xb8;
	[tilespmem:$0x18E00] =	vst v63  }
0x37: {  	s28 =	simm.s32 $0xC600  }
0x38: {  	[tilespmem:s28], [sflag:$0x1] =	stream.indirect.gather [hbm4b:s5+s15], $0x40, s30, s15, $0xb8;
	[tilespmem:$0x18E00] =	vst v63  }
0x39: {  	s28 =	simm.s32 $0x14600  }
0x3a: {  	[tilespmem:s28], [sflag:$0x1] =	stream.indirect.gather [hbm4b:s4+s15], $0x40, s0, s15, $0xb8;
	[tilespmem:$0x18E00] =	vst v63  }
0x3b: {  	s28 =	simm.s32 $0x18700  }
0x3c: {  	[tilespmem:s28], [sflag:$0x1] =	stream.indirect.gather [hbm4b:s6+s15], $0x1, s20, s15, $0xb8;
	[tilespmem:$0x18E00] =	vst v63  }
0x3d: {  	s28 =	simm.s32 $0x18900  }
0x3e: {  	[tilespmem:s28], [sflag:$0x1] =	stream.indirect.gather [hbm4b:s1+s15], $0x1, s30, s15, $0xb8;
	[tilespmem:$0x18E00] =	vst v63  }
0x3f: {  	s22 =	simm.s32 $0x18B00  }
0x40: {  	[tilespmem:s22], [sflag:$0x1] =	stream.indirect.gather [hbm4b:s6+s15], $0x1, s0, s15, $0xb8;
	[tilespmem:$0x18E00] =	vst v63  }
0x41: {  	s28 =	simm.s32 $0x6600  }
0x42: {  	[tilespmem:s28], [sflag:$0x1] =	stream.indirect.gather [hbm4b:s4+s15], $0x40, s24, s15, $0xb8;
	[tilespmem:$0x18E00] =	vst v63  }
0x43: {  	s22 =	simm.s32 $0xE600  }
0x44: {  	[tilespmem:s22], [sflag:$0x1] =	stream.indirect.gather [hbm4b:s5+s15], $0x40, s26, s15, $0xb8;
	[tilespmem:$0x18E00] =	vst v63  }
0x45: {  	s28 =	simm.s32 $0x16600  }
0x46: {  	[tilespmem:s28], [sflag:$0x1] =	stream.indirect.gather [hbm4b:s4+s15], $0x40, s31, s15, $0xb8;
	[tilespmem:$0x18E00] =	vst v63  }
0x47: {  	s22 =	simm.s32 $0x18780  }
0x48: {  	[tilespmem:s22], [sflag:$0x1] =	stream.indirect.gather [hbm4b:s6+s15], $0x1, s24, s15, $0xb8;
	[tilespmem:$0x18E00] =	vst v63  }
0x49: {  	s28 =	simm.s32 $0x18980  }
0x4a: {  	[tilespmem:s28], [sflag:$0x1] =	stream.indirect.gather [hbm4b:s1+s15], $0x1, s26, s15, $0xb8;
	[tilespmem:$0x18E00] =	vst v63  }
0x4b: {  	s22 =	simm.s32 $0x18B80  }
0x4c: {  	[tilespmem:s22], [sflag:$0x1] =	stream.indirect.gather [hbm4b:s6+s15], $0x1, s31, s15, $0xb8;
	[tilespmem:$0x18E00] =	vst v63  }
0x4d: {  	_ =	swait.ge [sflag:s25], $0x2000  }
0x4e: {  	[sflag:s25] =	ssyncset.done $0x0  }
0x4f: {  	[sflag:s25] =	ssyncadd.s32 $0xFFFFE000  }
0x50: {  	_ =	swait.ge [sflag:s25], $0x2000  }
0x51: {  	[sflag:s25] =	ssyncset.done $0x0  }
0x52: {  	[sflag:s25] =	ssyncadd.s32 $0xFFFFE000  }
0x53: {  	_ =	swait.ge [sflag:s25], $0x2000  }
0x54: {  	[sflag:s25] =	ssyncset.done $0x0  }
0x55: {  	[sflag:s25] =	ssyncadd.s32 $0xFFFFE000  }
0x56: {  	_ =	swait.ge [sflag:s25], $0x80  }
0x57: {  	[sflag:s25] =	ssyncset.done $0x0  }
0x58: {  	[sflag:s25] =	ssyncadd.s32 $0xFFFFFF80  }
0x59: {  	_ =	swait.ge [sflag:s25], $0x80  }
0x5a: {  	[sflag:s25] =	ssyncset.done $0x0  }
0x5b: {  	[sflag:s25] =	ssyncadd.s32 $0xFFFFFF80  }
0x5c: {  	_ =	swait.ge [sflag:s25], $0x80  }
0x5d: {  	[sflag:s25] =	ssyncset.done $0x0  }
0x5e: {  	[sflag:s25] =	ssyncadd.s32 $0xFFFFFF80  }
0x5f: {  	_ =	swait.ge [sflag:s25], $0x2000  }
0x60: {  	[sflag:s25] =	ssyncset.done $0x0  }
0x61: {  	[sflag:s25] =	ssyncadd.s32 $0xFFFFE000  }
0x62: {  	_ =	swait.ge [sflag:s25], $0x2000  }
0x63: {  	[sflag:s25] =	ssyncset.done $0x0  }
0x64: {  	[sflag:s25] =	ssyncadd.s32 $0xFFFFE000  }
0x65: {  	_ =	swait.ge [sflag:s25], $0x2000  }
0x66: {  	[sflag:s25] =	ssyncset.done $0x0  }
0x67: {  	[sflag:s25] =	ssyncadd.s32 $0xFFFFE000  }
0x68: {  	_ =	swait.ge [sflag:s25], $0x80  }
0x69: {  	[sflag:s25] =	ssyncset.done $0x0  }
0x6a: {  	[sflag:s25] =	ssyncadd.s32 $0xFFFFFF80  }
0x6b: {  	_ =	swait.ge [sflag:s25], $0x80  }
0x6c: {  	[sflag:s25] =	ssyncset.done $0x0  }
0x6d: {  	[sflag:s25] =	ssyncadd.s32 $0xFFFFFF80  }
0x6e: {  	_ =	swait.ge [sflag:s25], $0x80  }
0x6f: {  	[sflag:s25] =	ssyncset.done $0x0  }
0x70: {  	[sflag:s25] =	ssyncadd.s32 $0xFFFFFF80  }
0x71: {  	_ =	swait.ge [sflag:s25], $0x2000  }
0x72: {  	[sflag:s25] =	ssyncset.done $0x0  }
0x73: {  	[sflag:s25] =	ssyncadd.s32 $0xFFFFE000  }
0x74: {  	_ =	swait.ge [sflag:s25], $0x2000  }
0x75: {  	[sflag:s25] =	ssyncset.done $0x0  }
0x76: {  	[sflag:s25] =	ssyncadd.s32 $0xFFFFE000  }
0x77: {  	_ =	swait.ge [sflag:s25], $0x2000  }
0x78: {  	[sflag:s25] =	ssyncset.done $0x0  }
0x79: {  	[sflag:s25] =	ssyncadd.s32 $0xFFFFE000  }
0x7a: {  	_ =	swait.ge [sflag:s25], $0x80  }
0x7b: {  	[sflag:s25] =	ssyncset.done $0x0  }
0x7c: {  	[sflag:s25] =	ssyncadd.s32 $0xFFFFFF80  }
0x7d: {  	_ =	swait.ge [sflag:s25], $0x80  }
0x7e: {  	[sflag:s25] =	ssyncset.done $0x0  }
0x7f: {  	[sflag:s25] =	ssyncadd.s32 $0xFFFFFF80  }
0x80: {  	_ =	swait.ge [sflag:s25], $0x80  }
0x81: {  	[sflag:s25] =	ssyncset.done $0x0  }
0x82: {  	[sflag:s25] =	ssyncadd.s32 $0xFFFFFF80  }
0x83: {  	_ =	swait.ge [sflag:s25], $0x2000  }
0x84: {  	[sflag:s25] =	ssyncset.done $0x0  }
0x85: {  	[sflag:s25] =	ssyncadd.s32 $0xFFFFE000  }
0x86: {  	_ =	swait.ge [sflag:s25], $0x2000  }
0x87: {  	[sflag:s25] =	ssyncset.done $0x0  }
0x88: {  	[sflag:s25] =	ssyncadd.s32 $0xFFFFE000  }
0x89: {  	_ =	swait.ge [sflag:s25], $0x2000  }
0x8a: {  	[sflag:s25] =	ssyncset.done $0x0  }
0x8b: {  	[sflag:s25] =	ssyncadd.s32 $0xFFFFE000  }
0x8c: {  	_ =	swait.ge [sflag:s25], $0x80  }
0x8d: {  	v0 =	vmov s2;
	[sflag:s25] =	ssyncset.done $0x0  }
0x8e: {  	v0 =	vshll.u32 v0, $0x6;
	[sflag:s25] =	ssyncadd.s32 $0xFFFFFF80  }
0x8f: {  	v0 =	vor.u32 v56, v0;
	_ =	swait.ge [sflag:s25], $0x80  }
0x90: {  	v1 =	vor.u32 $0x15, v0;
	[sflag:s25] =	ssyncset.done $0x0  }
0x91: {  	[sflag:s25] =	ssyncadd.s32 $0xFFFFFF80  }
0x92: {  	_ =	swait.ge [sflag:s25], $0x80  }
0x93: {  	[sflag:s25] =	ssyncset.done $0x0  }
0x94: {  	[sflag:s25] =	ssyncadd.s32 $0xFFFFFF80  }
0x95: {  	v4 =	vor.u32 $0x14, v0;
	v2 =	vld.idx.msk [tilespmem:v1+s18+$0x0], $0xffff;
	_ =	sdelay $0x4  }
0x96: {  	v6 =	vor.u32 $0x13, v0;
	[tilespmem:$0x1FB40] =	vst v2;
	v2 =	vld.idx.msk [tilespmem:v4+s18+$0x0], $0xffff;
	_ =	sdelay $0x2  }
0x97: {  	v24 =	vor.u32 $0xA, v0  }
0x98: {  	v26 =	vor.u32 $0x8, v0  }
0x99: {  	v7 =	vor.u32 $0x12, v0;
	[tilespmem:$0x1FB30] =	vst v2;
	v2 =	vld.idx.msk [tilespmem:v6+s18+$0x0], $0xffff  }
0x9a: {  	v28 =	vor.u32 $0x6, v0  }
0x9b: {  	v29 =	vor.u32 $0x5, v0  }
0x9c: {  	v30 =	vor.u32 $0x4, v0;
	v41 =	vld.idx.msk [tilespmem:v24+s18+$0x0], $0xffff  }
0x9d: {  	v31 =	vor.u32 $0x3, v0;
	v37 =	vld.idx.msk [tilespmem:v26+s18+$0x0], $0xffff  }
0x9e: {  	v8 =	vor.u32 $0x11, v0;
	[tilespmem:$0x1FB20] =	vst v2;
	v2 =	vld.idx.msk [tilespmem:v7+s18+$0x0], $0xffff  }
0x9f: {  	v47 =	vld.idx.msk [tilespmem:v28+s18+$0x0], $0xffff  }
0xa0: {  	v32 =	vor.u32 $0x2, v0;
	v44 =	vld.idx.msk [tilespmem:v29+s18+$0x0], $0xffff  }
0xa1: {  	v33 =	vor.u32 $0x1, v0;
	v34 =	vld.idx.msk [tilespmem:v30+s18+$0x0], $0xffff  }
0xa2: {  	v42 =	vld.idx.msk [tilespmem:v31+s18+$0x0], $0xffff  }
0xa3: {  	v10 =	vor.u32 $0x10, v0;
	[tilespmem:$0x1FB10] =	vst v2;
	v2 =	vld.idx.msk [tilespmem:v8+s18+$0x0], $0xffff  }
0xa4: {  	v39 =	vld.idx.msk [tilespmem:v31+s16+$0x0], $0xffff  }
0xa5: {  	v36 =	vld.idx.msk [tilespmem:v32+s16+$0x0], $0xffff  }
0xa6: {  	v35 =	vld.idx.msk [tilespmem:v33+s16+$0x0], $0xffff  }
0xa7: {  	v40 =	vld.idx.msk [tilespmem:v33+s17+$0x0], $0xffff  }
0xa8: {  	v19 =	vor.u32 $0xF, v0;
	[tilespmem:$0x1FB00] =	vst v2;
	v2 =	vld.idx.msk [tilespmem:v10+s18+$0x0], $0xffff  }
0xa9: {  	v45 =	vld.idx.msk [tilespmem:v32+s17+$0x0], $0xffff  }
0xaa: {  	v46 =	vld.idx.msk [tilespmem:v33+s18+$0x0], $0xffff  }
0xab: {  	v31 =	vld.idx.msk [tilespmem:v31+s17+$0x0], $0xffff  }
0xac: {  	v52 =	vld.idx.msk [tilespmem:v28+s16+$0x0], $0xffff  }
0xad: {  	v20 =	vor.u32 $0xE, v0;
	[tilespmem:$0x1FAF0] =	vst v2;
	v2 =	vld.idx.msk [tilespmem:v19+s18+$0x0], $0xffff  }
0xae: {  	v53 =	vld.idx.msk [tilespmem:v28+s17+$0x0], $0xffff  }
0xaf: {  	v23 =	vor.u32 $0xB, v0;
	v56 =	vld.idx.msk [tilespmem:v26+s16+$0x0], $0xffff  }
0xb0: {  	v57 =	vld.idx.msk [tilespmem:v26+s17+$0x0], $0xffff  }
0xb1: {  	v22 =	vor.u32 $0xC, v0;
	v60 =	vld.idx.msk [tilespmem:v24+s16+$0x0], $0xffff  }
0xb2: {  	v21 =	vor.u32 $0xD, v0;
	[tilespmem:$0x1FAE0] =	vst v2;
	v2 =	vld.idx.msk [tilespmem:v20+s18+$0x0], $0xffff  }
0xb3: {  	v61 =	vld.idx.msk [tilespmem:v24+s17+$0x0], $0xffff  }
0xb4: {  	v62 =	vld.idx.msk [tilespmem:v23+s16+$0x0], $0xffff  }
0xb5: {  	v63 =	vld.idx.msk [tilespmem:v23+s17+$0x0], $0xffff  }
0xb6: {  	v9 =	vld.idx.msk [tilespmem:v22+s16+$0x0], $0xffff  }
0xb7: {  	[tilespmem:$0x1FAD0] =	vst v2;
	v2 =	vld.idx.msk [tilespmem:v21+s18+$0x0], $0xffff  }
0xb8: {  	v5 =	vld.idx.msk [tilespmem:v22+s17+$0x0], $0xffff  }
0xb9: {  	v12 =	vld.idx.msk [tilespmem:v21+s16+$0x0], $0xffff  }
0xba: {  	v16 =	vld.idx.msk [tilespmem:v19+s16+$0x0], $0xffff  }
0xbb: {  	v15 =	vld.idx.msk [tilespmem:v19+s17+$0x0], $0xffff  }
0xbc: {  	[tilespmem:$0x1FAC0] =	vst v2;
	v2 =	vld.idx.msk [tilespmem:v22+s18+$0x0], $0xffff  }
0xbd: {  	v24 =	vld.idx.msk [tilespmem:v7+s17+$0x0], $0xffff  }
0xbe: {  	v19 =	vld.idx.msk [tilespmem:v7+s16+$0x0], $0xffff;
	v7 =	vor.u32 $0x16, v0  }
0xbf: {  	v11 =	vld.idx.msk [tilespmem:v21+s17+$0x0], $0xffff  }
0xc0: {  	v28 =	vld.idx.msk [tilespmem:v1+s17+$0x0], $0xffff  }
0xc1: {  	[tilespmem:$0x1FAB0] =	vst v2;
	v2 =	vld.idx.msk [tilespmem:v23+s18+$0x0], $0xffff  }
0xc2: {  	v23 =	vld.idx.msk [tilespmem:v1+s16+$0x0], $0xffff  }
0xc3: {  	v1 =	vld.idx.msk [tilespmem:v7+s18+$0x0], $0xffff  }
0xc4: {  	v14 =	vld.idx.msk [tilespmem:v20+s16+$0x0], $0xffff  }
0xc5: {  	v13 =	vld.idx.msk [tilespmem:v20+s17+$0x0], $0xffff  }
0xc6: {  	v26 =	vld.idx.msk [tilespmem:v4+s16+$0x0], $0xffff  }
0xc7: {  	v20 =	vld.idx.msk [tilespmem:v4+s17+$0x0], $0xffff  }
0xc8: {  	v4 =	vld.idx.msk [tilespmem:v0+s16+$0x0], $0xffff;
	[tilespmem:$0x1FB50] =	vst v1;
	v1 =	vor.u32 $0x17, v0  }
0xc9: {  	v21 =	vld.idx.msk [tilespmem:v6+s16+$0x0], $0xffff  }
0xca: {  	v22 =	vld.idx.msk [tilespmem:v6+s17+$0x0], $0xffff  }
0xcb: {  	v6 =	vld.idx.msk [tilespmem:v0+s17+$0x0], $0xffff  }
0xcc: {  	v3 =	vld.idx.msk [tilespmem:v0+s18+$0x0], $0xffff  }
0xcd: {  	[tilespmem:$0x1FAA0] =	vst v2;
	v2 =	vld.idx.msk [tilespmem:v1+s18+$0x0], $0xffff  }
0xce: {  	v32 =	vld.idx.msk [tilespmem:v32+s18+$0x0], $0xffff  }
0xcf: {  	v48 =	vld.idx.msk [tilespmem:v30+s16+$0x0], $0xffff  }
0xd0: {  	v27 =	vor.u32 $0x7, v0;
	v49 =	vld.idx.msk [tilespmem:v30+s17+$0x0], $0xffff;
	v4 =	vadd.f32 v6, v4  }
0xd1: {  	v50 =	vld.idx.msk [tilespmem:v29+s16+$0x0], $0xffff;
	v6 =	vadd.f32 v40, v35  }
0xd2: {  	v3 =	vsub.f32 v4, v3;
	v33 =	vld.idx.msk [tilespmem:v1+s16+$0x0], $0xffff;
	[tilespmem:$0x1FB60] =	vst v2;
	v2 =	vor.u32 $0x19, v0  }
0xd3: {  	v4 =	vsub.f32 v6, v46;
	v35 =	vld.idx.msk [tilespmem:v1+s17+$0x0], $0xffff;
	v1 =	vadd.f32 v45, v36  }
0xd4: {  	v51 =	vld.idx.msk [tilespmem:v29+s17+$0x0], $0xffff;
	v3 =	vand.u32 $0x7FFFFFFF, v3  }
0xd5: {  	v54 =	vld.idx.msk [tilespmem:v27+s16+$0x0], $0xffff;
	v4 =	vand.u32 $0x7FFFFFFF, v4;
	v45 =	vadd.f32 v31, v39;
	v1 =	vsub.f32 v1, v32  }
0xd6: {  	v55 =	vld.idx.msk [tilespmem:v27+s17+$0x0], $0xffff;
	v3 =	vadd.f32 v4, v3  }
0xd7: {  	v4 =	vadd.f32 v49, v48;
	v49 =	vsub.f32 v45, v42;
	v1 =	vand.u32 $0x7FFFFFFF, v1;
	v31 =	vld.idx.msk [tilespmem:v2+s18+$0x0], $0xffff  }
0xd8: {  	v1 =	vadd.f32 v1, v3;
	v40 =	vld.idx.msk [tilespmem:v2+s16+$0x0], $0xffff  }
0xd9: {  	v3 =	vadd.f32 v51, v50;
	v42 =	vld.idx.msk [tilespmem:v2+s17+$0x0], $0xffff;
	v2 =	vsub.f32 v4, v34;
	v4 =	vand.u32 $0x7FFFFFFF, v49  }
0xda: {  	v38 =	vld.idx.msk [tilespmem:v27+s18+$0x0], $0xffff;
	v1 =	vadd.f32 v4, v1  }
0xdb: {  	v3 =	vsub.f32 v3, v44;
	v4 =	vadd.f32 v53, v52;
	v2 =	vand.u32 $0x7FFFFFFF, v2  }
0xdc: {  	v25 =	vor.u32 $0x9, v0;
	v1 =	vadd.f32 v2, v1  }
0xdd: {  	v3 =	vand.u32 $0x7FFFFFFF, v3;
	v2 =	vadd.f32 v55, v54;
	v4 =	vsub.f32 v4, v47  }
0xde: {  	v1 =	vadd.f32 v3, v1  }
0xdf: {  	v2 =	vsub.f32 v2, v38;
	v4 =	vand.u32 $0x7FFFFFFF, v4  }
0xe0: {  	v1 =	vadd.f32 v4, v1  }
0xe1: {  	v43 =	vld.idx.msk [tilespmem:v25+s18+$0x0], $0xffff;
	v6 =	vor.u32 $0x1A, v0;
	v2 =	vand.u32 $0x7FFFFFFF, v2  }
0xe2: {  	v58 =	vld.idx.msk [tilespmem:v25+s16+$0x0], $0xffff;
	v2 =	vadd.f32 v2, v1;
	v1 =	vor.u32 $0x3E, v0  }
0xe3: {  	v59 =	vld.idx.msk [tilespmem:v25+s17+$0x0], $0xffff  }
0xe4: {  	v29 =	vld.idx.msk [tilespmem:v7+s16+$0x0], $0xffff  }
0xe5: {  	v27 =	vld.idx.msk [tilespmem:v7+s17+$0x0], $0xffff;
	v48 =	vor.u32 $0x1C, v0  }
0xe6: {  	v46 =	vld.idx.msk [tilespmem:v6+s17+$0x0], $0xffff  }
0xe7: {  	[tilespmem:$0x1FB70] =	vst v1;
	v1 =	vld.idx.msk [tilespmem:v1+s18+$0x0], $0xffff  }
0xe8: {  	v45 =	vld.idx.msk [tilespmem:v6+s16+$0x0], $0xffff  }
0xe9: {  	v34 =	vld.idx.msk [tilespmem:v6+s18+$0x0], $0xffff;
	v6 =	vor.u32 $0x1D, v0  }
0xea: {  	v51 =	vld.idx.msk [tilespmem:v48+s17+$0x0], $0xffff  }
0xeb: {  	v49 =	vld.idx.msk [tilespmem:v48+s16+$0x0], $0xffff  }
0xec: {  	v25 =	vor.u32 $0x3D, v0;
	[tilespmem:$0x1FBA0] =	vst v1;
	v1 =	vld [tilespmem:$0x1FAB0]  }
0xed: {  	v7 =	vor.u32 $0x18, v0;
	v38 =	vld.idx.msk [tilespmem:v48+s18+$0x0], $0xffff;
	v3 =	vadd.f32 v57, v56  }
0xee: {  	v48 =	vld.idx.msk [tilespmem:v6+s16+$0x0], $0xffff  }
0xef: {  	v5 =	vadd.f32 v5, v9;
	v52 =	vld.idx.msk [tilespmem:v6+s17+$0x0], $0xffff;
	v3 =	vsub.f32 v3, v37  }
0xf0: {  	v4 =	vadd.f32 v59, v58;
	v37 =	vld.idx.msk [tilespmem:v6+s18+$0x0], $0xffff;
	v59 =	vadd.f32 v61, v60  }
0xf1: {  	v6 =	vor.u32 $0x3C, v0;
	v61 =	vadd.f32 v63, v62;
	v63 =	vsub.f32 v5, v1;
	v1 =	vld.idx.msk [tilespmem:v25+s18+$0x0], $0xffff  }
0xf2: {  	v30 =	vld.idx.msk [tilespmem:v7+s18+$0x0], $0xffff  }
0xf3: {  	v36 =	vld.idx.msk [tilespmem:v7+s16+$0x0], $0xffff  }
0xf4: {  	v39 =	vld.idx.msk [tilespmem:v7+s17+$0x0], $0xffff;
	v7 =	vor.u32 $0x1B, v0;
	_ =	sdelay $0x1  }
0xf5: {  	[tilespmem:$0x1FB90] =	vst v1;
	v1 =	vld.idx.msk [tilespmem:v6+s18+$0x0], $0xffff;
	_ =	sdelay $0x2  }
0xf6: {  	v32 =	vld.idx.msk [tilespmem:v7+s18+$0x0], $0xffff  }
0xf7: {  	v44 =	vld.idx.msk [tilespmem:v7+s16+$0x0], $0xffff  }
0xf8: {  	v60 =	vsub.f32 v4, v43;
	v3 =	vand.u32 $0x7FFFFFFF, v3;
	[tilespmem:$0x1FB80] =	vst v1;
	v1 =	vld [tilespmem:$0x1FAC0]  }
0xf9: {  	v47 =	vld.idx.msk [tilespmem:v7+s17+$0x0], $0xffff;
	v7 =	vor.u32 $0x1E, v0;
	v2 =	vadd.f32 v3, v2  }
0xfa: {  	v62 =	vand.u32 $0x7FFFFFFF, v60  }
0xfb: {  	v11 =	vadd.f32 v11, v12;
	v50 =	vadd.f32 v62, v2;
	v2 =	vld [tilespmem:$0x1FAA0];
	_ =	sdelay $0x1  }
0xfc: {  	v11 =	vsub.f32 v11, v1;
	v1 =	vld [tilespmem:$0x1FAD0]  }
0xfd: {  	v53 =	vld.idx.msk [tilespmem:v7+s16+$0x0], $0xffff;
	v3 =	vsub.f32 v59, v41  }
0xfe: {  	v54 =	vld.idx.msk [tilespmem:v7+s17+$0x0], $0xffff  }
0xff: {  	v13 =	vadd.f32 v13, v14;
	v43 =	vld.idx.msk [tilespmem:v7+s18+$0x0], $0xffff;
	v3 =	vand.u32 $0x7FFFFFFF, v3;
	v7 =	vsub.f32 v61, v2  }
0x100: {  	v9 =	vadd.f32 v3, v50  }
0x101: {  	v7 =	vand.u32 $0x7FFFFFFF, v7;
	v13 =	vsub.f32 v13, v1;
	v1 =	vld [tilespmem:$0x1FAE0]  }
0x102: {  	v12 =	vadd.f32 v7, v9  }
0x103: {  	v17 =	vld.idx.msk [tilespmem:v10+s16+$0x0], $0xffff;
	v14 =	vand.u32 $0x7FFFFFFF, v63  }
0x104: {  	v10 =	vld.idx.msk [tilespmem:v10+s17+$0x0], $0xffff;
	v12 =	vadd.f32 v14, v12;
	v14 =	vadd.f32 v15, v16;
	_ =	sdelay $0x1  }
0x105: {  	v14 =	vsub.f32 v14, v1;
	v1 =	vld [tilespmem:$0x1FAF0];
	_ =	sdelay $0x1  }
0x106: {  	v18 =	vld.idx.msk [tilespmem:v8+s16+$0x0], $0xffff  }
0x107: {  	v8 =	vld.idx.msk [tilespmem:v8+s17+$0x0], $0xffff;
	v10 =	vadd.f32 v10, v17;
	_ =	sdelay $0x1  }
0x108: {  	v10 =	vsub.f32 v10, v1;
	v1 =	vld [tilespmem:$0x1FB00];
	_ =	sdelay $0x2  }
0x109: {  	v8 =	vadd.f32 v8, v18;
	v58 =	vor.u32 $0x20, v0;
	v11 =	vand.u32 $0x7FFFFFFF, v11  }
0x10a: {  	v11 =	vadd.f32 v11, v12  }
0x10b: {  	v12 =	vand.u32 $0x7FFFFFFF, v13;
	v8 =	vsub.f32 v8, v1;
	v1 =	vld [tilespmem:$0x1FB10]  }
0x10c: {  	v59 =	vor.u32 $0x1F, v0;
	v11 =	vadd.f32 v12, v11  }
0x10d: {  	v4 =	vld [tilespmem:$0x1FB50];
	v14 =	vand.u32 $0x7FFFFFFF, v14  }
0x10e: {  	v55 =	vld.idx.msk [tilespmem:v58+s18+$0x0], $0xffff;
	v11 =	vadd.f32 v14, v11;
	v14 =	vadd.f32 v24, v19  }
0x10f: {  	v62 =	vld.idx.msk [tilespmem:v58+s16+$0x0], $0xffff  }
0x110: {  	v16 =	vsub.f32 v14, v1;
	v1 =	vld [tilespmem:$0x1FB20]  }
0x111: {  	v41 =	vor.u32 $0x21, v0;
	v60 =	vld.idx.msk [tilespmem:v59+s18+$0x0], $0xffff  }
0x112: {  	v61 =	vld.idx.msk [tilespmem:v59+s16+$0x0], $0xffff;
	v2 =	vor.u32 $0x24, v0;
	v10 =	vand.u32 $0x7FFFFFFF, v10  }
0x113: {  	v59 =	vld.idx.msk [tilespmem:v59+s17+$0x0], $0xffff;
	v15 =	vadd.f32 v22, v21;
	v10 =	vadd.f32 v10, v11  }
0x114: {  	v58 =	vld.idx.msk [tilespmem:v58+s17+$0x0], $0xffff;
	v8 =	vand.u32 $0x7FFFFFFF, v8  }
0x115: {  	v8 =	vadd.f32 v8, v10;
	v10 =	vsub.f32 v15, v1;
	v1 =	vld [tilespmem:$0x1FB30]  }
0x116: {  	v23 =	vadd.f32 v28, v23;
	v28 =	vor.u32 $0x31, v0;
	v50 =	vld.idx.msk [tilespmem:v41+s18+$0x0], $0xffff  }
0x117: {  	v46 =	vadd.f32 v46, v45;
	v48 =	vadd.f32 v52, v48;
	v52 =	vor.u32 $0x28, v0;
	v45 =	vld.idx.msk [tilespmem:v2+s16+$0x0], $0xffff  }
0x118: {  	v59 =	vadd.f32 v59, v61;
	v61 =	vor.u32 $0x25, v0;
	v63 =	vld.idx.msk [tilespmem:v41+s16+$0x0], $0xffff;
	v15 =	vadd.f32 v20, v26  }
0x119: {  	v58 =	vadd.f32 v58, v62;
	v41 =	vld.idx.msk [tilespmem:v41+s17+$0x0], $0xffff;
	v18 =	vand.u32 $0x7FFFFFFF, v16  }
0x11a: {  	v12 =	vor.u32 $0x39, v0;
	v8 =	vadd.f32 v18, v8;
	v18 =	vsub.f32 v15, v1;
	v1 =	vld [tilespmem:$0x1FB40]  }
0x11b: {  	v5 =	vld.idx.msk [tilespmem:v28+s18+$0x0], $0xffff;
	v13 =	vor.u32 $0x38, v0  }
0x11c: {  	v55 =	vsub.f32 v58, v55;
	v59 =	vsub.f32 v59, v60;
	v60 =	vld.idx.msk [tilespmem:v52+s18+$0x0], $0xffff  }
0x11d: {  	v17 =	vor.u32 $0x37, v0;
	v58 =	vld.idx.msk [tilespmem:v61+s18+$0x0], $0xffff  }
0x11e: {  	v41 =	vadd.f32 v41, v63;
	v63 =	vand.u32 $0x7FFFFFFF, v55;
	v55 =	vld.idx.msk [tilespmem:v61+s16+$0x0], $0xffff;
	v19 =	vor.u32 $0x36, v0  }
0x11f: {  	v21 =	vor.u32 $0x35, v0;
	v11 =	vld.idx.msk [tilespmem:v12+s18+$0x0], $0xffff;
	v3 =	vsub.f32 v23, v1  }
0x120: {  	v33 =	vadd.f32 v35, v33;
	v22 =	vor.u32 $0x34, v0;
	v14 =	vld.idx.msk [tilespmem:v13+s18+$0x0], $0xffff;
	v15 =	vand.u32 $0x7FFFFFFF, v10  }
0x121: {  	v24 =	vor.u32 $0x33, v0;
	v8 =	vadd.f32 v15, v8;
	v35 =	vand.u32 $0x7FFFFFFF, v3;
	v3 =	vld [tilespmem:$0x1FB60]  }
0x122: {  	v27 =	vadd.f32 v27, v29;
	v16 =	vld.idx.msk [tilespmem:v17+s18+$0x0], $0xffff;
	v26 =	vor.u32 $0x32, v0;
	v29 =	vand.u32 $0x7FFFFFFF, v18  }
0x123: {  	v20 =	vld.idx.msk [tilespmem:v19+s18+$0x0], $0xffff;
	v29 =	vadd.f32 v29, v8  }
0x124: {  	v27 =	vsub.f32 v27, v4;
	v10 =	vld.idx.msk [tilespmem:v21+s18+$0x0], $0xffff  }
0x125: {  	v36 =	vadd.f32 v39, v36;
	v15 =	vld.idx.msk [tilespmem:v22+s18+$0x0], $0xffff;
	v23 =	vor.u32 $0x23, v0;
	v29 =	vadd.f32 v35, v29  }
0x126: {  	v27 =	vand.u32 $0x7FFFFFFF, v27;
	v18 =	vld.idx.msk [tilespmem:v24+s18+$0x0], $0xffff;
	v1 =	vor.u32 $0x22, v0;
	v33 =	vsub.f32 v33, v3  }
0x127: {  	v8 =	vld.idx.msk [tilespmem:v26+s18+$0x0], $0xffff;
	v27 =	vadd.f32 v27, v29  }
0x128: {  	v35 =	vld.idx.msk [tilespmem:v2+s18+$0x0], $0xffff;
	v29 =	vsub.f32 v36, v30;
	v36 =	vadd.f32 v42, v40;
	v30 =	vand.u32 $0x7FFFFFFF, v33  }
0x129: {  	v2 =	vld.idx.msk [tilespmem:v2+s17+$0x0], $0xffff;
	v27 =	vadd.f32 v30, v27  }
0x12a: {  	v39 =	vld.idx.msk [tilespmem:v23+s18+$0x0], $0xffff;
	v31 =	vsub.f32 v36, v31;
	v29 =	vand.u32 $0x7FFFFFFF, v29  }
0x12b: {  	v4 =	vld.idx.msk [tilespmem:v1+s18+$0x0], $0xffff;
	v40 =	vadd.f32 v47, v44;
	v36 =	vor.u32 $0x2F, v0;
	v27 =	vadd.f32 v29, v27  }
0x12c: {  	v42 =	vld.idx.msk [tilespmem:v23+s16+$0x0], $0xffff;
	v31 =	vand.u32 $0x7FFFFFFF, v31;
	v30 =	vor.u32 $0x30, v0;
	v29 =	vsub.f32 v46, v34  }
0x12d: {  	v23 =	vld.idx.msk [tilespmem:v23+s17+$0x0], $0xffff;
	v44 =	vor.u32 $0x2D, v0;
	v34 =	vor.u32 $0x2E, v0;
	v27 =	vadd.f32 v31, v27  }
0x12e: {  	v32 =	vsub.f32 v40, v32;
	v33 =	vld.idx.msk [tilespmem:v1+s16+$0x0], $0xffff;
	v31 =	vadd.f32 v51, v49;
	v51 =	vand.u32 $0x7FFFFFFF, v29  }
0x12f: {  	v1 =	vld.idx.msk [tilespmem:v1+s17+$0x0], $0xffff;
	v46 =	vor.u32 $0x2C, v0;
	v27 =	vadd.f32 v51, v27  }
0x130: {  	v40 =	vor.u32 $0x2B, v0;
	v32 =	vand.u32 $0x7FFFFFFF, v32;
	v47 =	vld.idx.msk [tilespmem:v36+s18+$0x0], $0xffff;
	v31 =	vsub.f32 v31, v38  }
0x131: {  	v37 =	vsub.f32 v48, v37;
	v29 =	vld.idx.msk [tilespmem:v30+s18+$0x0], $0xffff;
	v38 =	vor.u32 $0x2A, v0;
	v27 =	vadd.f32 v32, v27  }
0x132: {  	v49 =	vor.u32 $0x29, v0;
	v51 =	vld.idx.msk [tilespmem:v34+s18+$0x0], $0xffff;
	v32 =	vadd.f32 v54, v53;
	v31 =	vand.u32 $0x7FFFFFFF, v31  }
0x133: {  	v48 =	vor.u32 $0x27, v0;
	v53 =	vld.idx.msk [tilespmem:v44+s18+$0x0], $0xffff;
	v27 =	vadd.f32 v31, v27  }
0x134: {  	v37 =	vand.u32 $0x7FFFFFFF, v37;
	v54 =	vld.idx.msk [tilespmem:v46+s18+$0x0], $0xffff;
	v31 =	vsub.f32 v32, v43;
	v32 =	vor.u32 $0x26, v0  }
0x135: {  	v43 =	vld.idx.msk [tilespmem:v40+s18+$0x0], $0xffff;
	v27 =	vadd.f32 v37, v27  }
0x136: {  	v3 =	vld.idx.msk [tilespmem:v38+s18+$0x0], $0xffff;
	v31 =	vand.u32 $0x7FFFFFFF, v31  }
0x137: {  	v37 =	vld.idx.msk [tilespmem:v49+s18+$0x0], $0xffff;
	v27 =	vadd.f32 v31, v27  }
0x138: {  	v62 =	vand.u32 $0x7FFFFFFF, v59;
	v1 =	vadd.f32 v1, v33;
	v31 =	vld.idx.msk [tilespmem:v48+s18+$0x0], $0xffff  }
0x139: {  	v59 =	vld.idx.msk [tilespmem:v32+s18+$0x0], $0xffff;
	v27 =	vadd.f32 v62, v27  }
0x13a: {  	v41 =	vsub.f32 v41, v50;
	v1 =	vsub.f32 v1, v4;
	v4 =	vld.idx.msk [tilespmem:v32+s16+$0x0], $0xffff  }
0x13b: {  	v62 =	vld.idx.msk [tilespmem:v61+s17+$0x0], $0xffff;
	v27 =	vadd.f32 v63, v27  }
0x13c: {  	v41 =	vand.u32 $0x7FFFFFFF, v41;
	v23 =	vadd.f32 v23, v42;
	v32 =	vld.idx.msk [tilespmem:v32+s17+$0x0], $0xffff  }
0x13d: {  	v61 =	vld.idx.msk [tilespmem:v44+s17+$0x0], $0xffff;
	v27 =	vadd.f32 v41, v27  }
0x13e: {  	v2 =	vadd.f32 v2, v45;
	v23 =	vsub.f32 v23, v39;
	v1 =	vand.u32 $0x7FFFFFFF, v1;
	v63 =	vld.idx.msk [tilespmem:v48+s16+$0x0], $0xffff  }
0x13f: {  	v48 =	vld.idx.msk [tilespmem:v48+s17+$0x0], $0xffff;
	v1 =	vadd.f32 v1, v27  }
0x140: {  	v2 =	vsub.f32 v2, v35;
	v23 =	vand.u32 $0x7FFFFFFF, v23;
	v33 =	vadd.f32 v62, v55;
	v27 =	vld.idx.msk [tilespmem:v52+s16+$0x0], $0xffff  }
0x141: {  	v52 =	vld.idx.msk [tilespmem:v52+s17+$0x0], $0xffff;
	v1 =	vadd.f32 v23, v1  }
0x142: {  	v2 =	vand.u32 $0x7FFFFFFF, v2;
	v4 =	vadd.f32 v32, v4;
	v55 =	vld.idx.msk [tilespmem:v49+s17+$0x0], $0xffff;
	v33 =	vsub.f32 v33, v58  }
0x143: {  	v23 =	vld.idx.msk [tilespmem:v49+s16+$0x0], $0xffff;
	v1 =	vadd.f32 v2, v1  }
0x144: {  	v4 =	vsub.f32 v4, v59;
	v39 =	vadd.f32 v48, v63;
	v33 =	vand.u32 $0x7FFFFFFF, v33;
	v2 =	vld.idx.msk [tilespmem:v38+s16+$0x0], $0xffff  }
0x145: {  	v38 =	vld.idx.msk [tilespmem:v38+s17+$0x0], $0xffff;
	v1 =	vadd.f32 v33, v1  }
0x146: {  	v59 =	vld.idx.msk [tilespmem:v40+s17+$0x0], $0xffff;
	v4 =	vand.u32 $0x7FFFFFFF, v4;
	v31 =	vsub.f32 v39, v31;
	v27 =	vadd.f32 v52, v27  }
0x147: {  	v58 =	vld.idx.msk [tilespmem:v40+s16+$0x0], $0xffff;
	v1 =	vadd.f32 v4, v1  }
0x148: {  	v31 =	vand.u32 $0x7FFFFFFF, v31;
	v27 =	vsub.f32 v27, v60;
	v23 =	vadd.f32 v55, v23;
	v60 =	vld.idx.msk [tilespmem:v46+s17+$0x0], $0xffff  }
0x149: {  	v4 =	vld.idx.msk [tilespmem:v46+s16+$0x0], $0xffff;
	v1 =	vadd.f32 v31, v1  }
0x14a: {  	v62 =	vld.idx.msk [tilespmem:v34+s17+$0x0], $0xffff;
	v27 =	vand.u32 $0x7FFFFFFF, v27;
	v23 =	vsub.f32 v23, v37;
	v2 =	vadd.f32 v38, v2  }
0x14b: {  	v31 =	vld.idx.msk [tilespmem:v44+s16+$0x0], $0xffff;
	v1 =	vadd.f32 v27, v1  }
0x14c: {  	v63 =	vld.idx.msk [tilespmem:v36+s17+$0x0], $0xffff;
	v23 =	vand.u32 $0x7FFFFFFF, v23;
	v2 =	vsub.f32 v2, v3;
	v3 =	vadd.f32 v59, v58  }
0x14d: {  	v27 =	vld.idx.msk [tilespmem:v34+s16+$0x0], $0xffff;
	v1 =	vadd.f32 v23, v1  }
0x14e: {  	v2 =	vand.u32 $0x7FFFFFFF, v2;
	v3 =	vsub.f32 v3, v43;
	v4 =	vadd.f32 v60, v4;
	v23 =	vld.idx.msk [tilespmem:v36+s16+$0x0], $0xffff  }
0x14f: {  	v1 =	vadd.f32 v2, v1;
	v2 =	vld.idx.msk [tilespmem:v30+s16+$0x0], $0xffff  }
0x150: {  	v3 =	vand.u32 $0x7FFFFFFF, v3;
	v4 =	vsub.f32 v4, v54;
	v31 =	vadd.f32 v61, v31;
	v30 =	vld.idx.msk [tilespmem:v30+s17+$0x0], $0xffff  }
0x151: {  	v1 =	vadd.f32 v3, v1;
	v3 =	vld.idx.msk [tilespmem:v28+s16+$0x0], $0xffff  }
0x152: {  	v4 =	vand.u32 $0x7FFFFFFF, v4;
	v31 =	vsub.f32 v31, v53;
	v27 =	vadd.f32 v62, v27;
	v28 =	vld.idx.msk [tilespmem:v28+s17+$0x0], $0xffff  }
0x153: {  	v1 =	vadd.f32 v4, v1;
	v4 =	vld.idx.msk [tilespmem:v26+s16+$0x0], $0xffff  }
0x154: {  	v31 =	vand.u32 $0x7FFFFFFF, v31;
	v27 =	vsub.f32 v27, v51;
	v23 =	vadd.f32 v63, v23;
	v26 =	vld.idx.msk [tilespmem:v26+s17+$0x0], $0xffff  }
0x155: {  	v1 =	vadd.f32 v31, v1;
	v31 =	vld.idx.msk [tilespmem:v24+s16+$0x0], $0xffff  }
0x156: {  	v27 =	vand.u32 $0x7FFFFFFF, v27;
	v23 =	vsub.f32 v23, v47;
	v2 =	vadd.f32 v30, v2;
	v24 =	vld.idx.msk [tilespmem:v24+s17+$0x0], $0xffff  }
0x157: {  	v3 =	vadd.f32 v28, v3;
	v1 =	vadd.f32 v27, v1;
	v27 =	vld.idx.msk [tilespmem:v22+s16+$0x0], $0xffff  }
0x158: {  	v23 =	vand.u32 $0x7FFFFFFF, v23;
	v2 =	vsub.f32 v2, v29;
	v22 =	vld.idx.msk [tilespmem:v22+s17+$0x0], $0xffff  }
0x159: {  	v3 =	vsub.f32 v3, v5;
	v5 =	vld.idx.msk [tilespmem:v21+s17+$0x0], $0xffff;
	v1 =	vadd.f32 v23, v1  }
0x15a: {  	v2 =	vand.u32 $0x7FFFFFFF, v2;
	v4 =	vadd.f32 v26, v4;
	v23 =	vld.idx.msk [tilespmem:v21+s16+$0x0], $0xffff  }
0x15b: {  	v1 =	vadd.f32 v2, v1;
	v2 =	vld.idx.msk [tilespmem:v19+s16+$0x0], $0xffff  }
0x15c: {  	v3 =	vand.u32 $0x7FFFFFFF, v3;
	v4 =	vsub.f32 v4, v8;
	v8 =	vadd.f32 v24, v31;
	v19 =	vld.idx.msk [tilespmem:v19+s17+$0x0], $0xffff  }
0x15d: {  	v56 =	vor.u32 $0x3A, v0;
	v1 =	vadd.f32 v3, v1;
	v3 =	vld.idx.msk [tilespmem:v17+s16+$0x0], $0xffff  }
0x15e: {  	v4 =	vand.u32 $0x7FFFFFFF, v4;
	v8 =	vsub.f32 v8, v18;
	v18 =	vadd.f32 v22, v27;
	v17 =	vld.idx.msk [tilespmem:v17+s17+$0x0], $0xffff  }
0x15f: {  	v5 =	vadd.f32 v5, v23;
	v1 =	vadd.f32 v4, v1;
	v4 =	vld.idx.msk [tilespmem:v13+s16+$0x0], $0xffff  }
0x160: {  	v57 =	vor.u32 $0x3B, v0;
	v13 =	vld.idx.msk [tilespmem:v13+s17+$0x0], $0xffff  }
0x161: {  	v8 =	vand.u32 $0x7FFFFFFF, v8;
	v15 =	vsub.f32 v18, v15;
	v5 =	vsub.f32 v5, v10;
	v10 =	vld.idx.msk [tilespmem:v12+s17+$0x0], $0xffff  }
0x162: {  	v1 =	vadd.f32 v8, v1;
	v8 =	vld.idx.msk [tilespmem:v12+s16+$0x0], $0xffff  }
0x163: {  	v15 =	vand.u32 $0x7FFFFFFF, v15;
	v2 =	vadd.f32 v19, v2;
	v12 =	vld.idx.msk [tilespmem:v56+s16+$0x0], $0xffff  }
0x164: {  	v1 =	vadd.f32 v15, v1;
	v15 =	vld.idx.msk [tilespmem:v56+s17+$0x0], $0xffff  }
0x165: {  	v9 =	vld.idx.msk [tilespmem:v56+s18+$0x0], $0xffff;
	v5 =	vand.u32 $0x7FFFFFFF, v5;
	v2 =	vsub.f32 v2, v20;
	v3 =	vadd.f32 v17, v3  }
0x166: {  	v4 =	vadd.f32 v13, v4;
	v13 =	vld.idx.msk [tilespmem:v57+s17+$0x0], $0xffff;
	v1 =	vadd.f32 v5, v1  }
0x167: {  	v2 =	vand.u32 $0x7FFFFFFF, v2;
	v5 =	vld.idx.msk [tilespmem:v57+s16+$0x0], $0xffff  }
0x168: {  	v3 =	vsub.f32 v3, v16;
	v1 =	vadd.f32 v2, v1;
	v2 =	vld.idx.msk [tilespmem:v6+s16+$0x0], $0xffff  }
0x169: {  	v8 =	vadd.f32 v10, v8;
	v10 =	vadd.f32 v15, v12;
	v12 =	vld [tilespmem:$0x1FB70]  }
0x16a: {  	v0 =	vor.u32 $0x3F, v0;
	v3 =	vand.u32 $0x7FFFFFFF, v3;
	v4 =	vsub.f32 v4, v14;
	v6 =	vld.idx.msk [tilespmem:v6+s17+$0x0], $0xffff  }
0x16b: {  	v7 =	vld.idx.msk [tilespmem:v57+s18+$0x0], $0xffff;
	v1 =	vadd.f32 v3, v1  }
0x16c: {  	v4 =	vand.u32 $0x7FFFFFFF, v4;
	v8 =	vsub.f32 v8, v11  }
0x16d: {  	v11 =	vld.idx.msk [tilespmem:v25+s17+$0x0], $0xffff;
	v1 =	vadd.f32 v4, v1  }
0x16e: {  	v3 =	vld.idx.msk [tilespmem:v25+s16+$0x0], $0xffff;
	v8 =	vand.u32 $0x7FFFFFFF, v8;
	v9 =	vsub.f32 v10, v9;
	v5 =	vadd.f32 v13, v5  }
0x16f: {  	v2 =	vadd.f32 v6, v2;
	v6 =	vld.idx.msk [tilespmem:v0+s17+$0x0], $0xffff;
	v1 =	vadd.f32 v8, v1  }
0x170: {  	v9 =	vand.u32 $0x7FFFFFFF, v9;
	v5 =	vsub.f32 v5, v7;
	v7 =	vld [tilespmem:$0x1FB80]  }
0x171: {  	v1 =	vadd.f32 v9, v1;
	v4 =	vld.idx.msk [tilespmem:v12+s16+$0x0], $0xffff  }
0x172: {  	v5 =	vand.u32 $0x7FFFFFFF, v5;
	v10 =	vld.idx.msk [tilespmem:v12+s17+$0x0], $0xffff  }
0x173: {  	v1 =	vadd.f32 v5, v1;
	v5 =	vld [tilespmem:$0x1FB90]  }
0x174: {  	v8 =	vld.idx.msk [tilespmem:v0+s16+$0x0], $0xffff  }
0x175: {  	v2 =	vsub.f32 v2, v7;
	v7 =	vld [tilespmem:$0x1FBA0]  }
0x176: {  	v3 =	vadd.f32 v11, v3  }
0x177: {  	v0 =	vld.idx.msk [tilespmem:v0+s18+$0x0], $0xffff  }
0x178: {  	v2 =	vand.u32 $0x7FFFFFFF, v2;
	v4 =	vadd.f32 v10, v4;
	v3 =	vsub.f32 v3, v5  }
0x179: {  	v1 =	vadd.f32 v2, v1  }
0x17a: {  	v6 =	vadd.f32 v6, v8;
	v4 =	vsub.f32 v4, v7;
	v3 =	vand.u32 $0x7FFFFFFF, v3  }
0x17b: {  	v1 =	vadd.f32 v3, v1  }
0x17c: {  	v0 =	vsub.f32 v6, v0;
	v4 =	vand.u32 $0x7FFFFFFF, v4  }
0x17d: {  	v2 =	vld [tilespmem:s21+$0x0];
	v1 =	vadd.f32 v4, v1  }
0x17e: {  	v5 =	vld [tilespmem:s23+$0x0];
	v0 =	vand.u32 $0x7FFFFFFF, v0  }
0x17f: {  	v0 =	vadd.f32 v0, v1;
	v1 =	vld [tilespmem:$0x1FFF0]  }
0x180: {  	v3 =	vld [tilespmem:s19+$0x0]  }
0x181: {  	s28 =	simm.s32 $0x10  }
0x182: {  	v4 =	vmov s28  }
0x183: {  	v2 =	vadd.f32 v5, v2;
	v4 =	vshll.u32 v4, $0x6  }
0x184: {  	v6 =	vor.u32 v1, v4  }
0x185: {  	v0 =	vsub.f32 $9.000000000e+00, v0;
	v1 =	vadd.f32 v3, v2;
	v4 =	vor.u32 $0x3E, v6;
	_ =	sdelay $0x1  }
0x186: {  	v0 =	vadd.f32 v0, v1;
	_ =	sdelay $0x1  }
0x187: {  	[tilespmem:s29+$0x0] =	vst v0  }
0x188: {  	v2 =	vor.u32 $0x3D, v6;
	v0 =	vld.idx.msk [tilespmem:v4+s18+$0x0], $0xffff;
	_ =	sdelay $0x4  }
0x189: {  	v3 =	vor.u32 $0x3C, v6;
	[tilespmem:$0x1FBC0] =	vst v0;
	v0 =	vld.idx.msk [tilespmem:v2+s18+$0x0], $0xffff;
	_ =	sdelay $0x4  }
0x18a: {  	v1 =	vor.u32 $0x3B, v6;
	[tilespmem:$0x1FBE0] =	vst v0;
	v0 =	vld.idx.msk [tilespmem:v3+s18+$0x0], $0xffff;
	_ =	sdelay $0x4  }
0x18b: {  	v5 =	vor.u32 $0x3A, v6;
	[tilespmem:$0x1FC00] =	vst v0;
	v0 =	vld.idx.msk [tilespmem:v1+s18+$0x0], $0xffff;
	_ =	sdelay $0x4  }
0x18c: {  	v7 =	vor.u32 $0x39, v6;
	[tilespmem:$0x1FC20] =	vst v0;
	v0 =	vld.idx.msk [tilespmem:v5+s18+$0x0], $0xffff;
	_ =	sdelay $0x3  }
0x18d: {  	[tilespmem:$0x1FBB0] =	vst v4  }
0x18e: {  	v4 =	vor.u32 $0x38, v6;
	[tilespmem:$0x1FC40] =	vst v0;
	v0 =	vld.idx.msk [tilespmem:v7+s18+$0x0], $0xffff;
	_ =	sdelay $0x3  }
0x18f: {  	[tilespmem:$0x1FBD0] =	vst v2  }
0x190: {  	v2 =	vor.u32 $0x37, v6;
	[tilespmem:$0x1FC60] =	vst v0;
	v0 =	vld.idx.msk [tilespmem:v4+s18+$0x0], $0xffff;
	_ =	sdelay $0x3  }
0x191: {  	[tilespmem:$0x1FBF0] =	vst v3  }
0x192: {  	v3 =	vor.u32 $0x36, v6;
	[tilespmem:$0x1FC80] =	vst v0;
	v0 =	vld.idx.msk [tilespmem:v2+s18+$0x0], $0xffff;
	_ =	sdelay $0x3  }
0x193: {  	[tilespmem:$0x1FC10] =	vst v1  }
0x194: {  	v1 =	vor.u32 $0x35, v6;
	[tilespmem:$0x1FCA0] =	vst v0;
	v0 =	vld.idx.msk [tilespmem:v3+s18+$0x0], $0xffff;
	_ =	sdelay $0x3  }
0x195: {  	[tilespmem:$0x1FC30] =	vst v5  }
0x196: {  	v5 =	vor.u32 $0x34, v6;
	[tilespmem:$0x1FCC0] =	vst v0;
	v0 =	vld.idx.msk [tilespmem:v1+s18+$0x0], $0xffff;
	_ =	sdelay $0x3  }
0x197: {  	[tilespmem:$0x1FC50] =	vst v7  }
0x198: {  	v7 =	vor.u32 $0x33, v6;
	[tilespmem:$0x1FCE0] =	vst v0;
	v0 =	vld.idx.msk [tilespmem:v5+s18+$0x0], $0xffff;
	_ =	sdelay $0x3  }
0x199: {  	[tilespmem:$0x1FC70] =	vst v4  }
0x19a: {  	v4 =	vor.u32 $0x32, v6;
	[tilespmem:$0x1FD00] =	vst v0;
	v0 =	vld.idx.msk [tilespmem:v7+s18+$0x0], $0xffff;
	_ =	sdelay $0x3  }
0x19b: {  	[tilespmem:$0x1FC90] =	vst v2  }
0x19c: {  	v2 =	vor.u32 $0x31, v6;
	[tilespmem:$0x1FD20] =	vst v0;
	v0 =	vld.idx.msk [tilespmem:v4+s18+$0x0], $0xffff;
	_ =	sdelay $0x3  }
0x19d: {  	[tilespmem:$0x1FCB0] =	vst v3  }
0x19e: {  	v3 =	vor.u32 $0x30, v6;
	[tilespmem:$0x1FD40] =	vst v0;
	v0 =	vld.idx.msk [tilespmem:v2+s18+$0x0], $0xffff;
	_ =	sdelay $0x3  }
0x19f: {  	[tilespmem:$0x1FCD0] =	vst v1  }
0x1a0: {  	v1 =	vor.u32 $0x2F, v6;
	[tilespmem:$0x1FD60] =	vst v0;
	v0 =	vld.idx.msk [tilespmem:v3+s18+$0x0], $0xffff;
	_ =	sdelay $0x3  }
0x1a1: {  	[tilespmem:$0x1FCF0] =	vst v5  }
0x1a2: {  	v5 =	vor.u32 $0x2E, v6;
	[tilespmem:$0x1FD80] =	vst v0;
	v0 =	vld.idx.msk [tilespmem:v1+s18+$0x0], $0xffff;
	_ =	sdelay $0x3  }
0x1a3: {  	[tilespmem:$0x1FD10] =	vst v7  }
0x1a4: {  	v7 =	vor.u32 $0x2D, v6;
	[tilespmem:$0x1FDA0] =	vst v0;
	v0 =	vld.idx.msk [tilespmem:v5+s18+$0x0], $0xffff;
	_ =	sdelay $0x3  }
0x1a5: {  	[tilespmem:$0x1FD30] =	vst v4  }
0x1a6: {  	v4 =	vor.u32 $0x2C, v6;
	[tilespmem:$0x1FDC0] =	vst v0;
	v0 =	vld.idx.msk [tilespmem:v7+s18+$0x0], $0xffff;
	_ =	sdelay $0x3  }
0x1a7: {  	[tilespmem:$0x1FD50] =	vst v2  }
0x1a8: {  	v2 =	vor.u32 $0x2B, v6;
	[tilespmem:$0x1FDE0] =	vst v0;
	v0 =	vld.idx.msk [tilespmem:v4+s18+$0x0], $0xffff;
	_ =	sdelay $0x3  }
0x1a9: {  	[tilespmem:$0x1FD70] =	vst v3  }
0x1aa: {  	v3 =	vor.u32 $0x2A, v6;
	[tilespmem:$0x1FE00] =	vst v0;
	v0 =	vld.idx.msk [tilespmem:v2+s18+$0x0], $0xffff;
	_ =	sdelay $0x3  }
0x1ab: {  	[tilespmem:$0x1FD90] =	vst v1  }
0x1ac: {  	v1 =	vor.u32 $0x29, v6;
	[tilespmem:$0x1FE20] =	vst v0;
	v0 =	vld.idx.msk [tilespmem:v3+s18+$0x0], $0xffff  }
0x1ad: {  	[tilespmem:$0x1FE10] =	vst v2;
	v2 =	vor.u32 $0x25, v6;
	_ =	sdelay $0x1  }
0x1ae: {  	[tilespmem:$0x1FDB0] =	vst v5  }
0x1af: {  	[tilespmem:$0x1FE30] =	vst v3  }
0x1b0: {  	v5 =	vor.u32 $0x28, v6;
	[tilespmem:$0x1FE40] =	vst v0;
	v0 =	vld.idx.msk [tilespmem:v1+s18+$0x0], $0xffff  }
0x1b1: {  	[tilespmem:$0x1FE50] =	vst v1;
	v3 =	vor.u32 $0x24, v6;
	v1 =	vld.idx.msk [tilespmem:v2+s18+$0x0], $0xffff;
	_ =	sdelay $0x2  }
0x1b2: {  	[tilespmem:$0x1FDD0] =	vst v7  }
0x1b3: {  	v7 =	vor.u32 $0x27, v6;
	[tilespmem:$0x1FE60] =	vst v0;
	v0 =	vld.idx.msk [tilespmem:v5+s18+$0x0], $0xffff  }
0x1b4: {  	v58 =	vor.u32 $0x23, v6;
	[tilespmem:$0x1FEE0] =	vst v1;
	v1 =	vld.idx.msk [tilespmem:v3+s18+$0x0], $0xffff;
	_ =	sdelay $0x2  }
0x1b5: {  	[tilespmem:$0x1FDF0] =	vst v4  }
0x1b6: {  	v4 =	vor.u32 $0x26, v6;
	[tilespmem:$0x1FE80] =	vst v0;
	v0 =	vld.idx.msk [tilespmem:v7+s18+$0x0], $0xffff  }
0x1b7: {  	v60 =	vor.u32 $0x22, v6;
	[tilespmem:$0x1FF00] =	vst v1;
	v1 =	vld.idx.msk [tilespmem:v58+s18+$0x0], $0xffff;
	_ =	sdelay $0x3  }
0x1b8: {  	[tilespmem:$0x1FEA0] =	vst v0;
	v0 =	vld.idx.msk [tilespmem:v4+s18+$0x0], $0xffff  }
0x1b9: {  	v62 =	vor.u32 $0x21, v6;
	[tilespmem:$0x1FF10] =	vst v1;
	v1 =	vld.idx.msk [tilespmem:v60+s18+$0x0], $0xffff;
	_ =	sdelay $0x3  }
0x1ba: {  	[tilespmem:$0x1FEC0] =	vst v0  }
0x1bb: {  	v0 =	vor.u32 $0x20, v6;
	[tilespmem:$0x1FF20] =	vst v1;
	v1 =	vld.idx.msk [tilespmem:v62+s18+$0x0], $0xffff;
	_ =	sdelay $0x3  }
0x1bc: {  	[tilespmem:$0x1FED0] =	vst v2  }
0x1bd: {  	v2 =	vor.u32 $0x1F, v6;
	[tilespmem:$0x1FF30] =	vst v1;
	v1 =	vld.idx.msk [tilespmem:v0+s18+$0x0], $0xffff;
	_ =	sdelay $0x3  }
0x1be: {  	[tilespmem:$0x1FE90] =	vst v7  }
0x1bf: {  	v7 =	vor.u32 $0x1E, v6;
	[tilespmem:$0x1FF40] =	vst v1;
	v1 =	vld.idx.msk [tilespmem:v2+s18+$0x0], $0xffff;
	_ =	sdelay $0x4  }
0x1c0: {  	v11 =	vor.u32 $0x1D, v6;
	[tilespmem:$0x1FF50] =	vst v1;
	v1 =	vld.idx.msk [tilespmem:v7+s18+$0x0], $0xffff;
	_ =	sdelay $0x4  }
0x1c1: {  	v15 =	vor.u32 $0x1C, v6;
	[tilespmem:$0x1FF60] =	vst v1;
	v1 =	vld.idx.msk [tilespmem:v11+s18+$0x0], $0xffff;
	_ =	sdelay $0x4  }
0x1c2: {  	v19 =	vor.u32 $0x1B, v6;
	[tilespmem:$0x1FF70] =	vst v1;
	v1 =	vld.idx.msk [tilespmem:v15+s18+$0x0], $0xffff;
	_ =	sdelay $0x4  }
0x1c3: {  	v23 =	vor.u32 $0x1A, v6;
	[tilespmem:$0x1FF80] =	vst v1;
	v1 =	vld.idx.msk [tilespmem:v19+s18+$0x0], $0xffff;
	_ =	sdelay $0x4  }
0x1c4: {  	v27 =	vor.u32 $0x19, v6;
	[tilespmem:$0x1FF90] =	vst v1;
	v1 =	vld.idx.msk [tilespmem:v23+s18+$0x0], $0xffff;
	_ =	sdelay $0x4  }
0x1c5: {  	v31 =	vor.u32 $0x18, v6;
	[tilespmem:$0x1FFA0] =	vst v1;
	v1 =	vld.idx.msk [tilespmem:v27+s18+$0x0], $0xffff  }
0x1c6: {  	v43 =	vor.u32 $0x15, v6  }
0x1c7: {  	v47 =	vor.u32 $0x13, v6  }
0x1c8: {  	v12 =	vor.u32 $0x11, v6  }
0x1c9: {  	v14 =	vor.u32 $0x10, v6  }
0x1ca: {  	v35 =	vor.u32 $0x17, v6;
	[tilespmem:$0x1FFB0] =	vst v1;
	v1 =	vld.idx.msk [tilespmem:v31+s18+$0x0], $0xffff  }
0x1cb: {  	v16 =	vor.u32 $0xF, v6;
	v37 =	vld.idx.msk [tilespmem:v43+s18+$0x0], $0xffff  }
0x1cc: {  	v55 =	vor.u32 $0xE, v6;
	v45 =	vld.idx.msk [tilespmem:v47+s18+$0x0], $0xffff  }
0x1cd: {  	v57 =	vor.u32 $0xD, v6;
	v8 =	vld.idx.msk [tilespmem:v12+s18+$0x0], $0xffff  }
0x1ce: {  	v24 =	vor.u32 $0xC, v6;
	v10 =	vld.idx.msk [tilespmem:v14+s18+$0x0], $0xffff  }
0x1cf: {  	v39 =	vor.u32 $0x16, v6;
	[tilespmem:$0x1FFC0] =	vst v1;
	v1 =	vld.idx.msk [tilespmem:v35+s18+$0x0], $0xffff  }
0x1d0: {  	v26 =	vor.u32 $0xB, v6;
	v51 =	vld.idx.msk [tilespmem:v16+s18+$0x0], $0xffff  }
0x1d1: {  	v28 =	vor.u32 $0xA, v6;
	v53 =	vld.idx.msk [tilespmem:v55+s18+$0x0], $0xffff  }
0x1d2: {  	v63 =	vor.u32 $0x9, v6;
	v18 =	vld.idx.msk [tilespmem:v57+s18+$0x0], $0xffff  }
0x1d3: {  	v36 =	vor.u32 $0x7, v6;
	v20 =	vld.idx.msk [tilespmem:v24+s18+$0x0], $0xffff  }
0x1d4: {  	v38 =	vor.u32 $0x6, v6;
	[tilespmem:$0x1FFD0] =	vst v1;
	v1 =	vld.idx.msk [tilespmem:v39+s18+$0x0], $0xffff  }
0x1d5: {  	v42 =	vor.u32 $0x4, v6;
	v22 =	vld.idx.msk [tilespmem:v26+s18+$0x0], $0xffff  }
0x1d6: {  	v49 =	vor.u32 $0x12, v6;
	v59 =	vld.idx.msk [tilespmem:v28+s18+$0x0], $0xffff  }
0x1d7: {  	v61 =	vld.idx.msk [tilespmem:v63+s18+$0x0], $0xffff;
	[tilespmem:$0x1FEF0] =	vst v3;
	v3 =	vor.u32 $0x14, v6  }
0x1d8: {  	v40 =	vor.u32 $0x5, v6;
	v32 =	vld.idx.msk [tilespmem:v36+s18+$0x0], $0xffff  }
0x1d9: {  	v34 =	vld.idx.msk [tilespmem:v38+s18+$0x0], $0xffff;
	[tilespmem:$0x1FFE0] =	vst v1;
	v1 =	vor.u32 $0x8, v6  }
0x1da: {  	v9 =	vld.idx.msk [tilespmem:v42+s18+$0x0], $0xffff  }
0x1db: {  	[tilespmem:$0x1FE70] =	vst v5;
	v5 =	vld.idx.msk [tilespmem:v49+s18+$0x0], $0xffff  }
0x1dc: {  	v41 =	vld.idx.msk [tilespmem:v3+s18+$0x0], $0xffff  }
0x1dd: {  	[tilespmem:$0x1FEB0] =	vst v4;
	v4 =	vld.idx.msk [tilespmem:v40+s18+$0x0], $0xffff  }
0x1de: {  	s20 =	simm.s32 $0x18C00;
	s22 =	simm.s32 $0x20;
	v13 =	vor.u32 $0x3, v6;
	v44 =	vor.u32 $0x2, v6;
	v30 =	vld.idx.msk [tilespmem:v1+s18+$0x0], $0xffff  }
.LBB2_2:
0x1df: {  	_ =	sdelay $0x3  }
0x1e0: {  	v17 =	vld.idx.msk [tilespmem:v13+s18+$0x0], $0xffff  }
0x1e1: {  	v48 =	vld.idx.msk [tilespmem:v13+s16+$0x0], $0xffff  }
0x1e2: {  	v46 =	vor.u32 $0x1, v6;
	v21 =	vld.idx.msk [tilespmem:v6+s18+$0x0], $0xffff  }
0x1e3: {  	v50 =	vld.idx.msk [tilespmem:v44+s16+$0x0], $0xffff  }
0x1e4: {  	v25 =	vld.idx.msk [tilespmem:v6+s16+$0x0], $0xffff  }
0x1e5: {  	v52 =	vld.idx.msk [tilespmem:v6+s17+$0x0], $0xffff  }
0x1e6: {  	v56 =	vld.idx.msk [tilespmem:v44+s17+$0x0], $0xffff  }
0x1e7: {  	v54 =	vld.idx.msk [tilespmem:v46+s16+$0x0], $0xffff  }
0x1e8: {  	v29 =	vld.idx.msk [tilespmem:v46+s17+$0x0], $0xffff  }
0x1e9: {  	v13 =	vld.idx.msk [tilespmem:v13+s17+$0x0], $0xffff  }
0x1ea: {  	v46 =	vld.idx.msk [tilespmem:v46+s18+$0x0], $0xffff  }
0x1eb: {  	v44 =	vld.idx.msk [tilespmem:v44+s18+$0x0], $0xffff  }
0x1ec: {  	v33 =	vld.idx.msk [tilespmem:v42+s16+$0x0], $0xffff  }
0x1ed: {  	v42 =	vld.idx.msk [tilespmem:v42+s17+$0x0], $0xffff;
	v25 =	vadd.f32 v52, v25;
	v29 =	vadd.f32 v29, v54  }
0x1ee: {  	v50 =	vadd.f32 v56, v50;
	v52 =	vld.idx.msk [tilespmem:v40+s16+$0x0], $0xffff;
	v13 =	vadd.f32 v13, v48  }
0x1ef: {  	v48 =	vld.idx.msk [tilespmem:v38+s17+$0x0], $0xffff;
	v21 =	vsub.f32 v25, v21;
	v25 =	vsub.f32 v29, v46  }
0x1f0: {  	v29 =	vld.idx.msk [tilespmem:v40+s17+$0x0], $0xffff  }
0x1f1: {  	v44 =	vsub.f32 v50, v44;
	v50 =	vld.idx.msk [tilespmem:v36+s17+$0x0], $0xffff;
	v21 =	vand.u32 $0x7FFFFFFF, v21;
	v25 =	vand.u32 $0x7FFFFFFF, v25  }
0x1f2: {  	v40 =	vld.idx.msk [tilespmem:v38+s16+$0x0], $0xffff;
	v21 =	vadd.f32 v25, v21  }
0x1f3: {  	v13 =	vsub.f32 v13, v17;
	v17 =	vadd.f32 v42, v33;
	v44 =	vand.u32 $0x7FFFFFFF, v44;
	v54 =	vld.idx.msk [tilespmem:v1+s16+$0x0], $0xffff  }
0x1f4: {  	v25 =	vld.idx.msk [tilespmem:v36+s16+$0x0], $0xffff;
	v21 =	vadd.f32 v44, v21  }
0x1f5: {  	v13 =	vand.u32 $0x7FFFFFFF, v13;
	v9 =	vsub.f32 v17, v9;
	v1 =	vld.idx.msk [tilespmem:v1+s17+$0x0], $0xffff;
	v17 =	vadd.f32 v29, v52  }
0x1f6: {  	v29 =	vld.idx.msk [tilespmem:v63+s17+$0x0], $0xffff;
	v13 =	vadd.f32 v13, v21  }
0x1f7: {  	v9 =	vand.u32 $0x7FFFFFFF, v9;
	v21 =	vld.idx.msk [tilespmem:v63+s16+$0x0], $0xffff;
	v4 =	vsub.f32 v17, v4;
	v17 =	vadd.f32 v48, v40  }
0x1f8: {  	v9 =	vadd.f32 v9, v13;
	v13 =	vld.idx.msk [tilespmem:v28+s16+$0x0], $0xffff  }
0x1f9: {  	v25 =	vadd.f32 v50, v25;
	v4 =	vand.u32 $0x7FFFFFFF, v4;
	v17 =	vsub.f32 v17, v34;
	v28 =	vld.idx.msk [tilespmem:v28+s17+$0x0], $0xffff  }
0x1fa: {  	v4 =	vadd.f32 v4, v9;
	v9 =	vld.idx.msk [tilespmem:v26+s16+$0x0], $0xffff  }
0x1fb: {  	v1 =	vadd.f32 v1, v54;
	v25 =	vsub.f32 v25, v32;
	v17 =	vand.u32 $0x7FFFFFFF, v17;
	v26 =	vld.idx.msk [tilespmem:v26+s17+$0x0], $0xffff  }
0x1fc: {  	v4 =	vadd.f32 v17, v4;
	v17 =	vld.idx.msk [tilespmem:v24+s16+$0x0], $0xffff  }
0x1fd: {  	v1 =	vsub.f32 v1, v30;
	v25 =	vand.u32 $0x7FFFFFFF, v25;
	v21 =	vadd.f32 v29, v21;
	v24 =	vld.idx.msk [tilespmem:v24+s17+$0x0], $0xffff  }
0x1fe: {  	v13 =	vadd.f32 v28, v13;
	v28 =	vld.idx.msk [tilespmem:v57+s17+$0x0], $0xffff;
	v4 =	vadd.f32 v25, v4  }
0x1ff: {  	v1 =	vand.u32 $0x7FFFFFFF, v1;
	v21 =	vsub.f32 v21, v61;
	v25 =	vld.idx.msk [tilespmem:v57+s16+$0x0], $0xffff  }
0x200: {  	v9 =	vadd.f32 v26, v9;
	v26 =	vld.idx.msk [tilespmem:v55+s17+$0x0], $0xffff;
	v1 =	vadd.f32 v1, v4  }
0x201: {  	v21 =	vand.u32 $0x7FFFFFFF, v21;
	v13 =	vsub.f32 v13, v59;
	v4 =	vld.idx.msk [tilespmem:v55+s16+$0x0], $0xffff  }
0x202: {  	v1 =	vadd.f32 v21, v1;
	v21 =	vld.idx.msk [tilespmem:v16+s16+$0x0], $0xffff  }
0x203: {  	v13 =	vand.u32 $0x7FFFFFFF, v13;
	v9 =	vsub.f32 v9, v22;
	v17 =	vadd.f32 v24, v17;
	v16 =	vld.idx.msk [tilespmem:v16+s17+$0x0], $0xffff  }
0x204: {  	v1 =	vadd.f32 v13, v1;
	v13 =	vld.idx.msk [tilespmem:v14+s16+$0x0], $0xffff  }
0x205: {  	v9 =	vand.u32 $0x7FFFFFFF, v9;
	v17 =	vsub.f32 v17, v20;
	v14 =	vld.idx.msk [tilespmem:v14+s17+$0x0], $0xffff  }
0x206: {  	v20 =	vadd.f32 v28, v25;
	v1 =	vadd.f32 v9, v1;
	v9 =	vld.idx.msk [tilespmem:v12+s16+$0x0], $0xffff  }
0x207: {  	v12 =	vld.idx.msk [tilespmem:v12+s17+$0x0], $0xffff  }
0x208: {  	v17 =	vand.u32 $0x7FFFFFFF, v17;
	v18 =	vsub.f32 v20, v18;
	v4 =	vadd.f32 v26, v4;
	v20 =	vld.idx.msk [tilespmem:v49+s17+$0x0], $0xffff  }
0x209: {  	v1 =	vadd.f32 v17, v1;
	v17 =	vld.idx.msk [tilespmem:v49+s16+$0x0], $0xffff  }
0x20a: {  	v18 =	vand.u32 $0x7FFFFFFF, v18;
	v4 =	vsub.f32 v4, v53;
	v13 =	vadd.f32 v14, v13;
	v14 =	vld.idx.msk [tilespmem:v47+s17+$0x0], $0xffff  }
0x20b: {  	v16 =	vadd.f32 v16, v21;
	v1 =	vadd.f32 v18, v1;
	v18 =	vld.idx.msk [tilespmem:v47+s16+$0x0], $0xffff  }
0x20c: {  	v4 =	vand.u32 $0x7FFFFFFF, v4;
	v9 =	vadd.f32 v12, v9;
	v12 =	vld.idx.msk [tilespmem:v43+s16+$0x0], $0xffff  }
0x20d: {  	v16 =	vsub.f32 v16, v51;
	v1 =	vadd.f32 v4, v1;
	v4 =	vld.idx.msk [tilespmem:v3+s16+$0x0], $0xffff  }
0x20e: {  	v10 =	vsub.f32 v13, v10;
	v3 =	vld.idx.msk [tilespmem:v3+s17+$0x0], $0xffff  }
0x20f: {  	v16 =	vand.u32 $0x7FFFFFFF, v16;
	v13 =	vld.idx.msk [tilespmem:v43+s17+$0x0], $0xffff;
	v8 =	vsub.f32 v9, v8;
	v9 =	vadd.f32 v20, v17  }
0x210: {  	v1 =	vadd.f32 v16, v1;
	v16 =	vld [tilespmem:$0x1FFE0]  }
0x211: {  	v10 =	vand.u32 $0x7FFFFFFF, v10;
	v5 =	vsub.f32 v9, v5;
	v9 =	vadd.f32 v14, v18;
	v14 =	vld.idx.msk [tilespmem:v39+s17+$0x0], $0xffff  }
0x212: {  	v1 =	vadd.f32 v10, v1;
	v10 =	vld.idx.msk [tilespmem:v39+s16+$0x0], $0xffff  }
0x213: {  	v8 =	vand.u32 $0x7FFFFFFF, v8;
	v3 =	vadd.f32 v3, v4;
	v4 =	vld.idx.msk [tilespmem:v35+s17+$0x0], $0xffff  }
0x214: {  	v1 =	vadd.f32 v8, v1;
	v8 =	vld.idx.msk [tilespmem:v35+s16+$0x0], $0xffff  }
0x215: {  	v12 =	vadd.f32 v13, v12;
	v13 =	vld.idx.msk [tilespmem:v31+s17+$0x0], $0xffff;
	v5 =	vand.u32 $0x7FFFFFFF, v5;
	v9 =	vsub.f32 v9, v45  }
0x216: {  	v1 =	vadd.f32 v5, v1;
	v5 =	vld.idx.msk [tilespmem:v31+s16+$0x0], $0xffff  }
0x217: {  	v9 =	vand.u32 $0x7FFFFFFF, v9;
	v10 =	vadd.f32 v14, v10;
	v14 =	vld.idx.msk [tilespmem:v27+s17+$0x0], $0xffff  }
0x218: {  	v3 =	vsub.f32 v3, v41;
	v1 =	vadd.f32 v9, v1;
	v9 =	vld.idx.msk [tilespmem:v27+s16+$0x0], $0xffff  }
0x219: {  	v4 =	vadd.f32 v4, v8;
	v8 =	vld.idx.msk [tilespmem:v23+s17+$0x0], $0xffff  }
0x21a: {  	v12 =	vsub.f32 v12, v37;
	v3 =	vand.u32 $0x7FFFFFFF, v3;
	v10 =	vsub.f32 v10, v16;
	v16 =	vld [tilespmem:$0x1FFD0]  }
0x21b: {  	v1 =	vadd.f32 v3, v1;
	v3 =	vld.idx.msk [tilespmem:v23+s16+$0x0], $0xffff  }
0x21c: {  	v12 =	vand.u32 $0x7FFFFFFF, v12;
	v5 =	vadd.f32 v13, v5;
	v13 =	vld.idx.msk [tilespmem:v19+s17+$0x0], $0xffff  }
0x21d: {  	v1 =	vadd.f32 v12, v1;
	v12 =	vld.idx.msk [tilespmem:v19+s16+$0x0], $0xffff  }
0x21e: {  	v10 =	vand.u32 $0x7FFFFFFF, v10;
	v9 =	vadd.f32 v14, v9;
	v14 =	vld.idx.msk [tilespmem:v15+s17+$0x0], $0xffff  }
0x21f: {  	v4 =	vsub.f32 v4, v16;
	v1 =	vadd.f32 v10, v1;
	v10 =	vld.idx.msk [tilespmem:v15+s16+$0x0], $0xffff  }
0x220: {  	v16 =	vld [tilespmem:$0x1FFC0]  }
0x221: {  	v3 =	vadd.f32 v8, v3;
	v8 =	vld.idx.msk [tilespmem:v11+s17+$0x0], $0xffff;
	v4 =	vand.u32 $0x7FFFFFFF, v4  }
0x222: {  	v1 =	vadd.f32 v4, v1;
	v4 =	vld.idx.msk [tilespmem:v11+s16+$0x0], $0xffff  }
0x223: {  	v11 =	vld [tilespmem:$0x1FFA0]  }
0x224: {  	v15 =	vld [tilespmem:$0x1FFB0];
	_ =	sdelay $0x2  }
0x225: {  	v5 =	vsub.f32 v5, v16  }
0x226: {  	v3 =	vsub.f32 v3, v11;
	v11 =	vadd.f32 v13, v12;
	v12 =	vld [tilespmem:$0x1FF90]  }
0x227: {  	v9 =	vsub.f32 v9, v15;
	v5 =	vand.u32 $0x7FFFFFFF, v5  }
0x228: {  	v1 =	vadd.f32 v5, v1  }
0x229: {  	v9 =	vand.u32 $0x7FFFFFFF, v9  }
0x22a: {  	v1 =	vadd.f32 v9, v1  }
0x22b: {  	v3 =	vand.u32 $0x7FFFFFFF, v3;
	v11 =	vsub.f32 v11, v12  }
0x22c: {  	v1 =	vadd.f32 v3, v1  }
0x22d: {  	v11 =	vand.u32 $0x7FFFFFFF, v11  }
0x22e: {  	v1 =	vadd.f32 v11, v1;
	v11 =	vld [tilespmem:$0x1FF70];
	_ =	sdelay $0x1  }
0x22f: {  	v5 =	vld.idx.msk [tilespmem:v7+s16+$0x0], $0xffff  }
0x230: {  	v7 =	vld.idx.msk [tilespmem:v7+s17+$0x0], $0xffff;
	v4 =	vadd.f32 v8, v4;
	_ =	sdelay $0x1  }
0x231: {  	v4 =	vsub.f32 v4, v11;
	v11 =	vld [tilespmem:$0x1FF60];
	_ =	sdelay $0x1  }
0x232: {  	v9 =	vld.idx.msk [tilespmem:v2+s16+$0x0], $0xffff  }
0x233: {  	v2 =	vld.idx.msk [tilespmem:v2+s17+$0x0], $0xffff;
	v5 =	vadd.f32 v7, v5;
	_ =	sdelay $0x1  }
0x234: {  	v5 =	vsub.f32 v5, v11;
	v11 =	vld [tilespmem:$0x1FF50]  }
0x235: {  	v12 =	vld [tilespmem:$0x1FF80];
	_ =	sdelay $0x1  }
0x236: {  	v2 =	vadd.f32 v2, v9  }
0x237: {  	v10 =	vadd.f32 v14, v10  }
0x238: {  	v2 =	vsub.f32 v2, v11;
	v11 =	vld [tilespmem:$0x1FEF0]  }
0x239: {  	v10 =	vsub.f32 v10, v12;
	_ =	sdelay $0x1  }
0x23a: {  	v8 =	vld.idx.msk [tilespmem:v62+s16+$0x0], $0xffff;
	v10 =	vand.u32 $0x7FFFFFFF, v10  }
0x23b: {  	v7 =	vld.idx.msk [tilespmem:v62+s17+$0x0], $0xffff;
	v1 =	vadd.f32 v10, v1  }
0x23c: {  	v4 =	vand.u32 $0x7FFFFFFF, v4  }
0x23d: {  	v1 =	vadd.f32 v4, v1  }
0x23e: {  	v5 =	vand.u32 $0x7FFFFFFF, v5  }
0x23f: {  	v1 =	vadd.f32 v5, v1;
	v5 =	vld.idx.msk [tilespmem:v11+s16+$0x0], $0xffff  }
0x240: {  	v7 =	vadd.f32 v7, v8;
	v8 =	vld.idx.msk [tilespmem:v11+s17+$0x0], $0xffff  }
0x241: {  	v11 =	vld [tilespmem:$0x1FED0];
	_ =	sdelay $0x2  }
0x242: {  	v9 =	vld.idx.msk [tilespmem:v60+s17+$0x0], $0xffff  }
0x243: {  	v10 =	vld.idx.msk [tilespmem:v60+s16+$0x0], $0xffff  }
0x244: {  	v3 =	vld.idx.msk [tilespmem:v0+s16+$0x0], $0xffff  }
0x245: {  	v0 =	vld.idx.msk [tilespmem:v0+s17+$0x0], $0xffff  }
0x246: {  	v12 =	vld [tilespmem:$0x1FF40];
	v2 =	vand.u32 $0x7FFFFFFF, v2  }
0x247: {  	v1 =	vadd.f32 v2, v1;
	v2 =	vld.idx.msk [tilespmem:v11+s16+$0x0], $0xffff  }
0x248: {  	v9 =	vadd.f32 v9, v10;
	v10 =	vld.idx.msk [tilespmem:v11+s17+$0x0], $0xffff  }
0x249: {  	v11 =	vld [tilespmem:$0x1FEB0];
	_ =	sdelay $0x2  }
0x24a: {  	v0 =	vadd.f32 v0, v3;
	v3 =	vld.idx.msk [tilespmem:v58+s17+$0x0], $0xffff  }
0x24b: {  	v4 =	vld.idx.msk [tilespmem:v58+s16+$0x0], $0xffff  }
0x24c: {  	v0 =	vsub.f32 v0, v12;
	_ =	sdelay $0x1  }
0x24d: {  	v12 =	vld [tilespmem:$0x1FF30];
	v0 =	vand.u32 $0x7FFFFFFF, v0  }
0x24e: {  	v0 =	vadd.f32 v0, v1;
	v1 =	vld.idx.msk [tilespmem:v11+s16+$0x0], $0xffff  }
0x24f: {  	v3 =	vadd.f32 v3, v4;
	v4 =	vld.idx.msk [tilespmem:v11+s17+$0x0], $0xffff  }
0x250: {  	v11 =	vld [tilespmem:$0x1FE90];
	_ =	sdelay $0x4  }
0x251: {  	v7 =	vsub.f32 v7, v12;
	_ =	sdelay $0x1  }
0x252: {  	v12 =	vld [tilespmem:$0x1FF20];
	v7 =	vand.u32 $0x7FFFFFFF, v7  }
0x253: {  	v0 =	vadd.f32 v7, v0;
	v7 =	vld.idx.msk [tilespmem:v11+s16+$0x0], $0xffff  }
0x254: {  	v5 =	vadd.f32 v8, v5;
	v8 =	vld.idx.msk [tilespmem:v11+s17+$0x0], $0xffff  }
0x255: {  	v11 =	vld [tilespmem:$0x1FE70];
	_ =	sdelay $0x4  }
0x256: {  	v9 =	vsub.f32 v9, v12;
	_ =	sdelay $0x1  }
0x257: {  	v12 =	vld [tilespmem:$0x1FF10];
	v9 =	vand.u32 $0x7FFFFFFF, v9  }
0x258: {  	v0 =	vadd.f32 v9, v0;
	v9 =	vld.idx.msk [tilespmem:v11+s16+$0x0], $0xffff  }
0x259: {  	v2 =	vadd.f32 v10, v2;
	v10 =	vld.idx.msk [tilespmem:v11+s17+$0x0], $0xffff  }
0x25a: {  	v11 =	vld [tilespmem:$0x1FE50];
	_ =	sdelay $0x4  }
0x25b: {  	v3 =	vsub.f32 v3, v12;
	_ =	sdelay $0x1  }
0x25c: {  	v12 =	vld [tilespmem:$0x1FF00];
	v3 =	vand.u32 $0x7FFFFFFF, v3  }
0x25d: {  	v0 =	vadd.f32 v3, v0;
	v3 =	vld.idx.msk [tilespmem:v11+s16+$0x0], $0xffff  }
0x25e: {  	v1 =	vadd.f32 v4, v1;
	v4 =	vld.idx.msk [tilespmem:v11+s17+$0x0], $0xffff  }
0x25f: {  	v11 =	vld [tilespmem:$0x1FE30];
	_ =	sdelay $0x4  }
0x260: {  	v5 =	vsub.f32 v5, v12;
	_ =	sdelay $0x1  }
0x261: {  	v12 =	vld [tilespmem:$0x1FEE0];
	v5 =	vand.u32 $0x7FFFFFFF, v5  }
0x262: {  	v0 =	vadd.f32 v5, v0;
	v5 =	vld.idx.msk [tilespmem:v11+s16+$0x0], $0xffff  }
0x263: {  	v7 =	vadd.f32 v8, v7;
	v8 =	vld.idx.msk [tilespmem:v11+s17+$0x0], $0xffff  }
0x264: {  	v11 =	vld [tilespmem:$0x1FE10];
	_ =	sdelay $0x4  }
0x265: {  	v2 =	vsub.f32 v2, v12;
	_ =	sdelay $0x1  }
0x266: {  	v12 =	vld [tilespmem:$0x1FEC0];
	v2 =	vand.u32 $0x7FFFFFFF, v2  }
0x267: {  	v0 =	vadd.f32 v2, v0;
	v2 =	vld.idx.msk [tilespmem:v11+s16+$0x0], $0xffff  }
0x268: {  	v9 =	vadd.f32 v10, v9;
	v10 =	vld.idx.msk [tilespmem:v11+s17+$0x0], $0xffff  }
0x269: {  	v11 =	vld [tilespmem:$0x1FDF0];
	_ =	sdelay $0x4  }
0x26a: {  	v1 =	vsub.f32 v1, v12;
	_ =	sdelay $0x1  }
0x26b: {  	v12 =	vld [tilespmem:$0x1FEA0];
	v1 =	vand.u32 $0x7FFFFFFF, v1  }
0x26c: {  	v0 =	vadd.f32 v1, v0;
	v1 =	vld.idx.msk [tilespmem:v11+s16+$0x0], $0xffff  }
0x26d: {  	v3 =	vadd.f32 v4, v3;
	v4 =	vld.idx.msk [tilespmem:v11+s17+$0x0], $0xffff  }
0x26e: {  	v11 =	vld [tilespmem:$0x1FDD0];
	_ =	sdelay $0x4  }
0x26f: {  	v7 =	vsub.f32 v7, v12;
	_ =	sdelay $0x1  }
0x270: {  	v12 =	vld [tilespmem:$0x1FE80];
	v7 =	vand.u32 $0x7FFFFFFF, v7  }
0x271: {  	v0 =	vadd.f32 v7, v0;
	v7 =	vld.idx.msk [tilespmem:v11+s16+$0x0], $0xffff  }
0x272: {  	v5 =	vadd.f32 v8, v5;
	v8 =	vld.idx.msk [tilespmem:v11+s17+$0x0], $0xffff  }
0x273: {  	v11 =	vld [tilespmem:$0x1FDB0];
	_ =	sdelay $0x4  }
0x274: {  	v9 =	vsub.f32 v9, v12;
	_ =	sdelay $0x1  }
0x275: {  	v12 =	vld [tilespmem:$0x1FE60];
	v9 =	vand.u32 $0x7FFFFFFF, v9  }
0x276: {  	v0 =	vadd.f32 v9, v0;
	v9 =	vld.idx.msk [tilespmem:v11+s16+$0x0], $0xffff  }
0x277: {  	v2 =	vadd.f32 v10, v2;
	v10 =	vld.idx.msk [tilespmem:v11+s17+$0x0], $0xffff  }
0x278: {  	v11 =	vld [tilespmem:$0x1FD90];
	_ =	sdelay $0x4  }
0x279: {  	v3 =	vsub.f32 v3, v12;
	_ =	sdelay $0x1  }
0x27a: {  	v12 =	vld [tilespmem:$0x1FE40];
	v3 =	vand.u32 $0x7FFFFFFF, v3  }
0x27b: {  	v0 =	vadd.f32 v3, v0;
	v3 =	vld.idx.msk [tilespmem:v11+s16+$0x0], $0xffff  }
0x27c: {  	v1 =	vadd.f32 v4, v1;
	v4 =	vld.idx.msk [tilespmem:v11+s17+$0x0], $0xffff  }
0x27d: {  	v11 =	vld [tilespmem:$0x1FD70];
	_ =	sdelay $0x4  }
0x27e: {  	v5 =	vsub.f32 v5, v12;
	_ =	sdelay $0x1  }
0x27f: {  	v12 =	vld [tilespmem:$0x1FE20];
	v5 =	vand.u32 $0x7FFFFFFF, v5  }
0x280: {  	v0 =	vadd.f32 v5, v0;
	v5 =	vld.idx.msk [tilespmem:v11+s16+$0x0], $0xffff  }
0x281: {  	v7 =	vadd.f32 v8, v7;
	v8 =	vld.idx.msk [tilespmem:v11+s17+$0x0], $0xffff  }
0x282: {  	v11 =	vld [tilespmem:$0x1FD50];
	_ =	sdelay $0x4  }
0x283: {  	v2 =	vsub.f32 v2, v12;
	_ =	sdelay $0x1  }
0x284: {  	v12 =	vld [tilespmem:$0x1FE00];
	v2 =	vand.u32 $0x7FFFFFFF, v2  }
0x285: {  	v0 =	vadd.f32 v2, v0;
	v2 =	vld.idx.msk [tilespmem:v11+s16+$0x0], $0xffff  }
0x286: {  	v9 =	vadd.f32 v10, v9;
	v10 =	vld.idx.msk [tilespmem:v11+s17+$0x0], $0xffff  }
0x287: {  	v11 =	vld [tilespmem:$0x1FD30];
	_ =	sdelay $0x4  }
0x288: {  	v1 =	vsub.f32 v1, v12;
	_ =	sdelay $0x1  }
0x289: {  	v12 =	vld [tilespmem:$0x1FDE0];
	v1 =	vand.u32 $0x7FFFFFFF, v1  }
0x28a: {  	v0 =	vadd.f32 v1, v0;
	v1 =	vld.idx.msk [tilespmem:v11+s16+$0x0], $0xffff  }
0x28b: {  	v3 =	vadd.f32 v4, v3;
	v4 =	vld.idx.msk [tilespmem:v11+s17+$0x0], $0xffff  }
0x28c: {  	v11 =	vld [tilespmem:$0x1FD10];
	_ =	sdelay $0x4  }
0x28d: {  	v7 =	vsub.f32 v7, v12;
	_ =	sdelay $0x1  }
0x28e: {  	v12 =	vld [tilespmem:$0x1FDC0];
	v7 =	vand.u32 $0x7FFFFFFF, v7  }
0x28f: {  	v0 =	vadd.f32 v7, v0;
	v7 =	vld.idx.msk [tilespmem:v11+s16+$0x0], $0xffff  }
0x290: {  	v5 =	vadd.f32 v8, v5;
	v8 =	vld.idx.msk [tilespmem:v11+s17+$0x0], $0xffff  }
0x291: {  	v11 =	vld [tilespmem:$0x1FCF0];
	_ =	sdelay $0x4  }
0x292: {  	v9 =	vsub.f32 v9, v12;
	_ =	sdelay $0x1  }
0x293: {  	v12 =	vld [tilespmem:$0x1FDA0];
	v9 =	vand.u32 $0x7FFFFFFF, v9  }
0x294: {  	v0 =	vadd.f32 v9, v0;
	v9 =	vld.idx.msk [tilespmem:v11+s16+$0x0], $0xffff  }
0x295: {  	v2 =	vadd.f32 v10, v2;
	v10 =	vld.idx.msk [tilespmem:v11+s17+$0x0], $0xffff  }
0x296: {  	v11 =	vld [tilespmem:$0x1FCD0];
	_ =	sdelay $0x4  }
0x297: {  	v3 =	vsub.f32 v3, v12;
	_ =	sdelay $0x1  }
0x298: {  	v12 =	vld [tilespmem:$0x1FD80];
	v3 =	vand.u32 $0x7FFFFFFF, v3  }
0x299: {  	v0 =	vadd.f32 v3, v0;
	v3 =	vld.idx.msk [tilespmem:v11+s16+$0x0], $0xffff  }
0x29a: {  	v1 =	vadd.f32 v4, v1;
	v4 =	vld.idx.msk [tilespmem:v11+s17+$0x0], $0xffff  }
0x29b: {  	v11 =	vld [tilespmem:$0x1FCB0];
	_ =	sdelay $0x4  }
0x29c: {  	v5 =	vsub.f32 v5, v12;
	_ =	sdelay $0x1  }
0x29d: {  	v12 =	vld [tilespmem:$0x1FD60];
	v5 =	vand.u32 $0x7FFFFFFF, v5  }
0x29e: {  	v0 =	vadd.f32 v5, v0;
	v5 =	vld.idx.msk [tilespmem:v11+s16+$0x0], $0xffff  }
0x29f: {  	v7 =	vadd.f32 v8, v7;
	v8 =	vld.idx.msk [tilespmem:v11+s17+$0x0], $0xffff  }
0x2a0: {  	v11 =	vld [tilespmem:$0x1FC90];
	_ =	sdelay $0x4  }
0x2a1: {  	v2 =	vsub.f32 v2, v12;
	_ =	sdelay $0x1  }
0x2a2: {  	v12 =	vld [tilespmem:$0x1FD40];
	v2 =	vand.u32 $0x7FFFFFFF, v2  }
0x2a3: {  	v0 =	vadd.f32 v2, v0;
	v2 =	vld.idx.msk [tilespmem:v11+s16+$0x0], $0xffff  }
0x2a4: {  	v9 =	vadd.f32 v10, v9;
	v10 =	vld.idx.msk [tilespmem:v11+s17+$0x0], $0xffff  }
0x2a5: {  	v11 =	vld [tilespmem:$0x1FC70];
	_ =	sdelay $0x4  }
0x2a6: {  	v1 =	vsub.f32 v1, v12;
	_ =	sdelay $0x1  }
0x2a7: {  	v12 =	vld [tilespmem:$0x1FD20];
	v1 =	vand.u32 $0x7FFFFFFF, v1  }
0x2a8: {  	v0 =	vadd.f32 v1, v0;
	v1 =	vld.idx.msk [tilespmem:v11+s16+$0x0], $0xffff  }
0x2a9: {  	v3 =	vadd.f32 v4, v3;
	v4 =	vld.idx.msk [tilespmem:v11+s17+$0x0], $0xffff  }
0x2aa: {  	v11 =	vld [tilespmem:$0x1FC50];
	_ =	sdelay $0x4  }
0x2ab: {  	v7 =	vsub.f32 v7, v12;
	_ =	sdelay $0x1  }
0x2ac: {  	v12 =	vld [tilespmem:$0x1FD00];
	v7 =	vand.u32 $0x7FFFFFFF, v7  }
0x2ad: {  	v0 =	vadd.f32 v7, v0;
	v7 =	vld.idx.msk [tilespmem:v11+s16+$0x0], $0xffff  }
0x2ae: {  	v5 =	vadd.f32 v8, v5;
	v8 =	vld.idx.msk [tilespmem:v11+s17+$0x0], $0xffff  }
0x2af: {  	v11 =	vld [tilespmem:$0x1FC30];
	_ =	sdelay $0x4  }
0x2b0: {  	v9 =	vsub.f32 v9, v12;
	_ =	sdelay $0x1  }
0x2b1: {  	v12 =	vld [tilespmem:$0x1FCE0];
	v9 =	vand.u32 $0x7FFFFFFF, v9  }
0x2b2: {  	v0 =	vadd.f32 v9, v0;
	v9 =	vld.idx.msk [tilespmem:v11+s16+$0x0], $0xffff  }
0x2b3: {  	v2 =	vadd.f32 v10, v2;
	v10 =	vld.idx.msk [tilespmem:v11+s17+$0x0], $0xffff  }
0x2b4: {  	v11 =	vld [tilespmem:$0x1FC10];
	_ =	sdelay $0x4  }
0x2b5: {  	v3 =	vsub.f32 v3, v12;
	_ =	sdelay $0x1  }
0x2b6: {  	v12 =	vld [tilespmem:$0x1FCC0];
	v3 =	vand.u32 $0x7FFFFFFF, v3  }
0x2b7: {  	v0 =	vadd.f32 v3, v0;
	v3 =	vld.idx.msk [tilespmem:v11+s16+$0x0], $0xffff  }
0x2b8: {  	v1 =	vadd.f32 v4, v1;
	v4 =	vld.idx.msk [tilespmem:v11+s17+$0x0], $0xffff  }
0x2b9: {  	v11 =	vld [tilespmem:$0x1FBF0];
	_ =	sdelay $0x4  }
0x2ba: {  	v5 =	vsub.f32 v5, v12;
	_ =	sdelay $0x1  }
0x2bb: {  	v12 =	vld [tilespmem:$0x1FCA0];
	v5 =	vand.u32 $0x7FFFFFFF, v5  }
0x2bc: {  	v0 =	vadd.f32 v5, v0;
	v5 =	vld.idx.msk [tilespmem:v11+s16+$0x0], $0xffff  }
0x2bd: {  	v7 =	vadd.f32 v8, v7;
	v8 =	vld.idx.msk [tilespmem:v11+s17+$0x0], $0xffff  }
0x2be: {  	v11 =	vld [tilespmem:$0x1FBD0];
	_ =	sdelay $0x1  }
0x2bf: {  	v2 =	vsub.f32 v2, v12;
	v12 =	vld [tilespmem:$0x1FC80];
	_ =	sdelay $0x4  }
0x2c0: {  	v2 =	vand.u32 $0x7FFFFFFF, v2;
	v1 =	vsub.f32 v1, v12;
	v12 =	vld [tilespmem:$0x1FC60]  }
0x2c1: {  	v0 =	vadd.f32 v2, v0;
	v2 =	vld.idx.msk [tilespmem:v11+s16+$0x0], $0xffff  }
0x2c2: {  	v9 =	vadd.f32 v10, v9;
	v10 =	vld.idx.msk [tilespmem:v11+s17+$0x0], $0xffff  }
0x2c3: {  	v11 =	vld [tilespmem:$0x1FBB0];
	_ =	sdelay $0x2  }
0x2c4: {  	v7 =	vsub.f32 v7, v12;
	v12 =	vld [tilespmem:$0x1FC40];
	_ =	sdelay $0x2  }
0x2c5: {  	v1 =	vand.u32 $0x7FFFFFFF, v1  }
0x2c6: {  	v0 =	vadd.f32 v1, v0  }
0x2c7: {  	v7 =	vand.u32 $0x7FFFFFFF, v7;
	v9 =	vsub.f32 v9, v12;
	v1 =	vld.idx.msk [tilespmem:v11+s16+$0x0], $0xffff  }
0x2c8: {  	v0 =	vadd.f32 v7, v0;
	v3 =	vadd.f32 v4, v3;
	v4 =	vld.idx.msk [tilespmem:v11+s17+$0x0], $0xffff  }
0x2c9: {  	v9 =	vand.u32 $0x7FFFFFFF, v9;
	v11 =	vld [tilespmem:$0x1FC20]  }
0x2ca: {  	v0 =	vadd.f32 v9, v0;
	v9 =	vld [tilespmem:$0x1FC00];
	_ =	sdelay $0x2  }
0x2cb: {  	v5 =	vadd.f32 v8, v5  }
0x2cc: {  	v3 =	vsub.f32 v3, v11  }
0x2cd: {  	v6 =	vor.u32 $0x3F, v6;
	v5 =	vsub.f32 v5, v9  }
0x2ce: {  	v3 =	vand.u32 $0x7FFFFFFF, v3  }
0x2cf: {  	v0 =	vadd.f32 v3, v0;
	v3 =	vand.u32 $0x7FFFFFFF, v5;
	v5 =	vld [tilespmem:$0x1FBE0];
	_ =	sdelay $0x2  }
0x2d0: {  	v7 =	vld.idx.msk [tilespmem:v6+s16+$0x0], $0xffff;
	v2 =	vadd.f32 v10, v2  }
0x2d1: {  	v8 =	vld.idx.msk [tilespmem:v6+s17+$0x0], $0xffff  }
0x2d2: {  	v2 =	vsub.f32 v2, v5;
	v5 =	vld [tilespmem:$0x1FBC0];
	_ =	sdelay $0x1  }
0x2d3: {  	v6 =	vld.idx.msk [tilespmem:v6+s18+$0x0], $0xffff  }
0x2d4: {  	s23 =	sadd.s32 $0x10, s23;
	v1 =	vadd.f32 v4, v1  }
0x2d5: {  	s21 =	sadd.s32 $0x10, s21;
	v4 =	vld [tilespmem:s23+$0x0];
	v0 =	vadd.f32 v3, v0  }
0x2d6: {  	v3 =	vld [tilespmem:s21+$0x0];
	v2 =	vand.u32 $0x7FFFFFFF, v2;
	v1 =	vsub.f32 v1, v5;
	v5 =	vadd.f32 v8, v7  }
0x2d7: {  	s19 =	sadd.s32 $0x10, s19;
	v56 =	vld [tilespmem:$0x1FFF0];
	v0 =	vadd.f32 v2, v0  }
0x2d8: {  	v2 =	vld [tilespmem:s19+$0x0];
	v1 =	vand.u32 $0x7FFFFFFF, v1;
	v5 =	vsub.f32 v5, v6  }
0x2d9: {  	v0 =	vadd.f32 v1, v0  }
0x2da: {  	v1 =	vmov s22;
	v5 =	vand.u32 $0x7FFFFFFF, v5  }
0x2db: {  	v3 =	vadd.f32 v4, v3;
	v1 =	vshll.u32 v1, $0x6;
	v0 =	vadd.f32 v5, v0  }
0x2dc: {  	v6 =	vor.u32 v56, v1  }
0x2dd: {  	v1 =	vadd.f32 v2, v3;
	v4 =	vor.u32 $0x3E, v6;
	v0 =	vsub.f32 $9.000000000e+00, v0;
	_ =	sdelay $0x1  }
0x2de: {  	v0 =	vadd.f32 v0, v1  }
0x2df: {  	s20 =	sadd.s32 $0x10, s20  }
0x2e0: {  	[tilespmem:s20+$0x0] =	vst v0  }
0x2e1: {  	v2 =	vor.u32 $0x3D, v6;
	v0 =	vld.idx.msk [tilespmem:v4+s18+$0x0], $0xffff;
	_ =	sdelay $0x4  }
0x2e2: {  	v3 =	vor.u32 $0x3C, v6;
	[tilespmem:$0x1FBC0] =	vst v0;
	v0 =	vld.idx.msk [tilespmem:v2+s18+$0x0], $0xffff;
	_ =	sdelay $0x4  }
0x2e3: {  	v1 =	vor.u32 $0x3B, v6;
	[tilespmem:$0x1FBE0] =	vst v0;
	v0 =	vld.idx.msk [tilespmem:v3+s18+$0x0], $0xffff;
	_ =	sdelay $0x4  }
0x2e4: {  	v5 =	vor.u32 $0x3A, v6;
	[tilespmem:$0x1FC00] =	vst v0;
	v0 =	vld.idx.msk [tilespmem:v1+s18+$0x0], $0xffff;
	_ =	sdelay $0x4  }
0x2e5: {  	v7 =	vor.u32 $0x39, v6;
	[tilespmem:$0x1FC20] =	vst v0;
	v0 =	vld.idx.msk [tilespmem:v5+s18+$0x0], $0xffff;
	_ =	sdelay $0x3  }
0x2e6: {  	[tilespmem:$0x1FBB0] =	vst v4  }
0x2e7: {  	v4 =	vor.u32 $0x38, v6;
	[tilespmem:$0x1FC40] =	vst v0;
	v0 =	vld.idx.msk [tilespmem:v7+s18+$0x0], $0xffff;
	_ =	sdelay $0x3  }
0x2e8: {  	[tilespmem:$0x1FBD0] =	vst v2  }
0x2e9: {  	v2 =	vor.u32 $0x37, v6;
	[tilespmem:$0x1FC60] =	vst v0;
	v0 =	vld.idx.msk [tilespmem:v4+s18+$0x0], $0xffff;
	_ =	sdelay $0x3  }
0x2ea: {  	[tilespmem:$0x1FBF0] =	vst v3  }
0x2eb: {  	v3 =	vor.u32 $0x36, v6;
	[tilespmem:$0x1FC80] =	vst v0;
	v0 =	vld.idx.msk [tilespmem:v2+s18+$0x0], $0xffff;
	_ =	sdelay $0x3  }
0x2ec: {  	[tilespmem:$0x1FC10] =	vst v1  }
0x2ed: {  	v1 =	vor.u32 $0x35, v6;
	[tilespmem:$0x1FCA0] =	vst v0;
	v0 =	vld.idx.msk [tilespmem:v3+s18+$0x0], $0xffff;
	_ =	sdelay $0x3  }
0x2ee: {  	[tilespmem:$0x1FC30] =	vst v5  }
0x2ef: {  	v5 =	vor.u32 $0x34, v6;
	[tilespmem:$0x1FCC0] =	vst v0;
	v0 =	vld.idx.msk [tilespmem:v1+s18+$0x0], $0xffff;
	_ =	sdelay $0x3  }
0x2f0: {  	[tilespmem:$0x1FC50] =	vst v7  }
0x2f1: {  	v7 =	vor.u32 $0x33, v6;
	[tilespmem:$0x1FCE0] =	vst v0;
	v0 =	vld.idx.msk [tilespmem:v5+s18+$0x0], $0xffff;
	_ =	sdelay $0x3  }
0x2f2: {  	[tilespmem:$0x1FC70] =	vst v4  }
0x2f3: {  	v4 =	vor.u32 $0x32, v6;
	[tilespmem:$0x1FD00] =	vst v0;
	v0 =	vld.idx.msk [tilespmem:v7+s18+$0x0], $0xffff;
	_ =	sdelay $0x3  }
0x2f4: {  	[tilespmem:$0x1FC90] =	vst v2  }
0x2f5: {  	v2 =	vor.u32 $0x31, v6;
	[tilespmem:$0x1FD20] =	vst v0;
	v0 =	vld.idx.msk [tilespmem:v4+s18+$0x0], $0xffff;
	_ =	sdelay $0x3  }
0x2f6: {  	[tilespmem:$0x1FCB0] =	vst v3  }
0x2f7: {  	v3 =	vor.u32 $0x30, v6;
	[tilespmem:$0x1FD40] =	vst v0;
	v0 =	vld.idx.msk [tilespmem:v2+s18+$0x0], $0xffff;
	_ =	sdelay $0x3  }
0x2f8: {  	[tilespmem:$0x1FCD0] =	vst v1  }
0x2f9: {  	v1 =	vor.u32 $0x2F, v6;
	[tilespmem:$0x1FD60] =	vst v0;
	v0 =	vld.idx.msk [tilespmem:v3+s18+$0x0], $0xffff;
	_ =	sdelay $0x3  }
0x2fa: {  	[tilespmem:$0x1FCF0] =	vst v5  }
0x2fb: {  	v5 =	vor.u32 $0x2E, v6;
	[tilespmem:$0x1FD80] =	vst v0;
	v0 =	vld.idx.msk [tilespmem:v1+s18+$0x0], $0xffff;
	_ =	sdelay $0x3  }
0x2fc: {  	[tilespmem:$0x1FD10] =	vst v7  }
0x2fd: {  	v7 =	vor.u32 $0x2D, v6;
	[tilespmem:$0x1FDA0] =	vst v0;
	v0 =	vld.idx.msk [tilespmem:v5+s18+$0x0], $0xffff;
	_ =	sdelay $0x3  }
0x2fe: {  	[tilespmem:$0x1FD30] =	vst v4  }
0x2ff: {  	v4 =	vor.u32 $0x2C, v6;
	[tilespmem:$0x1FDC0] =	vst v0;
	v0 =	vld.idx.msk [tilespmem:v7+s18+$0x0], $0xffff;
	_ =	sdelay $0x3  }
0x300: {  	[tilespmem:$0x1FD50] =	vst v2  }
0x301: {  	v2 =	vor.u32 $0x2B, v6;
	[tilespmem:$0x1FDE0] =	vst v0;
	v0 =	vld.idx.msk [tilespmem:v4+s18+$0x0], $0xffff;
	_ =	sdelay $0x3  }
0x302: {  	[tilespmem:$0x1FD70] =	vst v3  }
0x303: {  	v3 =	vor.u32 $0x2A, v6;
	[tilespmem:$0x1FE00] =	vst v0;
	v0 =	vld.idx.msk [tilespmem:v2+s18+$0x0], $0xffff;
	_ =	sdelay $0x3  }
0x304: {  	[tilespmem:$0x1FD90] =	vst v1  }
0x305: {  	v1 =	vor.u32 $0x29, v6;
	[tilespmem:$0x1FE20] =	vst v0;
	v0 =	vld.idx.msk [tilespmem:v3+s18+$0x0], $0xffff  }
0x306: {  	[tilespmem:$0x1FE10] =	vst v2;
	v2 =	vor.u32 $0x25, v6;
	_ =	sdelay $0x1  }
0x307: {  	[tilespmem:$0x1FDB0] =	vst v5  }
0x308: {  	[tilespmem:$0x1FE30] =	vst v3  }
0x309: {  	v5 =	vor.u32 $0x28, v6;
	[tilespmem:$0x1FE40] =	vst v0;
	v0 =	vld.idx.msk [tilespmem:v1+s18+$0x0], $0xffff  }
0x30a: {  	[tilespmem:$0x1FE50] =	vst v1;
	v3 =	vor.u32 $0x24, v6;
	v1 =	vld.idx.msk [tilespmem:v2+s18+$0x0], $0xffff;
	_ =	sdelay $0x2  }
0x30b: {  	[tilespmem:$0x1FDD0] =	vst v7  }
0x30c: {  	v7 =	vor.u32 $0x27, v6;
	[tilespmem:$0x1FE60] =	vst v0;
	v0 =	vld.idx.msk [tilespmem:v5+s18+$0x0], $0xffff  }
0x30d: {  	v58 =	vor.u32 $0x23, v6;
	[tilespmem:$0x1FEE0] =	vst v1;
	v1 =	vld.idx.msk [tilespmem:v3+s18+$0x0], $0xffff;
	_ =	sdelay $0x2  }
0x30e: {  	[tilespmem:$0x1FDF0] =	vst v4  }
0x30f: {  	v4 =	vor.u32 $0x26, v6;
	[tilespmem:$0x1FE80] =	vst v0;
	v0 =	vld.idx.msk [tilespmem:v7+s18+$0x0], $0xffff  }
0x310: {  	v60 =	vor.u32 $0x22, v6;
	[tilespmem:$0x1FF00] =	vst v1;
	v1 =	vld.idx.msk [tilespmem:v58+s18+$0x0], $0xffff;
	_ =	sdelay $0x3  }
0x311: {  	[tilespmem:$0x1FEA0] =	vst v0;
	v0 =	vld.idx.msk [tilespmem:v4+s18+$0x0], $0xffff  }
0x312: {  	v62 =	vor.u32 $0x21, v6;
	[tilespmem:$0x1FF10] =	vst v1;
	v1 =	vld.idx.msk [tilespmem:v60+s18+$0x0], $0xffff;
	_ =	sdelay $0x3  }
0x313: {  	[tilespmem:$0x1FEC0] =	vst v0  }
0x314: {  	v0 =	vor.u32 $0x20, v6;
	[tilespmem:$0x1FF20] =	vst v1;
	v1 =	vld.idx.msk [tilespmem:v62+s18+$0x0], $0xffff;
	_ =	sdelay $0x3  }
0x315: {  	[tilespmem:$0x1FED0] =	vst v2  }
0x316: {  	v2 =	vor.u32 $0x1F, v6;
	[tilespmem:$0x1FF30] =	vst v1;
	v1 =	vld.idx.msk [tilespmem:v0+s18+$0x0], $0xffff;
	_ =	sdelay $0x3  }
0x317: {  	[tilespmem:$0x1FE90] =	vst v7  }
0x318: {  	v7 =	vor.u32 $0x1E, v6;
	[tilespmem:$0x1FF40] =	vst v1;
	v1 =	vld.idx.msk [tilespmem:v2+s18+$0x0], $0xffff;
	_ =	sdelay $0x4  }
0x319: {  	v11 =	vor.u32 $0x1D, v6;
	[tilespmem:$0x1FF50] =	vst v1;
	v1 =	vld.idx.msk [tilespmem:v7+s18+$0x0], $0xffff;
	_ =	sdelay $0x4  }
0x31a: {  	v15 =	vor.u32 $0x1C, v6;
	[tilespmem:$0x1FF60] =	vst v1;
	v1 =	vld.idx.msk [tilespmem:v11+s18+$0x0], $0xffff;
	_ =	sdelay $0x4  }
0x31b: {  	v19 =	vor.u32 $0x1B, v6;
	[tilespmem:$0x1FF70] =	vst v1;
	v1 =	vld.idx.msk [tilespmem:v15+s18+$0x0], $0xffff;
	_ =	sdelay $0x4  }
0x31c: {  	v23 =	vor.u32 $0x1A, v6;
	[tilespmem:$0x1FF80] =	vst v1;
	v1 =	vld.idx.msk [tilespmem:v19+s18+$0x0], $0xffff;
	_ =	sdelay $0x4  }
0x31d: {  	v27 =	vor.u32 $0x19, v6;
	[tilespmem:$0x1FF90] =	vst v1;
	v1 =	vld.idx.msk [tilespmem:v23+s18+$0x0], $0xffff;
	_ =	sdelay $0x4  }
0x31e: {  	v31 =	vor.u32 $0x18, v6;
	[tilespmem:$0x1FFA0] =	vst v1;
	v1 =	vld.idx.msk [tilespmem:v27+s18+$0x0], $0xffff  }
0x31f: {  	v43 =	vor.u32 $0x15, v6  }
0x320: {  	v47 =	vor.u32 $0x13, v6  }
0x321: {  	v12 =	vor.u32 $0x11, v6  }
0x322: {  	v14 =	vor.u32 $0x10, v6  }
0x323: {  	v35 =	vor.u32 $0x17, v6;
	[tilespmem:$0x1FFB0] =	vst v1;
	v1 =	vld.idx.msk [tilespmem:v31+s18+$0x0], $0xffff  }
0x324: {  	v16 =	vor.u32 $0xF, v6;
	v37 =	vld.idx.msk [tilespmem:v43+s18+$0x0], $0xffff  }
0x325: {  	v55 =	vor.u32 $0xE, v6;
	v45 =	vld.idx.msk [tilespmem:v47+s18+$0x0], $0xffff  }
0x326: {  	v57 =	vor.u32 $0xD, v6;
	v8 =	vld.idx.msk [tilespmem:v12+s18+$0x0], $0xffff  }
0x327: {  	v24 =	vor.u32 $0xC, v6;
	v10 =	vld.idx.msk [tilespmem:v14+s18+$0x0], $0xffff  }
0x328: {  	v39 =	vor.u32 $0x16, v6;
	[tilespmem:$0x1FFC0] =	vst v1;
	v1 =	vld.idx.msk [tilespmem:v35+s18+$0x0], $0xffff  }
0x329: {  	v26 =	vor.u32 $0xB, v6;
	v51 =	vld.idx.msk [tilespmem:v16+s18+$0x0], $0xffff  }
0x32a: {  	v28 =	vor.u32 $0xA, v6;
	v53 =	vld.idx.msk [tilespmem:v55+s18+$0x0], $0xffff  }
0x32b: {  	v63 =	vor.u32 $0x9, v6;
	v18 =	vld.idx.msk [tilespmem:v57+s18+$0x0], $0xffff  }
0x32c: {  	v36 =	vor.u32 $0x7, v6;
	v20 =	vld.idx.msk [tilespmem:v24+s18+$0x0], $0xffff  }
0x32d: {  	v38 =	vor.u32 $0x6, v6;
	[tilespmem:$0x1FFD0] =	vst v1;
	v1 =	vld.idx.msk [tilespmem:v39+s18+$0x0], $0xffff  }
0x32e: {  	v42 =	vor.u32 $0x4, v6;
	v22 =	vld.idx.msk [tilespmem:v26+s18+$0x0], $0xffff  }
0x32f: {  	v49 =	vor.u32 $0x12, v6;
	v59 =	vld.idx.msk [tilespmem:v28+s18+$0x0], $0xffff  }
0x330: {  	v61 =	vld.idx.msk [tilespmem:v63+s18+$0x0], $0xffff;
	[tilespmem:$0x1FEF0] =	vst v3;
	v3 =	vor.u32 $0x14, v6  }
0x331: {  	v40 =	vor.u32 $0x5, v6;
	v32 =	vld.idx.msk [tilespmem:v36+s18+$0x0], $0xffff  }
0x332: {  	p0 =	sne.s32 s22, $0x1F0;
	v34 =	vld.idx.msk [tilespmem:v38+s18+$0x0], $0xffff;
	[tilespmem:$0x1FFE0] =	vst v1;
	v1 =	vor.u32 $0x8, v6  }
.Ltmp0:
0x333: {  	v9 =	vld.idx.msk [tilespmem:v42+s18+$0x0], $0xffff;
	(pc) =	sbr.rel @p0 .LBB2_2-.Ltmp0, $4  }
0x334: {  	[tilespmem:$0x1FE70] =	vst v5;
	v5 =	vld.idx.msk [tilespmem:v49+s18+$0x0], $0xffff  }
0x335: {  	v41 =	vld.idx.msk [tilespmem:v3+s18+$0x0], $0xffff  }
0x336: {  	[tilespmem:$0x1FEB0] =	vst v4;
	v4 =	vld.idx.msk [tilespmem:v40+s18+$0x0], $0xffff  }
0x337: {  	s22 =	sadd.s32 $0x10, s22;
	v13 =	vor.u32 $0x3, v6;
	v44 =	vor.u32 $0x2, v6;
	v30 =	vld.idx.msk [tilespmem:v1+s18+$0x0], $0xffff  }
0x338: {  	_ =	sdelay $0x3  }
0x339: {  	v29 =	vld.idx.msk [tilespmem:v13+s18+$0x0], $0xffff  }
0x33a: {  	v33 =	vld.idx.msk [tilespmem:v13+s16+$0x0], $0xffff  }
0x33b: {  	v46 =	vld.idx.msk [tilespmem:v44+s16+$0x0], $0xffff  }
0x33c: {  	v48 =	vld.idx.msk [tilespmem:v6+s16+$0x0], $0xffff  }
0x33d: {  	v17 =	vor.u32 $0x1, v6;
	v50 =	vld.idx.msk [tilespmem:v6+s17+$0x0], $0xffff  }
0x33e: {  	v52 =	vld.idx.msk [tilespmem:v44+s17+$0x0], $0xffff  }
0x33f: {  	v54 =	vld.idx.msk [tilespmem:v6+s18+$0x0], $0xffff  }
0x340: {  	v13 =	vld.idx.msk [tilespmem:v13+s17+$0x0], $0xffff  }
0x341: {  	v44 =	vld.idx.msk [tilespmem:v44+s18+$0x0], $0xffff  }
0x342: {  	v21 =	vld.idx.msk [tilespmem:v17+s16+$0x0], $0xffff  }
0x343: {  	v25 =	vld.idx.msk [tilespmem:v17+s17+$0x0], $0xffff  }
0x344: {  	v17 =	vld.idx.msk [tilespmem:v17+s18+$0x0], $0xffff  }
0x345: {  	v13 =	vadd.f32 v13, v33;
	v33 =	vld.idx.msk [tilespmem:v40+s17+$0x0], $0xffff  }
0x346: {  	v48 =	vadd.f32 v50, v48;
	v46 =	vadd.f32 v52, v46;
	v50 =	vld.idx.msk [tilespmem:v38+s16+$0x0], $0xffff  }
0x347: {  	v52 =	vld.idx.msk [tilespmem:v38+s17+$0x0], $0xffff  }
0x348: {  	v48 =	vsub.f32 v48, v54;
	v54 =	vsub.f32 v46, v44;
	v44 =	vld.idx.msk [tilespmem:v1+s16+$0x0], $0xffff  }
0x349: {  	v21 =	vadd.f32 v25, v21;
	v25 =	vld.idx.msk [tilespmem:v42+s16+$0x0], $0xffff  }
0x34a: {  	v42 =	vld.idx.msk [tilespmem:v42+s17+$0x0], $0xffff  }
0x34b: {  	v46 =	vld.idx.msk [tilespmem:v24+s16+$0x0], $0xffff  }
0x34c: {  	v50 =	vadd.f32 v52, v50;
	v52 =	vld.idx.msk [tilespmem:v63+s16+$0x0], $0xffff  }
0x34d: {  	v17 =	vsub.f32 v21, v17;
	v21 =	vld.idx.msk [tilespmem:v40+s16+$0x0], $0xffff  }
0x34e: {  	v40 =	vld.idx.msk [tilespmem:v36+s16+$0x0], $0xffff  }
0x34f: {  	v48 =	vand.u32 $0x7FFFFFFF, v48;
	v17 =	vand.u32 $0x7FFFFFFF, v17;
	v25 =	vadd.f32 v42, v25;
	v42 =	vld.idx.msk [tilespmem:v36+s17+$0x0], $0xffff  }
0x350: {  	v17 =	vadd.f32 v17, v48;
	v48 =	vld.idx.msk [tilespmem:v1+s17+$0x0], $0xffff  }
0x351: {  	v54 =	vand.u32 $0x7FFFFFFF, v54;
	v36 =	vld.idx.msk [tilespmem:v28+s17+$0x0], $0xffff  }
0x352: {  	v17 =	vadd.f32 v54, v17;
	v54 =	vld.idx.msk [tilespmem:v63+s17+$0x0], $0xffff  }
0x353: {  	v63 =	vld.idx.msk [tilespmem:v28+s16+$0x0], $0xffff  }
0x354: {  	v13 =	vsub.f32 v13, v29;
	v28 =	vld.idx.msk [tilespmem:v12+s16+$0x0], $0xffff  }
0x355: {  	v21 =	vadd.f32 v33, v21;
	v33 =	vld.idx.msk [tilespmem:v47+s16+$0x0], $0xffff  }
0x356: {  	v13 =	vand.u32 $0x7FFFFFFF, v13;
	v9 =	vsub.f32 v25, v9;
	v25 =	vld.idx.msk [tilespmem:v7+s17+$0x0], $0xffff  }
0x357: {  	v13 =	vadd.f32 v13, v17;
	v17 =	vsub.f32 v50, v34;
	v50 =	vld.idx.msk [tilespmem:v57+s16+$0x0], $0xffff  }
0x358: {  	v34 =	vld.idx.msk [tilespmem:v47+s17+$0x0], $0xffff  }
0x359: {  	v47 =	vld.idx.msk [tilespmem:v39+s16+$0x0], $0xffff  }
0x35a: {  	v29 =	vadd.f32 v42, v40;
	v40 =	vld.idx.msk [tilespmem:v26+s16+$0x0], $0xffff  }
0x35b: {  	v42 =	vld.idx.msk [tilespmem:v26+s17+$0x0], $0xffff  }
0x35c: {  	v1 =	vadd.f32 v48, v44;
	v48 =	vld.idx.msk [tilespmem:v24+s17+$0x0], $0xffff  }
0x35d: {  	v24 =	vld.idx.msk [tilespmem:v14+s16+$0x0], $0xffff  }
0x35e: {  	v9 =	vand.u32 $0x7FFFFFFF, v9;
	v26 =	vld.idx.msk [tilespmem:v14+s17+$0x0], $0xffff  }
0x35f: {  	v9 =	vadd.f32 v9, v13;
	v13 =	vadd.f32 v54, v52;
	v52 =	vld.idx.msk [tilespmem:v57+s17+$0x0], $0xffff  }
0x360: {  	v54 =	vld.idx.msk [tilespmem:v55+s16+$0x0], $0xffff  }
0x361: {  	v57 =	vld.idx.msk [tilespmem:v55+s17+$0x0], $0xffff  }
0x362: {  	v38 =	vsub.f32 v29, v32;
	v29 =	vld.idx.msk [tilespmem:v12+s17+$0x0], $0xffff  }
0x363: {  	v1 =	vsub.f32 v1, v30;
	v30 =	vld.idx.msk [tilespmem:v49+s16+$0x0], $0xffff  }
0x364: {  	v4 =	vsub.f32 v21, v4;
	v32 =	vld.idx.msk [tilespmem:v49+s17+$0x0], $0xffff  }
0x365: {  	v49 =	vld.idx.msk [tilespmem:v35+s16+$0x0], $0xffff  }
0x366: {  	v4 =	vand.u32 $0x7FFFFFFF, v4;
	v55 =	vld [tilespmem:$0x1FFE0]  }
0x367: {  	v4 =	vadd.f32 v4, v9;
	v9 =	vadd.f32 v36, v63;
	v36 =	vld.idx.msk [tilespmem:v3+s16+$0x0], $0xffff  }
0x368: {  	v13 =	vsub.f32 v13, v61;
	v61 =	vld.idx.msk [tilespmem:v16+s17+$0x0], $0xffff  }
0x369: {  	v44 =	vand.u32 $0x7FFFFFFF, v38;
	v38 =	vld.idx.msk [tilespmem:v3+s17+$0x0], $0xffff  }
0x36a: {  	v17 =	vand.u32 $0x7FFFFFFF, v17;
	v9 =	vsub.f32 v9, v59;
	v59 =	vld.idx.msk [tilespmem:v16+s16+$0x0], $0xffff  }
0x36b: {  	v4 =	vadd.f32 v17, v4;
	v17 =	vadd.f32 v42, v40;
	v42 =	vld.idx.msk [tilespmem:v43+s16+$0x0], $0xffff  }
0x36c: {  	v21 =	vadd.f32 v48, v46;
	v48 =	vld.idx.msk [tilespmem:v39+s17+$0x0], $0xffff  }
0x36d: {  	v14 =	vadd.f32 v26, v24;
	v24 =	vld.idx.msk [tilespmem:v7+s16+$0x0], $0xffff  }
0x36e: {  	v26 =	vld [tilespmem:$0x1FF90]  }
0x36f: {  	v46 =	vadd.f32 v34, v33;
	v33 =	vld [tilespmem:$0x1FF70]  }
0x370: {  	v34 =	vld.idx.msk [tilespmem:v62+s16+$0x0], $0xffff  }
0x371: {  	v39 =	vld [tilespmem:$0x1FF50]  }
0x372: {  	v4 =	vadd.f32 v44, v4;
	v44 =	vld.idx.msk [tilespmem:v43+s17+$0x0], $0xffff  }
0x373: {  	v63 =	vsub.f32 v21, v20;
	v20 =	vld [tilespmem:$0x1FFB0]  }
0x374: {  	v21 =	vld.idx.msk [tilespmem:v11+s16+$0x0], $0xffff  }
0x375: {  	v17 =	vsub.f32 v17, v22;
	v22 =	vld.idx.msk [tilespmem:v11+s17+$0x0], $0xffff  }
0x376: {  	v12 =	vadd.f32 v29, v28;
	v28 =	vld.idx.msk [tilespmem:v2+s16+$0x0], $0xffff  }
0x377: {  	v29 =	vld.idx.msk [tilespmem:v2+s17+$0x0], $0xffff  }
0x378: {  	v1 =	vand.u32 $0x7FFFFFFF, v1;
	v43 =	vld [tilespmem:$0x1FEF0]  }
0x379: {  	v1 =	vadd.f32 v1, v4;
	v4 =	vadd.f32 v52, v50;
	v50 =	vld.idx.msk [tilespmem:v35+s17+$0x0], $0xffff  }
0x37a: {  	v52 =	vld.idx.msk [tilespmem:v31+s17+$0x0], $0xffff  }
0x37b: {  	v16 =	vand.u32 $0x7FFFFFFF, v63;
	v63 =	vld.idx.msk [tilespmem:v19+s16+$0x0], $0xffff  }
0x37c: {  	v35 =	vld.idx.msk [tilespmem:v62+s17+$0x0], $0xffff  }
0x37d: {  	v3 =	vadd.f32 v38, v36;
	v36 =	vld [tilespmem:$0x1FF60]  }
0x37e: {  	v38 =	vld.idx.msk [tilespmem:v60+s17+$0x0], $0xffff  }
0x37f: {  	v13 =	vand.u32 $0x7FFFFFFF, v13;
	v8 =	vsub.f32 v12, v8;
	v12 =	vld [tilespmem:$0x1FE50]  }
0x380: {  	v1 =	vadd.f32 v13, v1;
	v13 =	vadd.f32 v57, v54;
	v54 =	vld.idx.msk [tilespmem:v27+s17+$0x0], $0xffff  }
0x381: {  	v57 =	vld.idx.msk [tilespmem:v23+s16+$0x0], $0xffff  }
0x382: {  	v4 =	vsub.f32 v4, v18;
	v18 =	vld.idx.msk [tilespmem:v15+s16+$0x0], $0xffff  }
0x383: {  	v3 =	vsub.f32 v3, v41;
	v41 =	vld.idx.msk [tilespmem:v58+s17+$0x0], $0xffff  }
0x384: {  	v2 =	vadd.f32 v29, v28;
	v28 =	vld [tilespmem:$0x1FDD0]  }
0x385: {  	v9 =	vand.u32 $0x7FFFFFFF, v9;
	v13 =	vsub.f32 v13, v53;
	v53 =	vld.idx.msk [tilespmem:v27+s16+$0x0], $0xffff  }
0x386: {  	v1 =	vadd.f32 v9, v1;
	v9 =	vadd.f32 v61, v59;
	v59 =	vld.idx.msk [tilespmem:v23+s17+$0x0], $0xffff  }
0x387: {  	v61 =	vld [tilespmem:$0x1FFD0]  }
0x388: {  	v23 =	vld [tilespmem:$0x1FFA0]  }
0x389: {  	v2 =	vsub.f32 v2, v39;
	v39 =	vld [tilespmem:$0x1FE00]  }
0x38a: {  	v17 =	vand.u32 $0x7FFFFFFF, v17;
	v9 =	vsub.f32 v9, v51;
	v51 =	vld.idx.msk [tilespmem:v31+s16+$0x0], $0xffff  }
0x38b: {  	v1 =	vadd.f32 v17, v1;
	v17 =	vld [tilespmem:$0x1FFC0]  }
0x38c: {  	v31 =	vld.idx.msk [tilespmem:v0+s16+$0x0], $0xffff  }
0x38d: {  	v1 =	vadd.f32 v16, v1;
	v16 =	vld.idx.msk [tilespmem:v19+s17+$0x0], $0xffff  }
0x38e: {  	v19 =	vld.idx.msk [tilespmem:v15+s17+$0x0], $0xffff  }
0x38f: {  	v10 =	vsub.f32 v14, v10;
	v14 =	vld.idx.msk [tilespmem:v12+s17+$0x0], $0xffff  }
0x390: {  	v4 =	vand.u32 $0x7FFFFFFF, v4;
	v15 =	vld [tilespmem:$0x1FEC0]  }
0x391: {  	v1 =	vadd.f32 v4, v1;
	v4 =	vadd.f32 v32, v30;
	v30 =	vld [tilespmem:$0x1FF80]  }
0x392: {  	v32 =	vld.idx.msk [tilespmem:v0+s17+$0x0], $0xffff  }
0x393: {  	v29 =	vld.idx.msk [tilespmem:v28+s16+$0x0], $0xffff  }
0x394: {  	v4 =	vsub.f32 v4, v5;
	v5 =	vsub.f32 v46, v45;
	v45 =	vld.idx.msk [tilespmem:v43+s17+$0x0], $0xffff  }
0x395: {  	v13 =	vand.u32 $0x7FFFFFFF, v13;
	v46 =	vld [tilespmem:$0x1FF30]  }
0x396: {  	v1 =	vadd.f32 v13, v1;
	v13 =	vld.idx.msk [tilespmem:v12+s16+$0x0], $0xffff  }
0x397: {  	v9 =	vand.u32 $0x7FFFFFFF, v9;
	v12 =	vld [tilespmem:$0x1FD40]  }
0x398: {  	v1 =	vadd.f32 v9, v1;
	v9 =	vadd.f32 v44, v42;
	v42 =	vld [tilespmem:$0x1FF40]  }
0x399: {  	v44 =	vld.idx.msk [tilespmem:v43+s16+$0x0], $0xffff  }
0x39a: {  	v43 =	vld [tilespmem:$0x1FDE0]  }
0x39b: {  	v40 =	vand.u32 $0x7FFFFFFF, v10;
	v0 =	vadd.f32 v32, v31;
	v31 =	vld [tilespmem:$0x1FE40]  }
0x39c: {  	v1 =	vadd.f32 v40, v1;
	v9 =	vsub.f32 v9, v37;
	v37 =	vld.idx.msk [tilespmem:v60+s16+$0x0], $0xffff  }
0x39d: {  	v8 =	vand.u32 $0x7FFFFFFF, v8;
	v60 =	vld [tilespmem:$0x1FE70]  }
0x39e: {  	v32 =	vld [tilespmem:$0x1FDB0];
	v1 =	vadd.f32 v8, v1  }
0x39f: {  	v4 =	vand.u32 $0x7FFFFFFF, v4;
	v40 =	vld.idx.msk [tilespmem:v58+s16+$0x0], $0xffff  }
0x3a0: {  	v8 =	vadd.f32 v48, v47;
	v47 =	vld [tilespmem:$0x1FED0];
	v1 =	vadd.f32 v4, v1  }
0x3a1: {  	v5 =	vand.u32 $0x7FFFFFFF, v5;
	v4 =	vadd.f32 v50, v49;
	v50 =	vld [tilespmem:$0x1FF20]  }
0x3a2: {  	v8 =	vsub.f32 v8, v55;
	v55 =	vld [tilespmem:$0x1FE90];
	v1 =	vadd.f32 v5, v1  }
0x3a3: {  	v3 =	vand.u32 $0x7FFFFFFF, v3;
	v5 =	vadd.f32 v52, v51;
	v51 =	vld [tilespmem:$0x1FEB0]  }
0x3a4: {  	v1 =	vadd.f32 v3, v1;
	v3 =	vadd.f32 v54, v53;
	v54 =	vld [tilespmem:$0x1FF10]  }
0x3a5: {  	v4 =	vsub.f32 v4, v61;
	v61 =	vld.idx.msk [tilespmem:v60+s16+$0x0], $0xffff  }
0x3a6: {  	v62 =	vld.idx.msk [tilespmem:v60+s17+$0x0], $0xffff  }
0x3a7: {  	v60 =	vld [tilespmem:$0x1FD60]  }
0x3a8: {  	v48 =	vld.idx.msk [tilespmem:v47+s16+$0x0], $0xffff  }
0x3a9: {  	v9 =	vand.u32 $0x7FFFFFFF, v9;
	v49 =	vld.idx.msk [tilespmem:v47+s17+$0x0], $0xffff  }
0x3aa: {  	v1 =	vadd.f32 v9, v1;
	v9 =	vadd.f32 v59, v57;
	v59 =	vld [tilespmem:$0x1FF00]  }
0x3ab: {  	v3 =	vsub.f32 v3, v20;
	v20 =	vld [tilespmem:$0x1FE10]  }
0x3ac: {  	v47 =	vld [tilespmem:$0x1FDC0]  }
0x3ad: {  	v57 =	vld.idx.msk [tilespmem:v55+s16+$0x0], $0xffff  }
0x3ae: {  	v8 =	vand.u32 $0x7FFFFFFF, v8;
	v58 =	vld.idx.msk [tilespmem:v55+s17+$0x0], $0xffff  }
0x3af: {  	v1 =	vadd.f32 v8, v1;
	v8 =	vadd.f32 v16, v63;
	v63 =	vld [tilespmem:$0x1FEE0]  }
0x3b0: {  	v16 =	vld [tilespmem:$0x1FE30]  }
0x3b1: {  	v9 =	vsub.f32 v9, v23;
	v23 =	vld [tilespmem:$0x1FE80]  }
0x3b2: {  	v55 =	vld [tilespmem:$0x1FD80]  }
0x3b3: {  	v52 =	vld.idx.msk [tilespmem:v51+s16+$0x0], $0xffff  }
0x3b4: {  	v4 =	vand.u32 $0x7FFFFFFF, v4;
	v53 =	vld.idx.msk [tilespmem:v51+s17+$0x0], $0xffff  }
0x3b5: {  	v1 =	vadd.f32 v4, v1;
	v4 =	vadd.f32 v19, v18;
	v19 =	vld [tilespmem:$0x1FEA0]  }
0x3b6: {  	v5 =	vsub.f32 v5, v17;
	v51 =	vld [tilespmem:$0x1FDA0]  }
0x3b7: {  	v4 =	vsub.f32 v4, v30;
	v30 =	vld.idx.msk [tilespmem:v28+s17+$0x0], $0xffff  }
0x3b8: {  	v5 =	vand.u32 $0x7FFFFFFF, v5;
	v28 =	vld [tilespmem:$0x1FCC0]  }
0x3b9: {  	v1 =	vadd.f32 v5, v1;
	v5 =	vadd.f32 v22, v21;
	v21 =	vld.idx.msk [tilespmem:v20+s16+$0x0], $0xffff  }
0x3ba: {  	v3 =	vand.u32 $0x7FFFFFFF, v3;
	v22 =	vld.idx.msk [tilespmem:v20+s17+$0x0], $0xffff  }
0x3bb: {  	v1 =	vadd.f32 v3, v1;
	v3 =	vadd.f32 v25, v24;
	v24 =	vld [tilespmem:$0x1FDF0]  }
0x3bc: {  	v5 =	vsub.f32 v5, v33;
	v33 =	vld.idx.msk [tilespmem:v32+s16+$0x0], $0xffff  }
0x3bd: {  	v20 =	vld [tilespmem:$0x1FD00]  }
0x3be: {  	v7 =	vsub.f32 v8, v26;
	v27 =	vand.u32 $0x7FFFFFFF, v9;
	v17 =	vld.idx.msk [tilespmem:v16+s16+$0x0], $0xffff  }
0x3bf: {  	v1 =	vadd.f32 v27, v1;
	v18 =	vld.idx.msk [tilespmem:v16+s17+$0x0], $0xffff  }
0x3c0: {  	v7 =	vand.u32 $0x7FFFFFFF, v7;
	v27 =	vld [tilespmem:$0x1FE60]  }
0x3c1: {  	v3 =	vsub.f32 v3, v36;
	v36 =	vld [tilespmem:$0x1FD90];
	v1 =	vadd.f32 v7, v1  }
0x3c2: {  	v4 =	vand.u32 $0x7FFFFFFF, v4;
	v16 =	vld [tilespmem:$0x1FD20]  }
0x3c3: {  	v1 =	vadd.f32 v4, v1;
	v4 =	vadd.f32 v35, v34;
	v34 =	vld.idx.msk [tilespmem:v32+s17+$0x0], $0xffff  }
0x3c4: {  	v35 =	vld [tilespmem:$0x1FE20]  }
0x3c5: {  	v5 =	vand.u32 $0x7FFFFFFF, v5;
	v32 =	vld [tilespmem:$0x1FCA0]  }
0x3c6: {  	v1 =	vadd.f32 v5, v1;
	v25 =	vld.idx.msk [tilespmem:v24+s16+$0x0], $0xffff  }
0x3c7: {  	v3 =	vand.u32 $0x7FFFFFFF, v3;
	v26 =	vld.idx.msk [tilespmem:v24+s17+$0x0], $0xffff  }
0x3c8: {  	v1 =	vadd.f32 v3, v1;
	v3 =	vadd.f32 v41, v40;
	v40 =	vld [tilespmem:$0x1FD70]  }
0x3c9: {  	v2 =	vand.u32 $0x7FFFFFFF, v2;
	v0 =	vsub.f32 v0, v42;
	v24 =	vld [tilespmem:$0x1FCE0]  }
0x3ca: {  	v5 =	vadd.f32 v38, v37;
	v37 =	vld.idx.msk [tilespmem:v36+s16+$0x0], $0xffff;
	v1 =	vadd.f32 v2, v1  }
0x3cb: {  	v0 =	vand.u32 $0x7FFFFFFF, v0;
	v4 =	vsub.f32 v4, v46;
	v2 =	vadd.f32 v45, v44;
	v44 =	vld [tilespmem:$0x1FD50]  }
0x3cc: {  	v38 =	vld.idx.msk [tilespmem:v36+s17+$0x0], $0xffff;
	v0 =	vadd.f32 v0, v1  }
0x3cd: {  	v5 =	vsub.f32 v5, v50;
	v4 =	vand.u32 $0x7FFFFFFF, v4;
	v36 =	vld [tilespmem:$0x1FC80]  }
0x3ce: {  	v1 =	vadd.f32 v49, v48;
	v48 =	vld [tilespmem:$0x1FD30];
	v0 =	vadd.f32 v4, v0  }
0x3cf: {  	v3 =	vsub.f32 v3, v54;
	v5 =	vand.u32 $0x7FFFFFFF, v5;
	v4 =	vadd.f32 v53, v52;
	v52 =	vld [tilespmem:$0x1FD10]  }
0x3d0: {  	v0 =	vadd.f32 v5, v0;
	v41 =	vld.idx.msk [tilespmem:v40+s16+$0x0], $0xffff  }
0x3d1: {  	v2 =	vsub.f32 v2, v59;
	v3 =	vand.u32 $0x7FFFFFFF, v3;
	v42 =	vld.idx.msk [tilespmem:v40+s17+$0x0], $0xffff  }
0x3d2: {  	v5 =	vadd.f32 v58, v57;
	v57 =	vld [tilespmem:$0x1FCF0];
	v0 =	vadd.f32 v3, v0  }
0x3d3: {  	v1 =	vsub.f32 v1, v63;
	v2 =	vand.u32 $0x7FFFFFFF, v2;
	v45 =	vld.idx.msk [tilespmem:v44+s16+$0x0], $0xffff  }
0x3d4: {  	v46 =	vld.idx.msk [tilespmem:v44+s17+$0x0], $0xffff;
	v0 =	vadd.f32 v2, v0  }
0x3d5: {  	v4 =	vsub.f32 v4, v15;
	v1 =	vand.u32 $0x7FFFFFFF, v1;
	v3 =	vadd.f32 v62, v61;
	v61 =	vld [tilespmem:$0x1FCD0]  }
0x3d6: {  	v49 =	vld.idx.msk [tilespmem:v48+s16+$0x0], $0xffff;
	v0 =	vadd.f32 v1, v0  }
0x3d7: {  	v5 =	vsub.f32 v5, v19;
	v4 =	vand.u32 $0x7FFFFFFF, v4;
	v50 =	vld.idx.msk [tilespmem:v48+s17+$0x0], $0xffff  }
0x3d8: {  	v2 =	vadd.f32 v14, v13;
	v13 =	vld [tilespmem:$0x1FCB0];
	v0 =	vadd.f32 v4, v0  }
0x3d9: {  	v3 =	vsub.f32 v3, v23;
	v5 =	vand.u32 $0x7FFFFFFF, v5;
	v53 =	vld.idx.msk [tilespmem:v52+s16+$0x0], $0xffff  }
0x3da: {  	v54 =	vld.idx.msk [tilespmem:v52+s17+$0x0], $0xffff;
	v0 =	vadd.f32 v5, v0  }
0x3db: {  	v2 =	vsub.f32 v2, v27;
	v1 =	vadd.f32 v18, v17;
	v3 =	vand.u32 $0x7FFFFFFF, v3;
	v17 =	vld [tilespmem:$0x1FC90]  }
0x3dc: {  	v52 =	vld [tilespmem:$0x1FC00];
	v0 =	vadd.f32 v3, v0  }
0x3dd: {  	v1 =	vsub.f32 v1, v31;
	v4 =	vadd.f32 v22, v21;
	v2 =	vand.u32 $0x7FFFFFFF, v2;
	v58 =	vld.idx.msk [tilespmem:v57+s16+$0x0], $0xffff  }
0x3de: {  	v59 =	vld.idx.msk [tilespmem:v57+s17+$0x0], $0xffff;
	v0 =	vadd.f32 v2, v0  }
0x3df: {  	v21 =	vld [tilespmem:$0x1FC70];
	v4 =	vsub.f32 v4, v35;
	v5 =	vadd.f32 v26, v25;
	v1 =	vand.u32 $0x7FFFFFFF, v1  }
0x3e0: {  	v57 =	vld [tilespmem:$0x1FBC0];
	v0 =	vadd.f32 v1, v0  }
0x3e1: {  	v62 =	vld.idx.msk [tilespmem:v61+s16+$0x0], $0xffff;
	v5 =	vsub.f32 v5, v39;
	v3 =	vadd.f32 v30, v29;
	v4 =	vand.u32 $0x7FFFFFFF, v4  }
0x3e2: {  	v63 =	vld.idx.msk [tilespmem:v61+s17+$0x0], $0xffff;
	v0 =	vadd.f32 v4, v0  }
0x3e3: {  	v25 =	vld [tilespmem:$0x1FC50];
	v3 =	vsub.f32 v3, v43;
	v2 =	vadd.f32 v34, v33;
	v5 =	vand.u32 $0x7FFFFFFF, v5  }
0x3e4: {  	v14 =	vld.idx.msk [tilespmem:v13+s16+$0x0], $0xffff;
	v0 =	vadd.f32 v5, v0  }
0x3e5: {  	v15 =	vld.idx.msk [tilespmem:v13+s17+$0x0], $0xffff;
	v2 =	vsub.f32 v2, v47;
	v1 =	vadd.f32 v38, v37;
	v3 =	vand.u32 $0x7FFFFFFF, v3  }
0x3e6: {  	v29 =	vld [tilespmem:$0x1FC30];
	v0 =	vadd.f32 v3, v0  }
0x3e7: {  	v18 =	vld.idx.msk [tilespmem:v17+s16+$0x0], $0xffff;
	v1 =	vsub.f32 v1, v51;
	v4 =	vadd.f32 v42, v41;
	v2 =	vand.u32 $0x7FFFFFFF, v2  }
0x3e8: {  	v19 =	vld.idx.msk [tilespmem:v17+s17+$0x0], $0xffff;
	v0 =	vadd.f32 v2, v0  }
0x3e9: {  	v33 =	vld [tilespmem:$0x1FC10];
	v4 =	vsub.f32 v4, v55;
	v5 =	vadd.f32 v46, v45;
	v1 =	vand.u32 $0x7FFFFFFF, v1  }
0x3ea: {  	v22 =	vld.idx.msk [tilespmem:v21+s16+$0x0], $0xffff;
	v0 =	vadd.f32 v1, v0  }
0x3eb: {  	v23 =	vld.idx.msk [tilespmem:v21+s17+$0x0], $0xffff;
	v5 =	vsub.f32 v5, v60;
	v3 =	vadd.f32 v50, v49;
	v4 =	vand.u32 $0x7FFFFFFF, v4  }
0x3ec: {  	v37 =	vld [tilespmem:$0x1FBF0];
	v0 =	vadd.f32 v4, v0  }
0x3ed: {  	v26 =	vld.idx.msk [tilespmem:v25+s16+$0x0], $0xffff;
	v3 =	vsub.f32 v3, v12;
	v2 =	vadd.f32 v54, v53;
	v5 =	vand.u32 $0x7FFFFFFF, v5  }
0x3ee: {  	v27 =	vld.idx.msk [tilespmem:v25+s17+$0x0], $0xffff;
	v0 =	vadd.f32 v5, v0  }
0x3ef: {  	v41 =	vld [tilespmem:$0x1FC60];
	v2 =	vsub.f32 v2, v16;
	v1 =	vadd.f32 v59, v58;
	v3 =	vand.u32 $0x7FFFFFFF, v3  }
0x3f0: {  	v42 =	vld [tilespmem:$0x1FBD0];
	v0 =	vadd.f32 v3, v0  }
0x3f1: {  	v30 =	vld.idx.msk [tilespmem:v29+s16+$0x0], $0xffff;
	v1 =	vsub.f32 v1, v20;
	v4 =	vadd.f32 v63, v62;
	v2 =	vand.u32 $0x7FFFFFFF, v2  }
0x3f2: {  	v31 =	vld.idx.msk [tilespmem:v29+s17+$0x0], $0xffff;
	v0 =	vadd.f32 v2, v0  }
0x3f3: {  	v45 =	vld [tilespmem:$0x1FC40];
	v4 =	vsub.f32 v4, v24;
	v5 =	vadd.f32 v15, v14;
	v1 =	vand.u32 $0x7FFFFFFF, v1  }
0x3f4: {  	v46 =	vld [tilespmem:$0x1FBB0];
	v0 =	vadd.f32 v1, v0  }
0x3f5: {  	v34 =	vld.idx.msk [tilespmem:v33+s16+$0x0], $0xffff;
	v5 =	vsub.f32 v5, v28;
	v3 =	vadd.f32 v19, v18;
	v4 =	vand.u32 $0x7FFFFFFF, v4  }
0x3f6: {  	v35 =	vld.idx.msk [tilespmem:v33+s17+$0x0], $0xffff;
	v0 =	vadd.f32 v4, v0  }
0x3f7: {  	v49 =	vld [tilespmem:$0x1FC20];
	v3 =	vsub.f32 v3, v32;
	v2 =	vadd.f32 v23, v22;
	v5 =	vand.u32 $0x7FFFFFFF, v5  }
0x3f8: {  	v38 =	vld.idx.msk [tilespmem:v37+s16+$0x0], $0xffff;
	v0 =	vadd.f32 v5, v0  }
0x3f9: {  	v40 =	vld.idx.msk [tilespmem:v37+s17+$0x0], $0xffff;
	v2 =	vsub.f32 v2, v36;
	v1 =	vadd.f32 v27, v26;
	v3 =	vand.u32 $0x7FFFFFFF, v3  }
0x3fa: {  	v39 =	vor.u32 $0x3F, v6;
	v53 =	vld [tilespmem:$0x1FBE0];
	v0 =	vadd.f32 v3, v0  }
0x3fb: {  	v43 =	vld.idx.msk [tilespmem:v42+s16+$0x0], $0xffff;
	v1 =	vsub.f32 v1, v41;
	v4 =	vadd.f32 v31, v30;
	v2 =	vand.u32 $0x7FFFFFFF, v2  }
0x3fc: {  	v44 =	vld.idx.msk [tilespmem:v42+s17+$0x0], $0xffff;
	v0 =	vadd.f32 v2, v0  }
0x3fd: {  	v47 =	vld.idx.msk [tilespmem:v46+s16+$0x0], $0xffff;
	v4 =	vsub.f32 v4, v45;
	v5 =	vadd.f32 v35, v34;
	v1 =	vand.u32 $0x7FFFFFFF, v1  }
0x3fe: {  	v48 =	vld.idx.msk [tilespmem:v46+s17+$0x0], $0xffff;
	v0 =	vadd.f32 v1, v0  }
0x3ff: {  	v51 =	vld.idx.msk [tilespmem:v39+s17+$0x0], $0xffff;
	v6 =	vadd.f32 v40, v38;
	v5 =	vsub.f32 v5, v49;
	v4 =	vand.u32 $0x7FFFFFFF, v4  }
0x400: {  	v50 =	vld.idx.msk [tilespmem:v39+s16+$0x0], $0xffff;
	v0 =	vadd.f32 v4, v0  }
0x401: {  	v6 =	vsub.f32 v6, v52;
	v2 =	vadd.f32 v44, v43;
	v5 =	vand.u32 $0x7FFFFFFF, v5  }
0x402: {  	v3 =	vld.idx.msk [tilespmem:v39+s18+$0x0], $0xffff;
	v0 =	vadd.f32 v5, v0  }
0x403: {  	s22 =	sadd.s32 $0x10, s23;
	v54 =	vand.u32 $0x7FFFFFFF, v6;
	v2 =	vsub.f32 v2, v53;
	v1 =	vadd.f32 v48, v47  }
0x404: {  	s21 =	sadd.s32 $0x10, s21;
	v55 =	vld [tilespmem:s22+$0x0];
	v0 =	vadd.f32 v54, v0  }
0x405: {  	v58 =	vld [tilespmem:s21+$0x0];
	v1 =	vsub.f32 v1, v57;
	v4 =	vadd.f32 v51, v50;
	v2 =	vand.u32 $0x7FFFFFFF, v2  }
0x406: {  	s19 =	sadd.s32 $0x10, s19;
	v0 =	vadd.f32 v2, v0  }
0x407: {  	v60 =	vld [tilespmem:s19+$0x0];
	v59 =	vsub.f32 v4, v3;
	v1 =	vand.u32 $0x7FFFFFFF, v1  }
0x408: {  	v0 =	vadd.f32 v1, v0  }
0x409: {  	v61 =	vand.u32 $0x7FFFFFFF, v59  }
0x40a: {  	v62 =	vadd.f32 v55, v58;
	v0 =	vadd.f32 v61, v0;
	_ =	sdelay $0x1  }
0x40b: {  	v63 =	vadd.f32 v60, v62;
	v0 =	vsub.f32 $9.000000000e+00, v0;
	_ =	sdelay $0x1  }
0x40c: {  	s3 =	sadd.s32 $0x1, s3;
	v0 =	vadd.f32 v0, v63  }
0x40d: {  	s28 =	sadd.s32 $0x10, s20;
	p0 =	sne.s32 s3, s11  }
.Ltmp1:
0x40e: {  	[tilespmem:s28+$0x0] =	vst v0;
	(pc) =	sbr.rel @p0 .LBB2_1-.Ltmp1, $4  }
0x40f: {  	[hbm4b:s10+s2] =	stream.linear.scatter [tilespmem:s29], [sflag:$0x2], $0x200, $0x38;
	[tilespmem:$0x18E00] =	vst v63  }
0x410: {  	_ =	swait.ge [sflag:s12], $0x200  }
0x411: {  	[sflag:s12] =	ssyncset.done $0x0  }
0x412: {  	[sflag:s12] =	ssyncadd.s32 $0xFFFFFE00  }
0x413: {  	_ =	sfence.sel $0x180000  }
0x414: {  	[bflag:$0x0] =	sbarrier.arrive $0xFFFF  }
0x415: {  	_ =	strace $0x90000047  }
0x416: {  	s0 =	stileid.u32;
	[bflag:$0x2] =	sbarrier.arrive $0xFFFF  }
0x417: {  	p0 =	sne.s32 s0, $0x0;
	s0 =	rddreg [dreg:$0x6]  }
0x418: {  	s0 =	sadd.s32 @!p0 $0x100000, s0  }
0x419: {  	[sflag:s0] =	ssyncadd.tile.s32 @!p0 $0x1;
	_ =	shalt  }
.Lfunc_end2:
_tile_overlayer_lowered:
.L_overlay_start_2:
0x41a: {  	(tag) =	ssettag $0x2  }
0x41b: {  	s0 =	rddreg [dreg:$0x0];
	s2 =	stileid.u32  }
0x41c: {  	s1 =	rddreg [dreg:$0x1];
	p0 =	sne.s32 s2, $0x0  }
0x41d: {  	s3 =	rddreg [dreg:$0x2];
	[bflag:$0x3] =	sbarrier.arrive $0xFFFF;
	s2 =	simm.s32 @!p0 $0x1C02  }
0x41e: {  	[timem:s3], [sflag:s2] =	dma.local @!p0 [hbm:s0], s1  }
0x41f: {  	s0 =	simm.s32 @!p0 $0x2  }
0x420: {  	_ =	swait.ge @!p0 [sflag:s0], s1  }
0x421: {  	s1 =	ssub.s32 @!p0 $0x0, s1;
	[sflag:s0] =	ssyncset.done @!p0 $0x0  }
0x422: {  	[sflag:s0] =	ssyncadd.s32 @!p0 s1  }
0x423: {  	[bflag:$0x3] =	sbarrier.arrive $0xFFFF  }
0x424: {  	_ =	shalt  }

</sc_bundles>
